<compile_context>
chip_gen: v7x
topology: tpu7x:2x2x1
jax: 0.10.2.dev20260603
libtpu: 0.0.44.dev20260713+nightly
codegen_flags: <defaults>
</compile_context>

<pallas_src>
import functools

import jax
import jax.numpy as jnp
from jax import lax
from jax.experimental import pallas as pl
from jax.experimental.pallas import tpu as pltpu
from jax.experimental.pallas import tpu_sc as plsc

N = 10000
E = 320000
HID = 128
HHALF = HID // 2
IN_DIM = 64
NCLS = 8
NLAYER = 4

NCORES = 2
NSUB = 16
CHUNK = 128
NCHT = 160
EPAD = NSUB * NCHT * CHUNK
NBUF = 5
RND = NCHT // NBUF
DEGC = NCHT // NCORES
DEGG = 8
NPAD = 10240
ROWS_PT = NPAD // NSUB
WCH = 128

_SC_PARAMS = pltpu.CompilerParams(use_tc_tiling_on_sc=False)


def _sc_init_body(h3, emb_st, dsts, x0, degp, hbuf, rows, idxd, ones_v,
                  degbuf, embbuf, embsh, degacc, semg, sems):
    c = lax.axis_index("c")
    s = lax.axis_index("s")

    pltpu.sync_copy(dsts.at[s], idxd)

    @pl.when(s == 0)
    def _():
        pltpu.sync_copy(emb_st.at[c], embbuf)
        pltpu.sync_copy(embbuf, embsh)
    pltpu.sync_copy(h3.at[s], hbuf)
    plsc.subcore_barrier()

    cps = [pltpu.async_copy(embsh.at[hbuf.at[k]], rows.at[k], semg)
           for k in range(5)]

    @pl.loop(0, CHUNK)
    def _(i):
        ones_v[i, :] = jnp.ones((16,), jnp.float32)

    @pl.loop(0, ROWS_PT)
    def _(i):
        degbuf[i, :] = jnp.zeros((16,), jnp.float32)

    pltpu.sync_copy(degbuf, degacc.at[pl.ds(s * ROWS_PT, ROWS_PT)])
    plsc.subcore_barrier()

    for cp in cps:
        cp.wait()
    pltpu.sync_copy(rows, x0.at[c, s])

    @pl.loop(0, DEGC // DEGG)
    def _(g):
        ds_ = [pltpu.async_copy(
            ones_v, degacc.at[idxd.at[c * DEGC + DEGG * g + i]], sems,
            add=True)
               for i in range(DEGG)]
        for d in ds_:
            d.wait()

    plsc.subcore_barrier()

    pltpu.sync_copy(degacc.at[pl.ds(s * ROWS_PT, ROWS_PT)], degbuf)
    pltpu.sync_copy(degbuf, degp.at[c].at[pl.ds(s * ROWS_PT, ROWS_PT)])


@functools.lru_cache(maxsize=None)
def _make_sc_init():
    mesh = plsc.VectorSubcoreMesh(core_axis_name="c", subcore_axis_name="s",
                                  num_cores=NCORES, num_subcores=NSUB)
    return pl.kernel(
        _sc_init_body,
        out_type=(
            jax.ShapeDtypeStruct((NCORES, NSUB, 5, WCH, HHALF), jnp.float32),
            jax.ShapeDtypeStruct((NCORES, NPAD, 16), jnp.float32),
        ),
        mesh=mesh,
        compiler_params=_SC_PARAMS,
        scratch_types=[
            pltpu.VMEM((5, WCH), jnp.int32),
            pltpu.VMEM((5, WCH, HHALF), jnp.float32),
            pltpu.VMEM((NCHT, CHUNK), jnp.int32),
            pltpu.VMEM((CHUNK, 16), jnp.float32),
            pltpu.VMEM((ROWS_PT, 16), jnp.float32),
            pltpu.VMEM((IN_DIM, HHALF), jnp.float32),
            pltpu.VMEM_SHARED((IN_DIM, HHALF), jnp.float32),
            pltpu.VMEM_SHARED((NPAD, 16), jnp.float32),
            pltpu.SemaphoreType.DMA,
            pltpu.SemaphoreType.DMA,
        ],
    )


def _sc_spmm_body(x_st, srcs, dsts, parts, idxs, idxd, rows, zbuf,
                  acc, semg, sems):
    c = lax.axis_index("c")
    s = lax.axis_index("s")

    pltpu.sync_copy(srcs.at[s], idxs)
    pltpu.sync_copy(dsts.at[s], idxd)

    @pl.loop(0, WCH * (HHALF // 16))
    def _(i):
        zbuf[i // (HHALF // 16), pl.ds((i % (HHALF // 16)) * 16, 16)] = (
            jnp.zeros((16,), jnp.float32))

    for k in range(ROWS_PT // WCH):
        pltpu.sync_copy(zbuf, acc.at[pl.ds(s * ROWS_PT + k * WCH, WCH)])
    plsc.subcore_barrier()

    def _wait_gather(b):
        pltpu.make_async_copy(x_st.at[c].at[idxs.at[0]], rows.at[b],
                              semg[b]).wait()

    def _drain_scatter(b):
        pltpu.make_async_copy(rows.at[b], acc.at[idxd.at[0]], sems[b]).wait()

    for b in range(NBUF):
        pltpu.async_copy(x_st.at[c].at[idxs.at[b]], rows.at[b], semg[b])

    @pl.loop(0, RND - 1)
    def _(r):
        for b in range(NBUF):
            _wait_gather(b)
            pltpu.async_copy(rows.at[b], acc.at[idxd.at[NBUF * r + b]],
                             sems[b], add=True)
        for b in range(NBUF):
            _drain_scatter(b)
            pltpu.async_copy(x_st.at[c].at[idxs.at[NBUF * (r + 1) + b]],
                             rows.at[b], semg[b])

    for b in range(NBUF):
        _wait_gather(b)
        pltpu.async_copy(rows.at[b], acc.at[idxd.at[(RND - 1) * NBUF + b]],
                         sems[b], add=True)
    for b in range(NBUF):
        _drain_scatter(b)

    plsc.subcore_barrier()

    for k in range(ROWS_PT // WCH):
        base = s * ROWS_PT + k * WCH
        pltpu.sync_copy(acc.at[pl.ds(base, WCH)], zbuf)
        pltpu.sync_copy(zbuf, parts.at[c].at[pl.ds(base, WCH)])


@functools.lru_cache(maxsize=None)
def _make_sc_spmm():
    mesh = plsc.VectorSubcoreMesh(core_axis_name="c", subcore_axis_name="s",
                                  num_cores=NCORES, num_subcores=NSUB)
    return pl.kernel(
        _sc_spmm_body,
        out_type=jax.ShapeDtypeStruct((NCORES, NPAD, HHALF), jnp.float32),
        mesh=mesh,
        compiler_params=_SC_PARAMS,
        scratch_types=[
            pltpu.VMEM((NCHT, CHUNK), jnp.int32),
            pltpu.VMEM((NCHT, CHUNK), jnp.int32),
            pltpu.VMEM((NBUF, CHUNK, HHALF), jnp.float32),
            pltpu.VMEM((WCH, HHALF), jnp.float32),
            pltpu.VMEM_SHARED((NPAD, HHALF), jnp.float32),
            [pltpu.SemaphoreType.DMA] * NBUF,
            [pltpu.SemaphoreType.DMA] * NBUF,
        ],
    )


NHP = NPAD // 2
BP = 2560


def _mm(a, b):
    return jnp.dot(a, b, preferred_element_type=jnp.float32)


def _sigmoid(v):
    return 1.0 / (1.0 + jnp.exp(-v))


def _tc_update_body(parts_ref, degp_ref, x_ref, wg_ref, wa_ref, out_ref):
    p0, p1 = parts_ref[0], parts_ref[1]
    inv_a = (1.0 / jnp.maximum(degp_ref[0][:, 0] + degp_ref[1][:, 0], 1.0))[:, None]
    inv_b = (1.0 / jnp.maximum(degp_ref[0][:, 16] + degp_ref[1][:, 16], 1.0))[:, None]
    for half, inv in ((0, inv_a), (1, inv_b)):
        sl = slice(half * HHALF, half * HHALF + HHALF)
        agg_l = p0[:, sl] * inv
        agg_r = p1[:, sl] * inv
        g = _mm(agg_l, wg_ref[:HHALF]) + _mm(agg_r, wg_ref[HHALF:])
        zu = _sigmoid(g) * (_mm(agg_l, wa_ref[:HHALF]) + _mm(agg_r, wa_ref[HHALF:]))
        out_ref[0, :, sl] = x_ref[0][:, sl] + zu[:, :HHALF]
        out_ref[1, :, sl] = x_ref[1][:, sl] + zu[:, HHALF:]


_tc_update = pl.pallas_call(
    _tc_update_body,
    out_shape=jax.ShapeDtypeStruct((NCORES, NHP, HID), jnp.float32),
    grid=(NHP // BP,),
    in_specs=[
        pl.BlockSpec((NCORES, BP, HID), lambda i: (0, i, 0)),
        pl.BlockSpec((NCORES, BP, 32), lambda i: (0, i, 0)),
        pl.BlockSpec((NCORES, BP, HID), lambda i: (0, i, 0)),
        pl.BlockSpec((HID, HID), lambda i: (0, 0)),
        pl.BlockSpec((HID, HID), lambda i: (0, 0)),
    ],
    out_specs=pl.BlockSpec((NCORES, BP, HID), lambda i: (0, i, 0)),
    input_output_aliases={2: 0},
)


def _tc_readout_body(x_ref, w1_ref, b1_ref, w2_ref, b2_ref, out_ref):
    for half in (0, 1):
        sl = slice(half * HHALF, half * HHALF + HHALF)
        mid = jnp.maximum(
            _mm(x_ref[0][:, sl], w1_ref[:HHALF])
            + _mm(x_ref[1][:, sl], w1_ref[HHALF:]) + b1_ref[...], 0.0)
        out_ref[half] = _mm(mid, w2_ref[...]) + b2_ref[...]


_tc_readout = pl.pallas_call(
    _tc_readout_body,
    out_shape=jax.ShapeDtypeStruct((2, NHP, NCLS), jnp.float32),
    grid=(NHP // BP,),
    in_specs=[
        pl.BlockSpec((NCORES, BP, HID), lambda i: (0, i, 0)),
        pl.BlockSpec((HID, HID // 2), lambda i: (0, 0)),
        pl.BlockSpec((HID // 2,), lambda i: (0,)),
        pl.BlockSpec((HID // 2, NCLS), lambda i: (0, 0)),
        pl.BlockSpec((NCLS,), lambda i: (0,)),
    ],
    out_specs=pl.BlockSpec((2, BP, NCLS), lambda i: (0, i, 0)),
)


def kernel(h, edge_index, e, emb_h, Wa, Wg, W1, b1, W2, b2):
    del e
    r_iota = jnp.arange(NPAD, dtype=jnp.int32)
    n_of_r = jnp.where(r_iota % 2 == 0, r_iota // 2, NHP + r_iota // 2)
    h_pad = jnp.concatenate(
        [h.astype(jnp.int32), jnp.zeros((NPAD - N,), jnp.int32)])
    h3 = h_pad[n_of_r].reshape(NSUB, 5, WCH)
    emb_st = jnp.stack([emb_h[:, :HHALF], emb_h[:, HHALF:]])

    def sigma(v):
        return jnp.where(v < NHP, 2 * v, 2 * (v - NHP) + 1)

    npad_e = EPAD - E
    pad_iota = jnp.arange(npad_e, dtype=jnp.int32)
    src_pad = pad_iota % N
    dst_pad = N + pad_iota % (NPAD - N)
    srcs = sigma(jnp.concatenate(
        [edge_index[0].astype(jnp.int32), src_pad])).reshape(NSUB, NCHT, CHUNK)
    dsts = sigma(jnp.concatenate(
        [edge_index[1].astype(jnp.int32), dst_pad])).reshape(NSUB, NCHT, CHUNK)

    sc_init = _make_sc_init()
    sc_spmm = _make_sc_spmm()
    x0_t, degp = sc_init(h3, emb_st, dsts)
    x_pk = x0_t.reshape(NCORES, NHP, HID)
    degp_pk = degp.reshape(NCORES, NHP, 32)

    def layer(l, x_pk):
        parts = sc_spmm(x_pk.reshape(NCORES, NPAD, HHALF), srcs, dsts)
        return _tc_update(parts.reshape(NCORES, NHP, HID), degp_pk, x_pk,
                          Wg[l], Wa[l])

    x_pk = lax.fori_loop(0, NLAYER, layer, x_pk)
    out2 = _tc_readout(x_pk, W1, b1, W2, b2)
    return out2.reshape(NPAD, NCLS)[:N]

# --- scband reference (transcript-rebuilt; emitter-appended) ---
"""Pipeline reference for scband-sggnnet-33062658245061 (READ-ONLY COPY).

The authoritative reference and input builder live on the scoring server;
editing this copy changes nothing except your own understanding.
"""

import jax, jax.numpy as jnp
import numpy as np

N = 10000
E = 320000
HID = 128
IN_DIM = 64
NC = 8
L = 4

def setup_inputs(seed: int = 0) -> dict:
    key = jax.random.key(seed)
    ks = jax.random.split(key, 10)
    h = jax.random.randint(ks[0], (N,), 0, IN_DIM)
    edge_index = jax.random.randint(ks[1], (2, E), 0, N)
    e = jax.random.normal(ks[2], (E, 1), dtype=jnp.float32)
    emb_h = jax.random.normal(ks[3], (IN_DIM, HID), dtype=jnp.float32) * 0.1
    Wa = jax.random.normal(ks[4], (L, HID, HID), dtype=jnp.float32) * (1.0 / np.sqrt(HID))
    Wg = jax.random.normal(ks[5], (L, HID, HID), dtype=jnp.float32) * (1.0 / np.sqrt(HID))
    W1 = jax.random.normal(ks[6], (HID, HID // 2), dtype=jnp.float32) * (1.0 / np.sqrt(HID))
    b1 = jnp.zeros((HID // 2,), dtype=jnp.float32)
    W2 = jax.random.normal(ks[7], (HID // 2, NC), dtype=jnp.float32) * (1.0 / np.sqrt(HID // 2))
    b2 = jnp.zeros((NC,), dtype=jnp.float32)
    return {"h": h, "edge_index": edge_index, "e": e, "emb_h": emb_h,
            "Wa": Wa, "Wg": Wg, "W1": W1, "b1": b1, "W2": W2, "b2": b2}

def reference(h, edge_index, e, emb_h, Wa, Wg, W1, b1, W2, b2):
    # embedding_h lookup (gather)
    x = jnp.take(emb_h, h, axis=0)
    # dropout p=0.0 -> identity; lap/wl pos enc disabled
    src = edge_index[0]
    dst = edge_index[1]
    # g.in_degrees() analog (scatter-add of ones)
    deg = jax.ops.segment_sum(jnp.ones((E,), dtype=jnp.float32), dst, num_segments=N)
    deg = jnp.maximum(deg, 1.0)[:, None]
    # L layers of SGGN_layer_withoutE (update_E=False; e unused, matching original forward
    # which never writes g.edata): degree-normalized neighbor aggregation + gated linear update
    for l in range(L):
        m = jnp.take(x, src, axis=0)                         # gather messages
        agg = jax.ops.segment_sum(m, dst, num_segments=N)    # scatter-add to dst
        agg = agg / deg
        z = jax.nn.sigmoid(agg @ Wg[l])
        x = x + z * (agg @ Wa[l])
    # MLPReadout: hidden -> hidden//2 -> n_classes
    mid = jax.nn.relu(x @ W1 + b1)
    return mid @ W2 + b2

if __name__ == "__main__":
    import jax
    _d = setup_inputs()
    print(jax.jit(kernel)(*tuple(_d.values())))

</pallas_src>

<mosaic_0001>
#map = affine_map<(d0, d1) -> (0, 0, 0)>
module attributes {stable_mosaic.version = 14 : i64} {
  func.func @_sc_spmm_body(%arg0: i32, %arg1: i32, %arg2: memref<2x10240x64xf32, #tpu.memory_space<hbm>>, %arg3: memref<16x160x128xi32, #tpu.memory_space<hbm>>, %arg4: memref<16x160x128xi32, #tpu.memory_space<hbm>>, %arg5: memref<2x10240x64xf32, #tpu.memory_space<hbm>>, %arg6: memref<160x128xi32, #tpu.memory_space<vmem>>, %arg7: memref<160x128xi32, #tpu.memory_space<vmem>>, %arg8: memref<5x128x64xf32, #tpu.memory_space<vmem>>, %arg9: memref<128x64xf32, #tpu.memory_space<vmem>>, %arg10: memref<10240x64xf32, #tpu.memory_space<vmem_shared>>, %arg11: memref<!tpu.dma_semaphore, #tpu.memory_space<semaphore_mem>>, %arg12: memref<!tpu.dma_semaphore, #tpu.memory_space<semaphore_mem>>, %arg13: memref<!tpu.dma_semaphore, #tpu.memory_space<semaphore_mem>>, %arg14: memref<!tpu.dma_semaphore, #tpu.memory_space<semaphore_mem>>, %arg15: memref<!tpu.dma_semaphore, #tpu.memory_space<semaphore_mem>>, %arg16: memref<!tpu.dma_semaphore, #tpu.memory_space<semaphore_mem>>, %arg17: memref<!tpu.dma_semaphore, #tpu.memory_space<semaphore_mem>>, %arg18: memref<!tpu.dma_semaphore, #tpu.memory_space<semaphore_mem>>, %arg19: memref<!tpu.dma_semaphore, #tpu.memory_space<semaphore_mem>>, %arg20: memref<!tpu.dma_semaphore, #tpu.memory_space<semaphore_mem>>) attributes {dimension_semantics = [#tpu.dimension_semantics<core_parallel>, #tpu.dimension_semantics<subcore_parallel>], iteration_bounds = array<i64: 2, 16>, scalar_prefetch = 0 : i64, scratch_operands = 15 : i64, tpu.core_type = #tpu.core_type<sc_vector_subcore>, window_params = [{transform_indices = #map}, {transform_indices = #map}, {transform_indices = #map}, {transform_indices = #map}]} {
    "tpu.region"() ({
      %run_scoped3A = tpu.sem_alloc : memref<!tpu.dma_semaphore, #tpu.memory_space<semaphore_mem>>
      %dma_start3A_326 = arith.constant 0 : i32
      %dma_start3A_327 = arith.constant 0 : i32
      %dma_start3A_328 = tpu.memref_slice %arg3[%arg1, %dma_start3A_326, %dma_start3A_327] : memref<16x160x128xi32, #tpu.memory_space<hbm>> -> memref<1x160x128xi32, #tpu.memory_space<hbm>>
      %dma_start3A_329 = tpu.memref_squeeze %dma_start3A_328 : memref<1x160x128xi32, #tpu.memory_space<hbm>> -> memref<160x128xi32, #tpu.memory_space<hbm>>
      %dma_start3A_330 = arith.constant 0 : i32
      %dma_start3A_331 = arith.constant 0 : i32
      %dma_start3A_332 = tpu.memref_slice %arg3[%arg1, %dma_start3A_330, %dma_start3A_331] : memref<16x160x128xi32, #tpu.memory_space<hbm>> -> memref<1x160x128xi32, #tpu.memory_space<hbm>>
      %dma_start3A_333 = tpu.memref_squeeze %dma_start3A_332 : memref<1x160x128xi32, #tpu.memory_space<hbm>> -> memref<160x128xi32, #tpu.memory_space<hbm>>
      tpu.enqueue_dma source(%dma_start3A_333 : memref<160x128xi32, #tpu.memory_space<hbm>>) target(%arg6 : memref<160x128xi32, #tpu.memory_space<vmem>>) target_semaphore(%run_scoped3A : memref<!tpu.dma_semaphore, #tpu.memory_space<semaphore_mem>>)
      %dma_wait3A_334 = arith.constant 0 : i32
      %dma_wait3A_335 = arith.constant 0 : i32
      %dma_wait3A_336 = tpu.memref_slice %arg3[%arg1, %dma_wait3A_334, %dma_wait3A_335] : memref<16x160x128xi32, #tpu.memory_space<hbm>> -> memref<1x160x128xi32, #tpu.memory_space<hbm>>
      %dma_wait3A_337 = tpu.memref_squeeze %dma_wait3A_336 : memref<1x160x128xi32, #tpu.memory_space<hbm>> -> memref<160x128xi32, #tpu.memory_space<hbm>>
      %dma_wait3A_338 = arith.constant 0 : i32
      %dma_wait3A_339 = arith.constant 0 : i32
      %dma_wait3A_340 = tpu.memref_slice %arg3[%arg1, %dma_wait3A_338, %dma_wait3A_339] : memref<16x160x128xi32, #tpu.memory_space<hbm>> -> memref<1x160x128xi32, #tpu.memory_space<hbm>>
      %dma_wait3A_341 = tpu.memref_squeeze %dma_wait3A_340 : memref<1x160x128xi32, #tpu.memory_space<hbm>> -> memref<160x128xi32, #tpu.memory_space<hbm>>
      tpu.wait_dma2 semaphore(%run_scoped3A : memref<!tpu.dma_semaphore, #tpu.memory_space<semaphore_mem>>) src(%dma_wait3A_341 : memref<160x128xi32, #tpu.memory_space<hbm>>) dst(%arg6 : memref<160x128xi32, #tpu.memory_space<vmem>>)
      tpu.yield
    }) : () -> ()
    "tpu.region"() ({
      %run_scoped3A = tpu.sem_alloc : memref<!tpu.dma_semaphore, #tpu.memory_space<semaphore_mem>>
      %dma_start3A_326 = arith.constant 0 : i32
      %dma_start3A_327 = arith.constant 0 : i32
      %dma_start3A_328 = tpu.memref_slice %arg4[%arg1, %dma_start3A_326, %dma_start3A_327] : memref<16x160x128xi32, #tpu.memory_space<hbm>> -> memref<1x160x128xi32, #tpu.memory_space<hbm>>
      %dma_start3A_329 = tpu.memref_squeeze %dma_start3A_328 : memref<1x160x128xi32, #tpu.memory_space<hbm>> -> memref<160x128xi32, #tpu.memory_space<hbm>>
      %dma_start3A_330 = arith.constant 0 : i32
      %dma_start3A_331 = arith.constant 0 : i32
      %dma_start3A_332 = tpu.memref_slice %arg4[%arg1, %dma_start3A_330, %dma_start3A_331] : memref<16x160x128xi32, #tpu.memory_space<hbm>> -> memref<1x160x128xi32, #tpu.memory_space<hbm>>
      %dma_start3A_333 = tpu.memref_squeeze %dma_start3A_332 : memref<1x160x128xi32, #tpu.memory_space<hbm>> -> memref<160x128xi32, #tpu.memory_space<hbm>>
      tpu.enqueue_dma source(%dma_start3A_333 : memref<160x128xi32, #tpu.memory_space<hbm>>) target(%arg7 : memref<160x128xi32, #tpu.memory_space<vmem>>) target_semaphore(%run_scoped3A : memref<!tpu.dma_semaphore, #tpu.memory_space<semaphore_mem>>)
      %dma_wait3A_334 = arith.constant 0 : i32
      %dma_wait3A_335 = arith.constant 0 : i32
      %dma_wait3A_336 = tpu.memref_slice %arg4[%arg1, %dma_wait3A_334, %dma_wait3A_335] : memref<16x160x128xi32, #tpu.memory_space<hbm>> -> memref<1x160x128xi32, #tpu.memory_space<hbm>>
      %dma_wait3A_337 = tpu.memref_squeeze %dma_wait3A_336 : memref<1x160x128xi32, #tpu.memory_space<hbm>> -> memref<160x128xi32, #tpu.memory_space<hbm>>
      %dma_wait3A_338 = arith.constant 0 : i32
      %dma_wait3A_339 = arith.constant 0 : i32
      %dma_wait3A_340 = tpu.memref_slice %arg4[%arg1, %dma_wait3A_338, %dma_wait3A_339] : memref<16x160x128xi32, #tpu.memory_space<hbm>> -> memref<1x160x128xi32, #tpu.memory_space<hbm>>
      %dma_wait3A_341 = tpu.memref_squeeze %dma_wait3A_340 : memref<1x160x128xi32, #tpu.memory_space<hbm>> -> memref<160x128xi32, #tpu.memory_space<hbm>>
      tpu.wait_dma2 semaphore(%run_scoped3A : memref<!tpu.dma_semaphore, #tpu.memory_space<semaphore_mem>>) src(%dma_wait3A_341 : memref<160x128xi32, #tpu.memory_space<hbm>>) dst(%arg7 : memref<160x128xi32, #tpu.memory_space<vmem>>)
      tpu.yield
    }) : () -> ()
    %scan3A = arith.constant 0 : i32
    %scan3A_0 = arith.constant 512 : i32
    %scan3A_1 = arith.addi %scan3A, %scan3A_0 : i32
    %scan3A_2 = arith.constant 1 : i32
    scf.for %scan3A_326 = %scan3A to %scan3A_1 step %scan3A_2  : i32 {
      %mul3A_327 = arith.constant 1 : i32
      %mul3A_328 = arith.muli %scan3A_326, %mul3A_327 : i32
      %add3A_329 = arith.constant 0 : i32
      %add3A_330 = arith.addi %add3A_329, %mul3A_328 : i32
      %broadcast_in_dim3A = arith.constant 0.000000e+00 : f32
      %broadcast_in_dim3A_331 = vector.broadcast %broadcast_in_dim3A : f32 to vector<16xf32>
      %jit3A = arith.constant 4 : i32
      %div3A = arith.divsi %add3A_330, %jit3A : i32
      %sign3A = arith.constant 0 : i32
      %sign3A_332 = arith.cmpi sgt, %add3A_330, %sign3A : i32
      %sign3A_333 = arith.extui %sign3A_332 : i1 to i32
      %sign3A_334 = arith.constant 0 : i32
      %sign3A_335 = arith.cmpi slt, %add3A_330, %sign3A_334 : i32
      %sign3A_336 = arith.extui %sign3A_335 : i1 to i32
      %sign3A_337 = arith.subi %sign3A_333, %sign3A_336 : i32
      %sign3A_338 = arith.constant 0 : i32
      %sign3A_339 = arith.cmpi sgt, %jit3A, %sign3A_338 : i32
      %sign3A_340 = arith.extui %sign3A_339 : i1 to i32
      %sign3A_341 = arith.constant 0 : i32
      %sign3A_342 = arith.cmpi slt, %jit3A, %sign3A_341 : i32
      %sign3A_343 = arith.extui %sign3A_342 : i1 to i32
      %sign3A_344 = arith.subi %sign3A_340, %sign3A_343 : i32
      %ne3A = arith.cmpi ne, %sign3A_337, %sign3A_344 : i32
      %rem3A = arith.remsi %add3A_330, %jit3A : i32
      %ne3A_345 = arith.constant 0 : i32
      %ne3A_346 = arith.cmpi ne, %rem3A, %ne3A_345 : i32
      %and3A = arith.andi %ne3A, %ne3A_346 : i1
      %sub3A = arith.constant 1 : i32
      %sub3A_347 = arith.subi %div3A, %sub3A : i32
      %select_n3A = arith.select %and3A, %sub3A_347, %div3A : i32
      %jit3A_348 = arith.constant 4 : i32
      %eq3A = arith.constant 0 : i32
      %eq3A_349 = arith.cmpi eq, %jit3A_348, %eq3A : i32
      %jit3A_350 = arith.constant 1 : i32
      %select_n3A_351 = arith.select %eq3A_349, %jit3A_350, %jit3A_348 : i32
      %rem3A_352 = arith.remsi %add3A_330, %select_n3A_351 : i32
      %ne3A_353 = arith.constant 0 : i32
      %ne3A_354 = arith.cmpi ne, %rem3A_352, %ne3A_353 : i32
      %lt3A = arith.constant 0 : i32
      %lt3A_355 = arith.cmpi slt, %rem3A_352, %lt3A : i32
      %lt3A_356 = arith.constant 0 : i32
      %lt3A_357 = arith.cmpi slt, %select_n3A_351, %lt3A_356 : i32
      %ne3A_358 = arith.xori %lt3A_355, %lt3A_357 : i1
      %and3A_359 = arith.andi %ne3A_358, %ne3A_354 : i1
      %add3A_360 = arith.addi %rem3A_352, %select_n3A_351 : i32
      %select_n3A_361 = arith.select %and3A_359, %add3A_360, %rem3A_352 : i32
      %mul3A_362 = arith.constant 16 : i32
      %mul3A_363 = arith.muli %select_n3A_361, %mul3A_362 : i32
      %swap3A = arith.index_cast %select_n3A : i32 to index
      %swap3A_364 = arith.index_cast %mul3A_363 : i32 to index
      %swap3A_365 = tpu.vector_load %arg9[%swap3A, %swap3A_364] {strides = array<i32>} : memref<128x64xf32, #tpu.memory_space<vmem>>, vector<1x16xf32>,
      %swap3A_366 = vector.shape_cast %swap3A_365 : vector<1x16xf32> to vector<16xf32>
      %swap3A_367 = vector.shape_cast %broadcast_in_dim3A_331 : vector<16xf32> to vector<1x16xf32>
      tpu.vector_store %arg9[%swap3A, %swap3A_364], %swap3A_367 {strides = array<i32>} : memref<128x64xf32, #tpu.memory_space<vmem>>, vector<1x16xf32>,
    }
    %scan3A_3 = arith.constant 512 : i32
    %mul3A = arith.constant 640 : i32
    %mul3A_4 = arith.muli %arg1, %mul3A : i32
    %add3A = arith.constant 0 : i32
    %add3A_5 = arith.addi %mul3A_4, %add3A : i32
    "tpu.region"() ({
      %run_scoped3A = tpu.sem_alloc : memref<!tpu.dma_semaphore, #tpu.memory_space<semaphore_mem>>
      %dma_start3A_326 = arith.constant 0 : i32
      %dma_start3A_327 = tpu.memref_slice %arg10[%add3A_5, %dma_start3A_326] : memref<10240x64xf32, #tpu.memory_space<vmem_shared>> -> memref<128x64xf32, #tpu.memory_space<vmem_shared>>
      %dma_start3A_328 = arith.constant 0 : i32
      %dma_start3A_329 = tpu.memref_slice %arg10[%add3A_5, %dma_start3A_328] : memref<10240x64xf32, #tpu.memory_space<vmem_shared>> -> memref<128x64xf32, #tpu.memory_space<vmem_shared>>
      tpu.enqueue_dma source(%arg9 : memref<128x64xf32, #tpu.memory_space<vmem>>) target(%dma_start3A_329 : memref<128x64xf32, #tpu.memory_space<vmem_shared>>) target_semaphore(%run_scoped3A : memref<!tpu.dma_semaphore, #tpu.memory_space<semaphore_mem>>)
      %dma_wait3A_330 = arith.constant 0 : i32
      %dma_wait3A_331 = tpu.memref_slice %arg10[%add3A_5, %dma_wait3A_330] : memref<10240x64xf32, #tpu.memory_space<vmem_shared>> -> memref<128x64xf32, #tpu.memory_space<vmem_shared>>
      %dma_wait3A_332 = arith.constant 0 : i32
      %dma_wait3A_333 = tpu.memref_slice %arg10[%add3A_5, %dma_wait3A_332] : memref<10240x64xf32, #tpu.memory_space<vmem_shared>> -> memref<128x64xf32, #tpu.memory_space<vmem_shared>>
      tpu.wait_dma2 semaphore(%run_scoped3A : memref<!tpu.dma_semaphore, #tpu.memory_space<semaphore_mem>>) src(%arg9 : memref<128x64xf32, #tpu.memory_space<vmem>>) dst(%dma_wait3A_333 : memref<128x64xf32, #tpu.memory_space<vmem_shared>>)
      tpu.yield
    }) : () -> ()
    %mul3A_6 = arith.constant 640 : i32
    %mul3A_7 = arith.muli %arg1, %mul3A_6 : i32
    %add3A_8 = arith.constant 128 : i32
    %add3A_9 = arith.addi %mul3A_7, %add3A_8 : i32
    "tpu.region"() ({
      %run_scoped3A = tpu.sem_alloc : memref<!tpu.dma_semaphore, #tpu.memory_space<semaphore_mem>>
      %dma_start3A_326 = arith.constant 0 : i32
      %dma_start3A_327 = tpu.memref_slice %arg10[%add3A_9, %dma_start3A_326] : memref<10240x64xf32, #tpu.memory_space<vmem_shared>> -> memref<128x64xf32, #tpu.memory_space<vmem_shared>>
      %dma_start3A_328 = arith.constant 0 : i32
      %dma_start3A_329 = tpu.memref_slice %arg10[%add3A_9, %dma_start3A_328] : memref<10240x64xf32, #tpu.memory_space<vmem_shared>> -> memref<128x64xf32, #tpu.memory_space<vmem_shared>>
      tpu.enqueue_dma source(%arg9 : memref<128x64xf32, #tpu.memory_space<vmem>>) target(%dma_start3A_329 : memref<128x64xf32, #tpu.memory_space<vmem_shared>>) target_semaphore(%run_scoped3A : memref<!tpu.dma_semaphore, #tpu.memory_space<semaphore_mem>>)
      %dma_wait3A_330 = arith.constant 0 : i32
      %dma_wait3A_331 = tpu.memref_slice %arg10[%add3A_9, %dma_wait3A_330] : memref<10240x64xf32, #tpu.memory_space<vmem_shared>> -> memref<128x64xf32, #tpu.memory_space<vmem_shared>>
      %dma_wait3A_332 = arith.constant 0 : i32
      %dma_wait3A_333 = tpu.memref_slice %arg10[%add3A_9, %dma_wait3A_332] : memref<10240x64xf32, #tpu.memory_space<vmem_shared>> -> memref<128x64xf32, #tpu.memory_space<vmem_shared>>
      tpu.wait_dma2 semaphore(%run_scoped3A : memref<!tpu.dma_semaphore, #tpu.memory_space<semaphore_mem>>) src(%arg9 : memref<128x64xf32, #tpu.memory_space<vmem>>) dst(%dma_wait3A_333 : memref<128x64xf32, #tpu.memory_space<vmem_shared>>)
      tpu.yield
    }) : () -> ()
    %mul3A_10 = arith.constant 640 : i32
    %mul3A_11 = arith.muli %arg1, %mul3A_10 : i32
    %add3A_12 = arith.constant 256 : i32
    %add3A_13 = arith.addi %mul3A_11, %add3A_12 : i32
    "tpu.region"() ({
      %run_scoped3A = tpu.sem_alloc : memref<!tpu.dma_semaphore, #tpu.memory_space<semaphore_mem>>
      %dma_start3A_326 = arith.constant 0 : i32
      %dma_start3A_327 = tpu.memref_slice %arg10[%add3A_13, %dma_start3A_326] : memref<10240x64xf32, #tpu.memory_space<vmem_shared>> -> memref<128x64xf32, #tpu.memory_space<vmem_shared>>
      %dma_start3A_328 = arith.constant 0 : i32
      %dma_start3A_329 = tpu.memref_slice %arg10[%add3A_13, %dma_start3A_328] : memref<10240x64xf32, #tpu.memory_space<vmem_shared>> -> memref<128x64xf32, #tpu.memory_space<vmem_shared>>
      tpu.enqueue_dma source(%arg9 : memref<128x64xf32, #tpu.memory_space<vmem>>) target(%dma_start3A_329 : memref<128x64xf32, #tpu.memory_space<vmem_shared>>) target_semaphore(%run_scoped3A : memref<!tpu.dma_semaphore, #tpu.memory_space<semaphore_mem>>)
      %dma_wait3A_330 = arith.constant 0 : i32
      %dma_wait3A_331 = tpu.memref_slice %arg10[%add3A_13, %dma_wait3A_330] : memref<10240x64xf32, #tpu.memory_space<vmem_shared>> -> memref<128x64xf32, #tpu.memory_space<vmem_shared>>
      %dma_wait3A_332 = arith.constant 0 : i32
      %dma_wait3A_333 = tpu.memref_slice %arg10[%add3A_13, %dma_wait3A_332] : memref<10240x64xf32, #tpu.memory_space<vmem_shared>> -> memref<128x64xf32, #tpu.memory_space<vmem_shared>>
      tpu.wait_dma2 semaphore(%run_scoped3A : memref<!tpu.dma_semaphore, #tpu.memory_space<semaphore_mem>>) src(%arg9 : memref<128x64xf32, #tpu.memory_space<vmem>>) dst(%dma_wait3A_333 : memref<128x64xf32, #tpu.memory_space<vmem_shared>>)
      tpu.yield
    }) : () -> ()
    %mul3A_14 = arith.constant 640 : i32
    %mul3A_15 = arith.muli %arg1, %mul3A_14 : i32
    %add3A_16 = arith.constant 384 : i32
    %add3A_17 = arith.addi %mul3A_15, %add3A_16 : i32
    "tpu.region"() ({
      %run_scoped3A = tpu.sem_alloc : memref<!tpu.dma_semaphore, #tpu.memory_space<semaphore_mem>>
      %dma_start3A_326 = arith.constant 0 : i32
      %dma_start3A_327 = tpu.memref_slice %arg10[%add3A_17, %dma_start3A_326] : memref<10240x64xf32, #tpu.memory_space<vmem_shared>> -> memref<128x64xf32, #tpu.memory_space<vmem_shared>>
      %dma_start3A_328 = arith.constant 0 : i32
      %dma_start3A_329 = tpu.memref_slice %arg10[%add3A_17, %dma_start3A_328] : memref<10240x64xf32, #tpu.memory_space<vmem_shared>> -> memref<128x64xf32, #tpu.memory_space<vmem_shared>>
      tpu.enqueue_dma source(%arg9 : memref<128x64xf32, #tpu.memory_space<vmem>>) target(%dma_start3A_329 : memref<128x64xf32, #tpu.memory_space<vmem_shared>>) target_semaphore(%run_scoped3A : memref<!tpu.dma_semaphore, #tpu.memory_space<semaphore_mem>>)
      %dma_wait3A_330 = arith.constant 0 : i32
      %dma_wait3A_331 = tpu.memref_slice %arg10[%add3A_17, %dma_wait3A_330] : memref<10240x64xf32, #tpu.memory_space<vmem_shared>> -> memref<128x64xf32, #tpu.memory_space<vmem_shared>>
      %dma_wait3A_332 = arith.constant 0 : i32
      %dma_wait3A_333 = tpu.memref_slice %arg10[%add3A_17, %dma_wait3A_332] : memref<10240x64xf32, #tpu.memory_space<vmem_shared>> -> memref<128x64xf32, #tpu.memory_space<vmem_shared>>
      tpu.wait_dma2 semaphore(%run_scoped3A : memref<!tpu.dma_semaphore, #tpu.memory_space<semaphore_mem>>) src(%arg9 : memref<128x64xf32, #tpu.memory_space<vmem>>) dst(%dma_wait3A_333 : memref<128x64xf32, #tpu.memory_space<vmem_shared>>)
      tpu.yield
    }) : () -> ()
    %mul3A_18 = arith.constant 640 : i32
    %mul3A_19 = arith.muli %arg1, %mul3A_18 : i32
    %add3A_20 = arith.constant 512 : i32
    %add3A_21 = arith.addi %mul3A_19, %add3A_20 : i32
    "tpu.region"() ({
      %run_scoped3A = tpu.sem_alloc : memref<!tpu.dma_semaphore, #tpu.memory_space<semaphore_mem>>
      %dma_start3A_326 = arith.constant 0 : i32
      %dma_start3A_327 = tpu.memref_slice %arg10[%add3A_21, %dma_start3A_326] : memref<10240x64xf32, #tpu.memory_space<vmem_shared>> -> memref<128x64xf32, #tpu.memory_space<vmem_shared>>
      %dma_start3A_328 = arith.constant 0 : i32
      %dma_start3A_329 = tpu.memref_slice %arg10[%add3A_21, %dma_start3A_328] : memref<10240x64xf32, #tpu.memory_space<vmem_shared>> -> memref<128x64xf32, #tpu.memory_space<vmem_shared>>
      tpu.enqueue_dma source(%arg9 : memref<128x64xf32, #tpu.memory_space<vmem>>) target(%dma_start3A_329 : memref<128x64xf32, #tpu.memory_space<vmem_shared>>) target_semaphore(%run_scoped3A : memref<!tpu.dma_semaphore, #tpu.memory_space<semaphore_mem>>)
      %dma_wait3A_330 = arith.constant 0 : i32
      %dma_wait3A_331 = tpu.memref_slice %arg10[%add3A_21, %dma_wait3A_330] : memref<10240x64xf32, #tpu.memory_space<vmem_shared>> -> memref<128x64xf32, #tpu.memory_space<vmem_shared>>
      %dma_wait3A_332 = arith.constant 0 : i32
      %dma_wait3A_333 = tpu.memref_slice %arg10[%add3A_21, %dma_wait3A_332] : memref<10240x64xf32, #tpu.memory_space<vmem_shared>> -> memref<128x64xf32, #tpu.memory_space<vmem_shared>>
      tpu.wait_dma2 semaphore(%run_scoped3A : memref<!tpu.dma_semaphore, #tpu.memory_space<semaphore_mem>>) src(%arg9 : memref<128x64xf32, #tpu.memory_space<vmem>>) dst(%dma_wait3A_333 : memref<128x64xf32, #tpu.memory_space<vmem_shared>>)
      tpu.yield
    }) : () -> ()
    %barrier3A = arith.constant 0 : index
    tpu.barrier barrier_id(%barrier3A)
    %dma_start3A = arith.constant 0 : i32
    %dma_start3A_22 = arith.constant 0 : i32
    %dma_start3A_23 = arith.constant 0 : i32
    %dma_start3A_24 = arith.constant 0 : i32
    %dma_start3A_25 = tpu.memref_slice %arg8[%dma_start3A_22, %dma_start3A_23, %dma_start3A_24] : memref<5x128x64xf32, #tpu.memory_space<vmem>> -> memref<1x128x64xf32, #tpu.memory_space<vmem>>
    %dma_start3A_26 = tpu.memref_squeeze %dma_start3A_25 : memref<1x128x64xf32, #tpu.memory_space<vmem>> -> memref<128x64xf32, #tpu.memory_space<vmem>>
    %dma_start3A_27 = arith.constant 0 : i32
    %dma_start3A_28 = tpu.memref_slice %arg6[%dma_start3A, %dma_start3A_27] : memref<160x128xi32, #tpu.memory_space<vmem>> -> memref<1x128xi32, #tpu.memory_space<vmem>>
    %dma_start3A_29 = tpu.memref_squeeze %dma_start3A_28 : memref<1x128xi32, #tpu.memory_space<vmem>> -> memref<128xi32, #tpu.memory_space<vmem>>
    %dma_start3A_30 = arith.constant 0 : i32
    %dma_start3A_31 = arith.constant 0 : i32
    %dma_start3A_32 = tpu.memref_slice %arg2[%arg0, %dma_start3A_30, %dma_start3A_31] : memref<2x10240x64xf32, #tpu.memory_space<hbm>> -> memref<1x10240x64xf32, #tpu.memory_space<hbm>>
    %dma_start3A_33 = tpu.memref_squeeze %dma_start3A_32 : memref<1x10240x64xf32, #tpu.memory_space<hbm>> -> memref<10240x64xf32, #tpu.memory_space<hbm>>
    %dma_start3A_34 = arith.constant 0 : i32
    %dma_start3A_35 = arith.constant 0 : i32
    %dma_start3A_36 = tpu.memref_slice %dma_start3A_33[%dma_start3A_34, %dma_start3A_35] : memref<10240x64xf32, #tpu.memory_space<hbm>> -> memref<10240x64xf32, #tpu.memory_space<hbm>>
    tpu.enqueue_indirect_dma source(%dma_start3A_36 : memref<10240x64xf32, #tpu.memory_space<hbm>>) target(%dma_start3A_26 : memref<128x64xf32, #tpu.memory_space<vmem>>) offsets(%dma_start3A_29 : memref<128xi32, #tpu.memory_space<vmem>>) semaphore(%arg11 : memref<!tpu.dma_semaphore, #tpu.memory_space<semaphore_mem>>)
    %dma_start3A_37 = arith.constant 1 : i32
    %dma_start3A_38 = arith.constant 1 : i32
    %dma_start3A_39 = arith.constant 0 : i32
    %dma_start3A_40 = arith.constant 0 : i32
    %dma_start3A_41 = tpu.memref_slice %arg8[%dma_start3A_38, %dma_start3A_39, %dma_start3A_40] : memref<5x128x64xf32, #tpu.memory_space<vmem>> -> memref<1x128x64xf32, #tpu.memory_space<vmem>>
    %dma_start3A_42 = tpu.memref_squeeze %dma_start3A_41 : memref<1x128x64xf32, #tpu.memory_space<vmem>> -> memref<128x64xf32, #tpu.memory_space<vmem>>
    %dma_start3A_43 = arith.constant 0 : i32
    %dma_start3A_44 = tpu.memref_slice %arg6[%dma_start3A_37, %dma_start3A_43] : memref<160x128xi32, #tpu.memory_space<vmem>> -> memref<1x128xi32, #tpu.memory_space<vmem>>
    %dma_start3A_45 = tpu.memref_squeeze %dma_start3A_44 : memref<1x128xi32, #tpu.memory_space<vmem>> -> memref<128xi32, #tpu.memory_space<vmem>>
    %dma_start3A_46 = arith.constant 0 : i32
    %dma_start3A_47 = arith.constant 0 : i32
    %dma_start3A_48 = tpu.memref_slice %arg2[%arg0, %dma_start3A_46, %dma_start3A_47] : memref<2x10240x64xf32, #tpu.memory_space<hbm>> -> memref<1x10240x64xf32, #tpu.memory_space<hbm>>
    %dma_start3A_49 = tpu.memref_squeeze %dma_start3A_48 : memref<1x10240x64xf32, #tpu.memory_space<hbm>> -> memref<10240x64xf32, #tpu.memory_space<hbm>>
    %dma_start3A_50 = arith.constant 0 : i32
    %dma_start3A_51 = arith.constant 0 : i32
    %dma_start3A_52 = tpu.memref_slice %dma_start3A_49[%dma_start3A_50, %dma_start3A_51] : memref<10240x64xf32, #tpu.memory_space<hbm>> -> memref<10240x64xf32, #tpu.memory_space<hbm>>
    tpu.enqueue_indirect_dma source(%dma_start3A_52 : memref<10240x64xf32, #tpu.memory_space<hbm>>) target(%dma_start3A_42 : memref<128x64xf32, #tpu.memory_space<vmem>>) offsets(%dma_start3A_45 : memref<128xi32, #tpu.memory_space<vmem>>) semaphore(%arg12 : memref<!tpu.dma_semaphore, #tpu.memory_space<semaphore_mem>>)
    %dma_start3A_53 = arith.constant 2 : i32
    %dma_start3A_54 = arith.constant 2 : i32
    %dma_start3A_55 = arith.constant 0 : i32
    %dma_start3A_56 = arith.constant 0 : i32
    %dma_start3A_57 = tpu.memref_slice %arg8[%dma_start3A_54, %dma_start3A_55, %dma_start3A_56] : memref<5x128x64xf32, #tpu.memory_space<vmem>> -> memref<1x128x64xf32, #tpu.memory_space<vmem>>
    %dma_start3A_58 = tpu.memref_squeeze %dma_start3A_57 : memref<1x128x64xf32, #tpu.memory_space<vmem>> -> memref<128x64xf32, #tpu.memory_space<vmem>>
    %dma_start3A_59 = arith.constant 0 : i32
    %dma_start3A_60 = tpu.memref_slice %arg6[%dma_start3A_53, %dma_start3A_59] : memref<160x128xi32, #tpu.memory_space<vmem>> -> memref<1x128xi32, #tpu.memory_space<vmem>>
    %dma_start3A_61 = tpu.memref_squeeze %dma_start3A_60 : memref<1x128xi32, #tpu.memory_space<vmem>> -> memref<128xi32, #tpu.memory_space<vmem>>
    %dma_start3A_62 = arith.constant 0 : i32
    %dma_start3A_63 = arith.constant 0 : i32
    %dma_start3A_64 = tpu.memref_slice %arg2[%arg0, %dma_start3A_62, %dma_start3A_63] : memref<2x10240x64xf32, #tpu.memory_space<hbm>> -> memref<1x10240x64xf32, #tpu.memory_space<hbm>>
    %dma_start3A_65 = tpu.memref_squeeze %dma_start3A_64 : memref<1x10240x64xf32, #tpu.memory_space<hbm>> -> memref<10240x64xf32, #tpu.memory_space<hbm>>
    %dma_start3A_66 = arith.constant 0 : i32
    %dma_start3A_67 = arith.constant 0 : i32
    %dma_start3A_68 = tpu.memref_slice %dma_start3A_65[%dma_start3A_66, %dma_start3A_67] : memref<10240x64xf32, #tpu.memory_space<hbm>> -> memref<10240x64xf32, #tpu.memory_space<hbm>>
    tpu.enqueue_indirect_dma source(%dma_start3A_68 : memref<10240x64xf32, #tpu.memory_space<hbm>>) target(%dma_start3A_58 : memref<128x64xf32, #tpu.memory_space<vmem>>) offsets(%dma_start3A_61 : memref<128xi32, #tpu.memory_space<vmem>>) semaphore(%arg13 : memref<!tpu.dma_semaphore, #tpu.memory_space<semaphore_mem>>)
    %dma_start3A_69 = arith.constant 3 : i32
    %dma_start3A_70 = arith.constant 3 : i32
    %dma_start3A_71 = arith.constant 0 : i32
    %dma_start3A_72 = arith.constant 0 : i32
    %dma_start3A_73 = tpu.memref_slice %arg8[%dma_start3A_70, %dma_start3A_71, %dma_start3A_72] : memref<5x128x64xf32, #tpu.memory_space<vmem>> -> memref<1x128x64xf32, #tpu.memory_space<vmem>>
    %dma_start3A_74 = tpu.memref_squeeze %dma_start3A_73 : memref<1x128x64xf32, #tpu.memory_space<vmem>> -> memref<128x64xf32, #tpu.memory_space<vmem>>
    %dma_start3A_75 = arith.constant 0 : i32
    %dma_start3A_76 = tpu.memref_slice %arg6[%dma_start3A_69, %dma_start3A_75] : memref<160x128xi32, #tpu.memory_space<vmem>> -> memref<1x128xi32, #tpu.memory_space<vmem>>
    %dma_start3A_77 = tpu.memref_squeeze %dma_start3A_76 : memref<1x128xi32, #tpu.memory_space<vmem>> -> memref<128xi32, #tpu.memory_space<vmem>>
    %dma_start3A_78 = arith.constant 0 : i32
    %dma_start3A_79 = arith.constant 0 : i32
    %dma_start3A_80 = tpu.memref_slice %arg2[%arg0, %dma_start3A_78, %dma_start3A_79] : memref<2x10240x64xf32, #tpu.memory_space<hbm>> -> memref<1x10240x64xf32, #tpu.memory_space<hbm>>
    %dma_start3A_81 = tpu.memref_squeeze %dma_start3A_80 : memref<1x10240x64xf32, #tpu.memory_space<hbm>> -> memref<10240x64xf32, #tpu.memory_space<hbm>>
    %dma_start3A_82 = arith.constant 0 : i32
    %dma_start3A_83 = arith.constant 0 : i32
    %dma_start3A_84 = tpu.memref_slice %dma_start3A_81[%dma_start3A_82, %dma_start3A_83] : memref<10240x64xf32, #tpu.memory_space<hbm>> -> memref<10240x64xf32, #tpu.memory_space<hbm>>
    tpu.enqueue_indirect_dma source(%dma_start3A_84 : memref<10240x64xf32, #tpu.memory_space<hbm>>) target(%dma_start3A_74 : memref<128x64xf32, #tpu.memory_space<vmem>>) offsets(%dma_start3A_77 : memref<128xi32, #tpu.memory_space<vmem>>) semaphore(%arg14 : memref<!tpu.dma_semaphore, #tpu.memory_space<semaphore_mem>>)
    %dma_start3A_85 = arith.constant 4 : i32
    %dma_start3A_86 = arith.constant 4 : i32
    %dma_start3A_87 = arith.constant 0 : i32
    %dma_start3A_88 = arith.constant 0 : i32
    %dma_start3A_89 = tpu.memref_slice %arg8[%dma_start3A_86, %dma_start3A_87, %dma_start3A_88] : memref<5x128x64xf32, #tpu.memory_space<vmem>> -> memref<1x128x64xf32, #tpu.memory_space<vmem>>
    %dma_start3A_90 = tpu.memref_squeeze %dma_start3A_89 : memref<1x128x64xf32, #tpu.memory_space<vmem>> -> memref<128x64xf32, #tpu.memory_space<vmem>>
    %dma_start3A_91 = arith.constant 0 : i32
    %dma_start3A_92 = tpu.memref_slice %arg6[%dma_start3A_85, %dma_start3A_91] : memref<160x128xi32, #tpu.memory_space<vmem>> -> memref<1x128xi32, #tpu.memory_space<vmem>>
    %dma_start3A_93 = tpu.memref_squeeze %dma_start3A_92 : memref<1x128xi32, #tpu.memory_space<vmem>> -> memref<128xi32, #tpu.memory_space<vmem>>
    %dma_start3A_94 = arith.constant 0 : i32
    %dma_start3A_95 = arith.constant 0 : i32
    %dma_start3A_96 = tpu.memref_slice %arg2[%arg0, %dma_start3A_94, %dma_start3A_95] : memref<2x10240x64xf32, #tpu.memory_space<hbm>> -> memref<1x10240x64xf32, #tpu.memory_space<hbm>>
    %dma_start3A_97 = tpu.memref_squeeze %dma_start3A_96 : memref<1x10240x64xf32, #tpu.memory_space<hbm>> -> memref<10240x64xf32, #tpu.memory_space<hbm>>
    %dma_start3A_98 = arith.constant 0 : i32
    %dma_start3A_99 = arith.constant 0 : i32
    %dma_start3A_100 = tpu.memref_slice %dma_start3A_97[%dma_start3A_98, %dma_start3A_99] : memref<10240x64xf32, #tpu.memory_space<hbm>> -> memref<10240x64xf32, #tpu.memory_space<hbm>>
    tpu.enqueue_indirect_dma source(%dma_start3A_100 : memref<10240x64xf32, #tpu.memory_space<hbm>>) target(%dma_start3A_90 : memref<128x64xf32, #tpu.memory_space<vmem>>) offsets(%dma_start3A_93 : memref<128xi32, #tpu.memory_space<vmem>>) semaphore(%arg15 : memref<!tpu.dma_semaphore, #tpu.memory_space<semaphore_mem>>)
    %scan3A_101 = arith.constant 0 : i32
    %scan3A_102 = arith.constant 31 : i32
    %scan3A_103 = arith.addi %scan3A_101, %scan3A_102 : i32
    %scan3A_104 = arith.constant 1 : i32
    scf.for %scan3A_326 = %scan3A_101 to %scan3A_103 step %scan3A_104  : i32 {
      %mul3A_327 = arith.constant 1 : i32
      %mul3A_328 = arith.muli %scan3A_326, %mul3A_327 : i32
      %add3A_329 = arith.constant 0 : i32
      %add3A_330 = arith.addi %add3A_329, %mul3A_328 : i32
      %dma_wait3A_331 = arith.constant 0 : i32
      %dma_wait3A_332 = arith.constant 0 : i32
      %dma_wait3A_333 = arith.constant 0 : i32
      %dma_wait3A_334 = arith.constant 0 : i32
      %dma_wait3A_335 = tpu.memref_slice %arg8[%dma_wait3A_332, %dma_wait3A_333, %dma_wait3A_334] : memref<5x128x64xf32, #tpu.memory_space<vmem>> -> memref<1x128x64xf32, #tpu.memory_space<vmem>>
      %dma_wait3A_336 = tpu.memref_squeeze %dma_wait3A_335 : memref<1x128x64xf32, #tpu.memory_space<vmem>> -> memref<128x64xf32, #tpu.memory_space<vmem>>
      %dma_wait3A_337 = arith.constant 0 : i32
      %dma_wait3A_338 = tpu.memref_slice %arg6[%dma_wait3A_331, %dma_wait3A_337] : memref<160x128xi32, #tpu.memory_space<vmem>> -> memref<1x128xi32, #tpu.memory_space<vmem>>
      %dma_wait3A_339 = tpu.memref_squeeze %dma_wait3A_338 : memref<1x128xi32, #tpu.memory_space<vmem>> -> memref<128xi32, #tpu.memory_space<vmem>>
      %dma_wait3A_340 = arith.constant 0 : i32
      %dma_wait3A_341 = arith.constant 0 : i32
      %dma_wait3A_342 = tpu.memref_slice %arg2[%arg0, %dma_wait3A_340, %dma_wait3A_341] : memref<2x10240x64xf32, #tpu.memory_space<hbm>> -> memref<1x10240x64xf32, #tpu.memory_space<hbm>>
      %dma_wait3A_343 = tpu.memref_squeeze %dma_wait3A_342 : memref<1x10240x64xf32, #tpu.memory_space<hbm>> -> memref<10240x64xf32, #tpu.memory_space<hbm>>
      %dma_wait3A_344 = arith.constant 0 : i32
      %dma_wait3A_345 = arith.constant 0 : i32
      %dma_wait3A_346 = tpu.memref_slice %dma_wait3A_343[%dma_wait3A_344, %dma_wait3A_345] : memref<10240x64xf32, #tpu.memory_space<hbm>> -> memref<10240x64xf32, #tpu.memory_space<hbm>>
      tpu.wait_indirect_dma semaphore(%arg11 : memref<!tpu.dma_semaphore, #tpu.memory_space<semaphore_mem>>) src(%dma_wait3A_346 : memref<10240x64xf32, #tpu.memory_space<hbm>>) dst(%dma_wait3A_336 : memref<128x64xf32, #tpu.memory_space<vmem>>)
      %mul3A_347 = arith.constant 5 : i32
      %mul3A_348 = arith.muli %mul3A_347, %add3A_330 : i32
      %add3A_349 = arith.constant 0 : i32
      %add3A_350 = arith.addi %mul3A_348, %add3A_349 : i32
      %dma_start3A_351 = arith.constant 0 : i32
      %dma_start3A_352 = arith.constant 0 : i32
      %dma_start3A_353 = arith.constant 0 : i32
      %dma_start3A_354 = tpu.memref_slice %arg8[%dma_start3A_351, %dma_start3A_352, %dma_start3A_353] : memref<5x128x64xf32, #tpu.memory_space<vmem>> -> memref<1x128x64xf32, #tpu.memory_space<vmem>>
      %dma_start3A_355 = tpu.memref_squeeze %dma_start3A_354 : memref<1x128x64xf32, #tpu.memory_space<vmem>> -> memref<128x64xf32, #tpu.memory_space<vmem>>
      %dma_start3A_356 = arith.constant 0 : i32
      %dma_start3A_357 = tpu.memref_slice %arg7[%add3A_350, %dma_start3A_356] : memref<160x128xi32, #tpu.memory_space<vmem>> -> memref<1x128xi32, #tpu.memory_space<vmem>>
      %dma_start3A_358 = tpu.memref_squeeze %dma_start3A_357 : memref<1x128xi32, #tpu.memory_space<vmem>> -> memref<128xi32, #tpu.memory_space<vmem>>
      %dma_start3A_359 = arith.constant 0 : i32
      %dma_start3A_360 = arith.constant 0 : i32
      %dma_start3A_361 = tpu.memref_slice %arg10[%dma_start3A_359, %dma_start3A_360] : memref<10240x64xf32, #tpu.memory_space<vmem_shared>> -> memref<10240x64xf32, #tpu.memory_space<vmem_shared>>
      tpu.enqueue_indirect_dma source(%dma_start3A_355 : memref<128x64xf32, #tpu.memory_space<vmem>>) target(%dma_start3A_361 : memref<10240x64xf32, #tpu.memory_space<vmem_shared>>) offsets(%dma_start3A_358 : memref<128xi32, #tpu.memory_space<vmem>>) semaphore(%arg16 : memref<!tpu.dma_semaphore, #tpu.memory_space<semaphore_mem>>) {add = true}
      %dma_wait3A_362 = arith.constant 0 : i32
      %dma_wait3A_363 = arith.constant 1 : i32
      %dma_wait3A_364 = arith.constant 0 : i32
      %dma_wait3A_365 = arith.constant 0 : i32
      %dma_wait3A_366 = tpu.memref_slice %arg8[%dma_wait3A_363, %dma_wait3A_364, %dma_wait3A_365] : memref<5x128x64xf32, #tpu.memory_space<vmem>> -> memref<1x128x64xf32, #tpu.memory_space<vmem>>
      %dma_wait3A_367 = tpu.memref_squeeze %dma_wait3A_366 : memref<1x128x64xf32, #tpu.memory_space<vmem>> -> memref<128x64xf32, #tpu.memory_space<vmem>>
      %dma_wait3A_368 = arith.constant 0 : i32
      %dma_wait3A_369 = tpu.memref_slice %arg6[%dma_wait3A_362, %dma_wait3A_368] : memref<160x128xi32, #tpu.memory_space<vmem>> -> memref<1x128xi32, #tpu.memory_space<vmem>>
      %dma_wait3A_370 = tpu.memref_squeeze %dma_wait3A_369 : memref<1x128xi32, #tpu.memory_space<vmem>> -> memref<128xi32, #tpu.memory_space<vmem>>
      %dma_wait3A_371 = arith.constant 0 : i32
      %dma_wait3A_372 = arith.constant 0 : i32
      %dma_wait3A_373 = tpu.memref_slice %arg2[%arg0, %dma_wait3A_371, %dma_wait3A_372] : memref<2x10240x64xf32, #tpu.memory_space<hbm>> -> memref<1x10240x64xf32, #tpu.memory_space<hbm>>
      %dma_wait3A_374 = tpu.memref_squeeze %dma_wait3A_373 : memref<1x10240x64xf32, #tpu.memory_space<hbm>> -> memref<10240x64xf32, #tpu.memory_space<hbm>>
      %dma_wait3A_375 = arith.constant 0 : i32
      %dma_wait3A_376 = arith.constant 0 : i32
      %dma_wait3A_377 = tpu.memref_slice %dma_wait3A_374[%dma_wait3A_375, %dma_wait3A_376] : memref<10240x64xf32, #tpu.memory_space<hbm>> -> memref<10240x64xf32, #tpu.memory_space<hbm>>
      tpu.wait_indirect_dma semaphore(%arg12 : memref<!tpu.dma_semaphore, #tpu.memory_space<semaphore_mem>>) src(%dma_wait3A_377 : memref<10240x64xf32, #tpu.memory_space<hbm>>) dst(%dma_wait3A_367 : memref<128x64xf32, #tpu.memory_space<vmem>>)
      %mul3A_378 = arith.constant 5 : i32
      %mul3A_379 = arith.muli %mul3A_378, %add3A_330 : i32
      %add3A_380 = arith.constant 1 : i32
      %add3A_381 = arith.addi %mul3A_379, %add3A_380 : i32
      %dma_start3A_382 = arith.constant 1 : i32
      %dma_start3A_383 = arith.constant 0 : i32
      %dma_start3A_384 = arith.constant 0 : i32
      %dma_start3A_385 = tpu.memref_slice %arg8[%dma_start3A_382, %dma_start3A_383, %dma_start3A_384] : memref<5x128x64xf32, #tpu.memory_space<vmem>> -> memref<1x128x64xf32, #tpu.memory_space<vmem>>
      %dma_start3A_386 = tpu.memref_squeeze %dma_start3A_385 : memref<1x128x64xf32, #tpu.memory_space<vmem>> -> memref<128x64xf32, #tpu.memory_space<vmem>>
      %dma_start3A_387 = arith.constant 0 : i32
      %dma_start3A_388 = tpu.memref_slice %arg7[%add3A_381, %dma_start3A_387] : memref<160x128xi32, #tpu.memory_space<vmem>> -> memref<1x128xi32, #tpu.memory_space<vmem>>
      %dma_start3A_389 = tpu.memref_squeeze %dma_start3A_388 : memref<1x128xi32, #tpu.memory_space<vmem>> -> memref<128xi32, #tpu.memory_space<vmem>>
      %dma_start3A_390 = arith.constant 0 : i32
      %dma_start3A_391 = arith.constant 0 : i32
      %dma_start3A_392 = tpu.memref_slice %arg10[%dma_start3A_390, %dma_start3A_391] : memref<10240x64xf32, #tpu.memory_space<vmem_shared>> -> memref<10240x64xf32, #tpu.memory_space<vmem_shared>>
      tpu.enqueue_indirect_dma source(%dma_start3A_386 : memref<128x64xf32, #tpu.memory_space<vmem>>) target(%dma_start3A_392 : memref<10240x64xf32, #tpu.memory_space<vmem_shared>>) offsets(%dma_start3A_389 : memref<128xi32, #tpu.memory_space<vmem>>) semaphore(%arg17 : memref<!tpu.dma_semaphore, #tpu.memory_space<semaphore_mem>>) {add = true}
      %dma_wait3A_393 = arith.constant 0 : i32
      %dma_wait3A_394 = arith.constant 2 : i32
      %dma_wait3A_395 = arith.constant 0 : i32
      %dma_wait3A_396 = arith.constant 0 : i32
      %dma_wait3A_397 = tpu.memref_slice %arg8[%dma_wait3A_394, %dma_wait3A_395, %dma_wait3A_396] : memref<5x128x64xf32, #tpu.memory_space<vmem>> -> memref<1x128x64xf32, #tpu.memory_space<vmem>>
      %dma_wait3A_398 = tpu.memref_squeeze %dma_wait3A_397 : memref<1x128x64xf32, #tpu.memory_space<vmem>> -> memref<128x64xf32, #tpu.memory_space<vmem>>
      %dma_wait3A_399 = arith.constant 0 : i32
      %dma_wait3A_400 = tpu.memref_slice %arg6[%dma_wait3A_393, %dma_wait3A_399] : memref<160x128xi32, #tpu.memory_space<vmem>> -> memref<1x128xi32, #tpu.memory_space<vmem>>
      %dma_wait3A_401 = tpu.memref_squeeze %dma_wait3A_400 : memref<1x128xi32, #tpu.memory_space<vmem>> -> memref<128xi32, #tpu.memory_space<vmem>>
      %dma_wait3A_402 = arith.constant 0 : i32
      %dma_wait3A_403 = arith.constant 0 : i32
      %dma_wait3A_404 = tpu.memref_slice %arg2[%arg0, %dma_wait3A_402, %dma_wait3A_403] : memref<2x10240x64xf32, #tpu.memory_space<hbm>> -> memref<1x10240x64xf32, #tpu.memory_space<hbm>>
      %dma_wait3A_405 = tpu.memref_squeeze %dma_wait3A_404 : memref<1x10240x64xf32, #tpu.memory_space<hbm>> -> memref<10240x64xf32, #tpu.memory_space<hbm>>
      %dma_wait3A_406 = arith.constant 0 : i32
      %dma_wait3A_407 = arith.constant 0 : i32
      %dma_wait3A_408 = tpu.memref_slice %dma_wait3A_405[%dma_wait3A_406, %dma_wait3A_407] : memref<10240x64xf32, #tpu.memory_space<hbm>> -> memref<10240x64xf32, #tpu.memory_space<hbm>>
      tpu.wait_indirect_dma semaphore(%arg13 : memref<!tpu.dma_semaphore, #tpu.memory_space<semaphore_mem>>) src(%dma_wait3A_408 : memref<10240x64xf32, #tpu.memory_space<hbm>>) dst(%dma_wait3A_398 : memref<128x64xf32, #tpu.memory_space<vmem>>)
      %mul3A_409 = arith.constant 5 : i32
      %mul3A_410 = arith.muli %mul3A_409, %add3A_330 : i32
      %add3A_411 = arith.constant 2 : i32
      %add3A_412 = arith.addi %mul3A_410, %add3A_411 : i32
      %dma_start3A_413 = arith.constant 2 : i32
      %dma_start3A_414 = arith.constant 0 : i32
      %dma_start3A_415 = arith.constant 0 : i32
      %dma_start3A_416 = tpu.memref_slice %arg8[%dma_start3A_413, %dma_start3A_414, %dma_start3A_415] : memref<5x128x64xf32, #tpu.memory_space<vmem>> -> memref<1x128x64xf32, #tpu.memory_space<vmem>>
      %dma_start3A_417 = tpu.memref_squeeze %dma_start3A_416 : memref<1x128x64xf32, #tpu.memory_space<vmem>> -> memref<128x64xf32, #tpu.memory_space<vmem>>
      %dma_start3A_418 = arith.constant 0 : i32
      %dma_start3A_419 = tpu.memref_slice %arg7[%add3A_412, %dma_start3A_418] : memref<160x128xi32, #tpu.memory_space<vmem>> -> memref<1x128xi32, #tpu.memory_space<vmem>>
      %dma_start3A_420 = tpu.memref_squeeze %dma_start3A_419 : memref<1x128xi32, #tpu.memory_space<vmem>> -> memref<128xi32, #tpu.memory_space<vmem>>
      %dma_start3A_421 = arith.constant 0 : i32
      %dma_start3A_422 = arith.constant 0 : i32
      %dma_start3A_423 = tpu.memref_slice %arg10[%dma_start3A_421, %dma_start3A_422] : memref<10240x64xf32, #tpu.memory_space<vmem_shared>> -> memref<10240x64xf32, #tpu.memory_space<vmem_shared>>
      tpu.enqueue_indirect_dma source(%dma_start3A_417 : memref<128x64xf32, #tpu.memory_space<vmem>>) target(%dma_start3A_423 : memref<10240x64xf32, #tpu.memory_space<vmem_shared>>) offsets(%dma_start3A_420 : memref<128xi32, #tpu.memory_space<vmem>>) semaphore(%arg18 : memref<!tpu.dma_semaphore, #tpu.memory_space<semaphore_mem>>) {add = true}
      %dma_wait3A_424 = arith.constant 0 : i32
      %dma_wait3A_425 = arith.constant 3 : i32
      %dma_wait3A_426 = arith.constant 0 : i32
      %dma_wait3A_427 = arith.constant 0 : i32
      %dma_wait3A_428 = tpu.memref_slice %arg8[%dma_wait3A_425, %dma_wait3A_426, %dma_wait3A_427] : memref<5x128x64xf32, #tpu.memory_space<vmem>> -> memref<1x128x64xf32, #tpu.memory_space<vmem>>
      %dma_wait3A_429 = tpu.memref_squeeze %dma_wait3A_428 : memref<1x128x64xf32, #tpu.memory_space<vmem>> -> memref<128x64xf32, #tpu.memory_space<vmem>>
      %dma_wait3A_430 = arith.constant 0 : i32
      %dma_wait3A_431 = tpu.memref_slice %arg6[%dma_wait3A_424, %dma_wait3A_430] : memref<160x128xi32, #tpu.memory_space<vmem>> -> memref<1x128xi32, #tpu.memory_space<vmem>>
      %dma_wait3A_432 = tpu.memref_squeeze %dma_wait3A_431 : memref<1x128xi32, #tpu.memory_space<vmem>> -> memref<128xi32, #tpu.memory_space<vmem>>
      %dma_wait3A_433 = arith.constant 0 : i32
      %dma_wait3A_434 = arith.constant 0 : i32
      %dma_wait3A_435 = tpu.memref_slice %arg2[%arg0, %dma_wait3A_433, %dma_wait3A_434] : memref<2x10240x64xf32, #tpu.memory_space<hbm>> -> memref<1x10240x64xf32, #tpu.memory_space<hbm>>
      %dma_wait3A_436 = tpu.memref_squeeze %dma_wait3A_435 : memref<1x10240x64xf32, #tpu.memory_space<hbm>> -> memref<10240x64xf32, #tpu.memory_space<hbm>>
      %dma_wait3A_437 = arith.constant 0 : i32
      %dma_wait3A_438 = arith.constant 0 : i32
      %dma_wait3A_439 = tpu.memref_slice %dma_wait3A_436[%dma_wait3A_437, %dma_wait3A_438] : memref<10240x64xf32, #tpu.memory_space<hbm>> -> memref<10240x64xf32, #tpu.memory_space<hbm>>
      tpu.wait_indirect_dma semaphore(%arg14 : memref<!tpu.dma_semaphore, #tpu.memory_space<semaphore_mem>>) src(%dma_wait3A_439 : memref<10240x64xf32, #tpu.memory_space<hbm>>) dst(%dma_wait3A_429 : memref<128x64xf32, #tpu.memory_space<vmem>>)
      %mul3A_440 = arith.constant 5 : i32
      %mul3A_441 = arith.muli %mul3A_440, %add3A_330 : i32
      %add3A_442 = arith.constant 3 : i32
      %add3A_443 = arith.addi %mul3A_441, %add3A_442 : i32
      %dma_start3A_444 = arith.constant 3 : i32
      %dma_start3A_445 = arith.constant 0 : i32
      %dma_start3A_446 = arith.constant 0 : i32
      %dma_start3A_447 = tpu.memref_slice %arg8[%dma_start3A_444, %dma_start3A_445, %dma_start3A_446] : memref<5x128x64xf32, #tpu.memory_space<vmem>> -> memref<1x128x64xf32, #tpu.memory_space<vmem>>
      %dma_start3A_448 = tpu.memref_squeeze %dma_start3A_447 : memref<1x128x64xf32, #tpu.memory_space<vmem>> -> memref<128x64xf32, #tpu.memory_space<vmem>>
      %dma_start3A_449 = arith.constant 0 : i32
      %dma_start3A_450 = tpu.memref_slice %arg7[%add3A_443, %dma_start3A_449] : memref<160x128xi32, #tpu.memory_space<vmem>> -> memref<1x128xi32, #tpu.memory_space<vmem>>
      %dma_start3A_451 = tpu.memref_squeeze %dma_start3A_450 : memref<1x128xi32, #tpu.memory_space<vmem>> -> memref<128xi32, #tpu.memory_space<vmem>>
      %dma_start3A_452 = arith.constant 0 : i32
      %dma_start3A_453 = arith.constant 0 : i32
      %dma_start3A_454 = tpu.memref_slice %arg10[%dma_start3A_452, %dma_start3A_453] : memref<10240x64xf32, #tpu.memory_space<vmem_shared>> -> memref<10240x64xf32, #tpu.memory_space<vmem_shared>>
      tpu.enqueue_indirect_dma source(%dma_start3A_448 : memref<128x64xf32, #tpu.memory_space<vmem>>) target(%dma_start3A_454 : memref<10240x64xf32, #tpu.memory_space<vmem_shared>>) offsets(%dma_start3A_451 : memref<128xi32, #tpu.memory_space<vmem>>) semaphore(%arg19 : memref<!tpu.dma_semaphore, #tpu.memory_space<semaphore_mem>>) {add = true}
      %dma_wait3A_455 = arith.constant 0 : i32
      %dma_wait3A_456 = arith.constant 4 : i32
      %dma_wait3A_457 = arith.constant 0 : i32
      %dma_wait3A_458 = arith.constant 0 : i32
      %dma_wait3A_459 = tpu.memref_slice %arg8[%dma_wait3A_456, %dma_wait3A_457, %dma_wait3A_458] : memref<5x128x64xf32, #tpu.memory_space<vmem>> -> memref<1x128x64xf32, #tpu.memory_space<vmem>>
      %dma_wait3A_460 = tpu.memref_squeeze %dma_wait3A_459 : memref<1x128x64xf32, #tpu.memory_space<vmem>> -> memref<128x64xf32, #tpu.memory_space<vmem>>
      %dma_wait3A_461 = arith.constant 0 : i32
      %dma_wait3A_462 = tpu.memref_slice %arg6[%dma_wait3A_455, %dma_wait3A_461] : memref<160x128xi32, #tpu.memory_space<vmem>> -> memref<1x128xi32, #tpu.memory_space<vmem>>
      %dma_wait3A_463 = tpu.memref_squeeze %dma_wait3A_462 : memref<1x128xi32, #tpu.memory_space<vmem>> -> memref<128xi32, #tpu.memory_space<vmem>>
      %dma_wait3A_464 = arith.constant 0 : i32
      %dma_wait3A_465 = arith.constant 0 : i32
      %dma_wait3A_466 = tpu.memref_slice %arg2[%arg0, %dma_wait3A_464, %dma_wait3A_465] : memref<2x10240x64xf32, #tpu.memory_space<hbm>> -> memref<1x10240x64xf32, #tpu.memory_space<hbm>>
      %dma_wait3A_467 = tpu.memref_squeeze %dma_wait3A_466 : memref<1x10240x64xf32, #tpu.memory_space<hbm>> -> memref<10240x64xf32, #tpu.memory_space<hbm>>
      %dma_wait3A_468 = arith.constant 0 : i32
      %dma_wait3A_469 = arith.constant 0 : i32
      %dma_wait3A_470 = tpu.memref_slice %dma_wait3A_467[%dma_wait3A_468, %dma_wait3A_469] : memref<10240x64xf32, #tpu.memory_space<hbm>> -> memref<10240x64xf32, #tpu.memory_space<hbm>>
      tpu.wait_indirect_dma semaphore(%arg15 : memref<!tpu.dma_semaphore, #tpu.memory_space<semaphore_mem>>) src(%dma_wait3A_470 : memref<10240x64xf32, #tpu.memory_space<hbm>>) dst(%dma_wait3A_460 : memref<128x64xf32, #tpu.memory_space<vmem>>)
      %mul3A_471 = arith.constant 5 : i32
      %mul3A_472 = arith.muli %mul3A_471, %add3A_330 : i32
      %add3A_473 = arith.constant 4 : i32
      %add3A_474 = arith.addi %mul3A_472, %add3A_473 : i32
      %dma_start3A_475 = arith.constant 4 : i32
      %dma_start3A_476 = arith.constant 0 : i32
      %dma_start3A_477 = arith.constant 0 : i32
      %dma_start3A_478 = tpu.memref_slice %arg8[%dma_start3A_475, %dma_start3A_476, %dma_start3A_477] : memref<5x128x64xf32, #tpu.memory_space<vmem>> -> memref<1x128x64xf32, #tpu.memory_space<vmem>>
      %dma_start3A_479 = tpu.memref_squeeze %dma_start3A_478 : memref<1x128x64xf32, #tpu.memory_space<vmem>> -> memref<128x64xf32, #tpu.memory_space<vmem>>
      %dma_start3A_480 = arith.constant 0 : i32
      %dma_start3A_481 = tpu.memref_slice %arg7[%add3A_474, %dma_start3A_480] : memref<160x128xi32, #tpu.memory_space<vmem>> -> memref<1x128xi32, #tpu.memory_space<vmem>>
      %dma_start3A_482 = tpu.memref_squeeze %dma_start3A_481 : memref<1x128xi32, #tpu.memory_space<vmem>> -> memref<128xi32, #tpu.memory_space<vmem>>
      %dma_start3A_483 = arith.constant 0 : i32
      %dma_start3A_484 = arith.constant 0 : i32
      %dma_start3A_485 = tpu.memref_slice %arg10[%dma_start3A_483, %dma_start3A_484] : memref<10240x64xf32, #tpu.memory_space<vmem_shared>> -> memref<10240x64xf32, #tpu.memory_space<vmem_shared>>
      tpu.enqueue_indirect_dma source(%dma_start3A_479 : memref<128x64xf32, #tpu.memory_space<vmem>>) target(%dma_start3A_485 : memref<10240x64xf32, #tpu.memory_space<vmem_shared>>) offsets(%dma_start3A_482 : memref<128xi32, #tpu.memory_space<vmem>>) semaphore(%arg20 : memref<!tpu.dma_semaphore, #tpu.memory_space<semaphore_mem>>) {add = true}
      %dma_wait3A_486 = arith.constant 0 : i32
      %dma_wait3A_487 = arith.constant 0 : i32
      %dma_wait3A_488 = arith.constant 0 : i32
      %dma_wait3A_489 = arith.constant 0 : i32
      %dma_wait3A_490 = tpu.memref_slice %arg8[%dma_wait3A_486, %dma_wait3A_488, %dma_wait3A_489] : memref<5x128x64xf32, #tpu.memory_space<vmem>> -> memref<1x128x64xf32, #tpu.memory_space<vmem>>
      %dma_wait3A_491 = tpu.memref_squeeze %dma_wait3A_490 : memref<1x128x64xf32, #tpu.memory_space<vmem>> -> memref<128x64xf32, #tpu.memory_space<vmem>>
      %dma_wait3A_492 = arith.constant 0 : i32
      %dma_wait3A_493 = tpu.memref_slice %arg7[%dma_wait3A_487, %dma_wait3A_492] : memref<160x128xi32, #tpu.memory_space<vmem>> -> memref<1x128xi32, #tpu.memory_space<vmem>>
      %dma_wait3A_494 = tpu.memref_squeeze %dma_wait3A_493 : memref<1x128xi32, #tpu.memory_space<vmem>> -> memref<128xi32, #tpu.memory_space<vmem>>
      %dma_wait3A_495 = arith.constant 0 : i32
      %dma_wait3A_496 = arith.constant 0 : i32
      %dma_wait3A_497 = tpu.memref_slice %arg10[%dma_wait3A_495, %dma_wait3A_496] : memref<10240x64xf32, #tpu.memory_space<vmem_shared>> -> memref<10240x64xf32, #tpu.memory_space<vmem_shared>>
      tpu.wait_indirect_dma semaphore(%arg16 : memref<!tpu.dma_semaphore, #tpu.memory_space<semaphore_mem>>) src(%dma_wait3A_491 : memref<128x64xf32, #tpu.memory_space<vmem>>) dst(%dma_wait3A_497 : memref<10240x64xf32, #tpu.memory_space<vmem_shared>>)
      %add3A_498 = arith.constant 1 : i32
      %add3A_499 = arith.addi %add3A_330, %add3A_498 : i32
      %mul3A_500 = arith.constant 5 : i32
      %mul3A_501 = arith.muli %mul3A_500, %add3A_499 : i32
      %add3A_502 = arith.constant 0 : i32
      %add3A_503 = arith.addi %mul3A_501, %add3A_502 : i32
      %dma_start3A_504 = arith.constant 0 : i32
      %dma_start3A_505 = arith.constant 0 : i32
      %dma_start3A_506 = arith.constant 0 : i32
      %dma_start3A_507 = tpu.memref_slice %arg8[%dma_start3A_504, %dma_start3A_505, %dma_start3A_506] : memref<5x128x64xf32, #tpu.memory_space<vmem>> -> memref<1x128x64xf32, #tpu.memory_space<vmem>>
      %dma_start3A_508 = tpu.memref_squeeze %dma_start3A_507 : memref<1x128x64xf32, #tpu.memory_space<vmem>> -> memref<128x64xf32, #tpu.memory_space<vmem>>
      %dma_start3A_509 = arith.constant 0 : i32
      %dma_start3A_510 = tpu.memref_slice %arg6[%add3A_503, %dma_start3A_509] : memref<160x128xi32, #tpu.memory_space<vmem>> -> memref<1x128xi32, #tpu.memory_space<vmem>>
      %dma_start3A_511 = tpu.memref_squeeze %dma_start3A_510 : memref<1x128xi32, #tpu.memory_space<vmem>> -> memref<128xi32, #tpu.memory_space<vmem>>
      %dma_start3A_512 = arith.constant 0 : i32
      %dma_start3A_513 = arith.constant 0 : i32
      %dma_start3A_514 = tpu.memref_slice %arg2[%arg0, %dma_start3A_512, %dma_start3A_513] : memref<2x10240x64xf32, #tpu.memory_space<hbm>> -> memref<1x10240x64xf32, #tpu.memory_space<hbm>>
      %dma_start3A_515 = tpu.memref_squeeze %dma_start3A_514 : memref<1x10240x64xf32, #tpu.memory_space<hbm>> -> memref<10240x64xf32, #tpu.memory_space<hbm>>
      %dma_start3A_516 = arith.constant 0 : i32
      %dma_start3A_517 = arith.constant 0 : i32
      %dma_start3A_518 = tpu.memref_slice %dma_start3A_515[%dma_start3A_516, %dma_start3A_517] : memref<10240x64xf32, #tpu.memory_space<hbm>> -> memref<10240x64xf32, #tpu.memory_space<hbm>>
      tpu.enqueue_indirect_dma source(%dma_start3A_518 : memref<10240x64xf32, #tpu.memory_space<hbm>>) target(%dma_start3A_508 : memref<128x64xf32, #tpu.memory_space<vmem>>) offsets(%dma_start3A_511 : memref<128xi32, #tpu.memory_space<vmem>>) semaphore(%arg11 : memref<!tpu.dma_semaphore, #tpu.memory_space<semaphore_mem>>)
      %dma_wait3A_519 = arith.constant 1 : i32
      %dma_wait3A_520 = arith.constant 0 : i32
      %dma_wait3A_521 = arith.constant 0 : i32
      %dma_wait3A_522 = arith.constant 0 : i32
      %dma_wait3A_523 = tpu.memref_slice %arg8[%dma_wait3A_519, %dma_wait3A_521, %dma_wait3A_522] : memref<5x128x64xf32, #tpu.memory_space<vmem>> -> memref<1x128x64xf32, #tpu.memory_space<vmem>>
      %dma_wait3A_524 = tpu.memref_squeeze %dma_wait3A_523 : memref<1x128x64xf32, #tpu.memory_space<vmem>> -> memref<128x64xf32, #tpu.memory_space<vmem>>
      %dma_wait3A_525 = arith.constant 0 : i32
      %dma_wait3A_526 = tpu.memref_slice %arg7[%dma_wait3A_520, %dma_wait3A_525] : memref<160x128xi32, #tpu.memory_space<vmem>> -> memref<1x128xi32, #tpu.memory_space<vmem>>
      %dma_wait3A_527 = tpu.memref_squeeze %dma_wait3A_526 : memref<1x128xi32, #tpu.memory_space<vmem>> -> memref<128xi32, #tpu.memory_space<vmem>>
      %dma_wait3A_528 = arith.constant 0 : i32
      %dma_wait3A_529 = arith.constant 0 : i32
      %dma_wait3A_530 = tpu.memref_slice %arg10[%dma_wait3A_528, %dma_wait3A_529] : memref<10240x64xf32, #tpu.memory_space<vmem_shared>> -> memref<10240x64xf32, #tpu.memory_space<vmem_shared>>
      tpu.wait_indirect_dma semaphore(%arg17 : memref<!tpu.dma_semaphore, #tpu.memory_space<semaphore_mem>>) src(%dma_wait3A_524 : memref<128x64xf32, #tpu.memory_space<vmem>>) dst(%dma_wait3A_530 : memref<10240x64xf32, #tpu.memory_space<vmem_shared>>)
      %add3A_531 = arith.constant 1 : i32
      %add3A_532 = arith.addi %add3A_330, %add3A_531 : i32
      %mul3A_533 = arith.constant 5 : i32
      %mul3A_534 = arith.muli %mul3A_533, %add3A_532 : i32
      %add3A_535 = arith.constant 1 : i32
      %add3A_536 = arith.addi %mul3A_534, %add3A_535 : i32
      %dma_start3A_537 = arith.constant 1 : i32
      %dma_start3A_538 = arith.constant 0 : i32
      %dma_start3A_539 = arith.constant 0 : i32
      %dma_start3A_540 = tpu.memref_slice %arg8[%dma_start3A_537, %dma_start3A_538, %dma_start3A_539] : memref<5x128x64xf32, #tpu.memory_space<vmem>> -> memref<1x128x64xf32, #tpu.memory_space<vmem>>
      %dma_start3A_541 = tpu.memref_squeeze %dma_start3A_540 : memref<1x128x64xf32, #tpu.memory_space<vmem>> -> memref<128x64xf32, #tpu.memory_space<vmem>>
      %dma_start3A_542 = arith.constant 0 : i32
      %dma_start3A_543 = tpu.memref_slice %arg6[%add3A_536, %dma_start3A_542] : memref<160x128xi32, #tpu.memory_space<vmem>> -> memref<1x128xi32, #tpu.memory_space<vmem>>
      %dma_start3A_544 = tpu.memref_squeeze %dma_start3A_543 : memref<1x128xi32, #tpu.memory_space<vmem>> -> memref<128xi32, #tpu.memory_space<vmem>>
      %dma_start3A_545 = arith.constant 0 : i32
      %dma_start3A_546 = arith.constant 0 : i32
      %dma_start3A_547 = tpu.memref_slice %arg2[%arg0, %dma_start3A_545, %dma_start3A_546] : memref<2x10240x64xf32, #tpu.memory_space<hbm>> -> memref<1x10240x64xf32, #tpu.memory_space<hbm>>
      %dma_start3A_548 = tpu.memref_squeeze %dma_start3A_547 : memref<1x10240x64xf32, #tpu.memory_space<hbm>> -> memref<10240x64xf32, #tpu.memory_space<hbm>>
      %dma_start3A_549 = arith.constant 0 : i32
      %dma_start3A_550 = arith.constant 0 : i32
      %dma_start3A_551 = tpu.memref_slice %dma_start3A_548[%dma_start3A_549, %dma_start3A_550] : memref<10240x64xf32, #tpu.memory_space<hbm>> -> memref<10240x64xf32, #tpu.memory_space<hbm>>
      tpu.enqueue_indirect_dma source(%dma_start3A_551 : memref<10240x64xf32, #tpu.memory_space<hbm>>) target(%dma_start3A_541 : memref<128x64xf32, #tpu.memory_space<vmem>>) offsets(%dma_start3A_544 : memref<128xi32, #tpu.memory_space<vmem>>) semaphore(%arg12 : memref<!tpu.dma_semaphore, #tpu.memory_space<semaphore_mem>>)
      %dma_wait3A_552 = arith.constant 2 : i32
      %dma_wait3A_553 = arith.constant 0 : i32
      %dma_wait3A_554 = arith.constant 0 : i32
      %dma_wait3A_555 = arith.constant 0 : i32
      %dma_wait3A_556 = tpu.memref_slice %arg8[%dma_wait3A_552, %dma_wait3A_554, %dma_wait3A_555] : memref<5x128x64xf32, #tpu.memory_space<vmem>> -> memref<1x128x64xf32, #tpu.memory_space<vmem>>
      %dma_wait3A_557 = tpu.memref_squeeze %dma_wait3A_556 : memref<1x128x64xf32, #tpu.memory_space<vmem>> -> memref<128x64xf32, #tpu.memory_space<vmem>>
      %dma_wait3A_558 = arith.constant 0 : i32
      %dma_wait3A_559 = tpu.memref_slice %arg7[%dma_wait3A_553, %dma_wait3A_558] : memref<160x128xi32, #tpu.memory_space<vmem>> -> memref<1x128xi32, #tpu.memory_space<vmem>>
      %dma_wait3A_560 = tpu.memref_squeeze %dma_wait3A_559 : memref<1x128xi32, #tpu.memory_space<vmem>> -> memref<128xi32, #tpu.memory_space<vmem>>
      %dma_wait3A_561 = arith.constant 0 : i32
      %dma_wait3A_562 = arith.constant 0 : i32
      %dma_wait3A_563 = tpu.memref_slice %arg10[%dma_wait3A_561, %dma_wait3A_562] : memref<10240x64xf32, #tpu.memory_space<vmem_shared>> -> memref<10240x64xf32, #tpu.memory_space<vmem_shared>>
      tpu.wait_indirect_dma semaphore(%arg18 : memref<!tpu.dma_semaphore, #tpu.memory_space<semaphore_mem>>) src(%dma_wait3A_557 : memref<128x64xf32, #tpu.memory_space<vmem>>) dst(%dma_wait3A_563 : memref<10240x64xf32, #tpu.memory_space<vmem_shared>>)
      %add3A_564 = arith.constant 1 : i32
      %add3A_565 = arith.addi %add3A_330, %add3A_564 : i32
      %mul3A_566 = arith.constant 5 : i32
      %mul3A_567 = arith.muli %mul3A_566, %add3A_565 : i32
      %add3A_568 = arith.constant 2 : i32
      %add3A_569 = arith.addi %mul3A_567, %add3A_568 : i32
      %dma_start3A_570 = arith.constant 2 : i32
      %dma_start3A_571 = arith.constant 0 : i32
      %dma_start3A_572 = arith.constant 0 : i32
      %dma_start3A_573 = tpu.memref_slice %arg8[%dma_start3A_570, %dma_start3A_571, %dma_start3A_572] : memref<5x128x64xf32, #tpu.memory_space<vmem>> -> memref<1x128x64xf32, #tpu.memory_space<vmem>>
      %dma_start3A_574 = tpu.memref_squeeze %dma_start3A_573 : memref<1x128x64xf32, #tpu.memory_space<vmem>> -> memref<128x64xf32, #tpu.memory_space<vmem>>
      %dma_start3A_575 = arith.constant 0 : i32
      %dma_start3A_576 = tpu.memref_slice %arg6[%add3A_569, %dma_start3A_575] : memref<160x128xi32, #tpu.memory_space<vmem>> -> memref<1x128xi32, #tpu.memory_space<vmem>>
      %dma_start3A_577 = tpu.memref_squeeze %dma_start3A_576 : memref<1x128xi32, #tpu.memory_space<vmem>> -> memref<128xi32, #tpu.memory_space<vmem>>
      %dma_start3A_578 = arith.constant 0 : i32
      %dma_start3A_579 = arith.constant 0 : i32
      %dma_start3A_580 = tpu.memref_slice %arg2[%arg0, %dma_start3A_578, %dma_start3A_579] : memref<2x10240x64xf32, #tpu.memory_space<hbm>> -> memref<1x10240x64xf32, #tpu.memory_space<hbm>>
      %dma_start3A_581 = tpu.memref_squeeze %dma_start3A_580 : memref<1x10240x64xf32, #tpu.memory_space<hbm>> -> memref<10240x64xf32, #tpu.memory_space<hbm>>
      %dma_start3A_582 = arith.constant 0 : i32
      %dma_start3A_583 = arith.constant 0 : i32
      %dma_start3A_584 = tpu.memref_slice %dma_start3A_581[%dma_start3A_582, %dma_start3A_583] : memref<10240x64xf32, #tpu.memory_space<hbm>> -> memref<10240x64xf32, #tpu.memory_space<hbm>>
      tpu.enqueue_indirect_dma source(%dma_start3A_584 : memref<10240x64xf32, #tpu.memory_space<hbm>>) target(%dma_start3A_574 : memref<128x64xf32, #tpu.memory_space<vmem>>) offsets(%dma_start3A_577 : memref<128xi32, #tpu.memory_space<vmem>>) semaphore(%arg13 : memref<!tpu.dma_semaphore, #tpu.memory_space<semaphore_mem>>)
      %dma_wait3A_585 = arith.constant 3 : i32
      %dma_wait3A_586 = arith.constant 0 : i32
      %dma_wait3A_587 = arith.constant 0 : i32
      %dma_wait3A_588 = arith.constant 0 : i32
      %dma_wait3A_589 = tpu.memref_slice %arg8[%dma_wait3A_585, %dma_wait3A_587, %dma_wait3A_588] : memref<5x128x64xf32, #tpu.memory_space<vmem>> -> memref<1x128x64xf32, #tpu.memory_space<vmem>>
      %dma_wait3A_590 = tpu.memref_squeeze %dma_wait3A_589 : memref<1x128x64xf32, #tpu.memory_space<vmem>> -> memref<128x64xf32, #tpu.memory_space<vmem>>
      %dma_wait3A_591 = arith.constant 0 : i32
      %dma_wait3A_592 = tpu.memref_slice %arg7[%dma_wait3A_586, %dma_wait3A_591] : memref<160x128xi32, #tpu.memory_space<vmem>> -> memref<1x128xi32, #tpu.memory_space<vmem>>
      %dma_wait3A_593 = tpu.memref_squeeze %dma_wait3A_592 : memref<1x128xi32, #tpu.memory_space<vmem>> -> memref<128xi32, #tpu.memory_space<vmem>>
      %dma_wait3A_594 = arith.constant 0 : i32
      %dma_wait3A_595 = arith.constant 0 : i32
      %dma_wait3A_596 = tpu.memref_slice %arg10[%dma_wait3A_594, %dma_wait3A_595] : memref<10240x64xf32, #tpu.memory_space<vmem_shared>> -> memref<10240x64xf32, #tpu.memory_space<vmem_shared>>
      tpu.wait_indirect_dma semaphore(%arg19 : memref<!tpu.dma_semaphore, #tpu.memory_space<semaphore_mem>>) src(%dma_wait3A_590 : memref<128x64xf32, #tpu.memory_space<vmem>>) dst(%dma_wait3A_596 : memref<10240x64xf32, #tpu.memory_space<vmem_shared>>)
      %add3A_597 = arith.constant 1 : i32
      %add3A_598 = arith.addi %add3A_330, %add3A_597 : i32
      %mul3A_599 = arith.constant 5 : i32
      %mul3A_600 = arith.muli %mul3A_599, %add3A_598 : i32
      %add3A_601 = arith.constant 3 : i32
      %add3A_602 = arith.addi %mul3A_600, %add3A_601 : i32
      %dma_start3A_603 = arith.constant 3 : i32
      %dma_start3A_604 = arith.constant 0 : i32
      %dma_start3A_605 = arith.constant 0 : i32
      %dma_start3A_606 = tpu.memref_slice %arg8[%dma_start3A_603, %dma_start3A_604, %dma_start3A_605] : memref<5x128x64xf32, #tpu.memory_space<vmem>> -> memref<1x128x64xf32, #tpu.memory_space<vmem>>
      %dma_start3A_607 = tpu.memref_squeeze %dma_start3A_606 : memref<1x128x64xf32, #tpu.memory_space<vmem>> -> memref<128x64xf32, #tpu.memory_space<vmem>>
      %dma_start3A_608 = arith.constant 0 : i32
      %dma_start3A_609 = tpu.memref_slice %arg6[%add3A_602, %dma_start3A_608] : memref<160x128xi32, #tpu.memory_space<vmem>> -> memref<1x128xi32, #tpu.memory_space<vmem>>
      %dma_start3A_610 = tpu.memref_squeeze %dma_start3A_609 : memref<1x128xi32, #tpu.memory_space<vmem>> -> memref<128xi32, #tpu.memory_space<vmem>>
      %dma_start3A_611 = arith.constant 0 : i32
      %dma_start3A_612 = arith.constant 0 : i32
      %dma_start3A_613 = tpu.memref_slice %arg2[%arg0, %dma_start3A_611, %dma_start3A_612] : memref<2x10240x64xf32, #tpu.memory_space<hbm>> -> memref<1x10240x64xf32, #tpu.memory_space<hbm>>
      %dma_start3A_614 = tpu.memref_squeeze %dma_start3A_613 : memref<1x10240x64xf32, #tpu.memory_space<hbm>> -> memref<10240x64xf32, #tpu.memory_space<hbm>>
      %dma_start3A_615 = arith.constant 0 : i32
      %dma_start3A_616 = arith.constant 0 : i32
      %dma_start3A_617 = tpu.memref_slice %dma_start3A_614[%dma_start3A_615, %dma_start3A_616] : memref<10240x64xf32, #tpu.memory_space<hbm>> -> memref<10240x64xf32, #tpu.memory_space<hbm>>
      tpu.enqueue_indirect_dma source(%dma_start3A_617 : memref<10240x64xf32, #tpu.memory_space<hbm>>) target(%dma_start3A_607 : memref<128x64xf32, #tpu.memory_space<vmem>>) offsets(%dma_start3A_610 : memref<128xi32, #tpu.memory_space<vmem>>) semaphore(%arg14 : memref<!tpu.dma_semaphore, #tpu.memory_space<semaphore_mem>>)
      %dma_wait3A_618 = arith.constant 4 : i32
      %dma_wait3A_619 = arith.constant 0 : i32
      %dma_wait3A_620 = arith.constant 0 : i32
      %dma_wait3A_621 = arith.constant 0 : i32
      %dma_wait3A_622 = tpu.memref_slice %arg8[%dma_wait3A_618, %dma_wait3A_620, %dma_wait3A_621] : memref<5x128x64xf32, #tpu.memory_space<vmem>> -> memref<1x128x64xf32, #tpu.memory_space<vmem>>
      %dma_wait3A_623 = tpu.memref_squeeze %dma_wait3A_622 : memref<1x128x64xf32, #tpu.memory_space<vmem>> -> memref<128x64xf32, #tpu.memory_space<vmem>>
      %dma_wait3A_624 = arith.constant 0 : i32
      %dma_wait3A_625 = tpu.memref_slice %arg7[%dma_wait3A_619, %dma_wait3A_624] : memref<160x128xi32, #tpu.memory_space<vmem>> -> memref<1x128xi32, #tpu.memory_space<vmem>>
      %dma_wait3A_626 = tpu.memref_squeeze %dma_wait3A_625 : memref<1x128xi32, #tpu.memory_space<vmem>> -> memref<128xi32, #tpu.memory_space<vmem>>
      %dma_wait3A_627 = arith.constant 0 : i32
      %dma_wait3A_628 = arith.constant 0 : i32
      %dma_wait3A_629 = tpu.memref_slice %arg10[%dma_wait3A_627, %dma_wait3A_628] : memref<10240x64xf32, #tpu.memory_space<vmem_shared>> -> memref<10240x64xf32, #tpu.memory_space<vmem_shared>>
      tpu.wait_indirect_dma semaphore(%arg20 : memref<!tpu.dma_semaphore, #tpu.memory_space<semaphore_mem>>) src(%dma_wait3A_623 : memref<128x64xf32, #tpu.memory_space<vmem>>) dst(%dma_wait3A_629 : memref<10240x64xf32, #tpu.memory_space<vmem_shared>>)
      %add3A_630 = arith.constant 1 : i32
      %add3A_631 = arith.addi %add3A_330, %add3A_630 : i32
      %mul3A_632 = arith.constant 5 : i32
      %mul3A_633 = arith.muli %mul3A_632, %add3A_631 : i32
      %add3A_634 = arith.constant 4 : i32
      %add3A_635 = arith.addi %mul3A_633, %add3A_634 : i32
      %dma_start3A_636 = arith.constant 4 : i32
      %dma_start3A_637 = arith.constant 0 : i32
      %dma_start3A_638 = arith.constant 0 : i32
      %dma_start3A_639 = tpu.memref_slice %arg8[%dma_start3A_636, %dma_start3A_637, %dma_start3A_638] : memref<5x128x64xf32, #tpu.memory_space<vmem>> -> memref<1x128x64xf32, #tpu.memory_space<vmem>>
      %dma_start3A_640 = tpu.memref_squeeze %dma_start3A_639 : memref<1x128x64xf32, #tpu.memory_space<vmem>> -> memref<128x64xf32, #tpu.memory_space<vmem>>
      %dma_start3A_641 = arith.constant 0 : i32
      %dma_start3A_642 = tpu.memref_slice %arg6[%add3A_635, %dma_start3A_641] : memref<160x128xi32, #tpu.memory_space<vmem>> -> memref<1x128xi32, #tpu.memory_space<vmem>>
      %dma_start3A_643 = tpu.memref_squeeze %dma_start3A_642 : memref<1x128xi32, #tpu.memory_space<vmem>> -> memref<128xi32, #tpu.memory_space<vmem>>
      %dma_start3A_644 = arith.constant 0 : i32
      %dma_start3A_645 = arith.constant 0 : i32
      %dma_start3A_646 = tpu.memref_slice %arg2[%arg0, %dma_start3A_644, %dma_start3A_645] : memref<2x10240x64xf32, #tpu.memory_space<hbm>> -> memref<1x10240x64xf32, #tpu.memory_space<hbm>>
      %dma_start3A_647 = tpu.memref_squeeze %dma_start3A_646 : memref<1x10240x64xf32, #tpu.memory_space<hbm>> -> memref<10240x64xf32, #tpu.memory_space<hbm>>
      %dma_start3A_648 = arith.constant 0 : i32
      %dma_start3A_649 = arith.constant 0 : i32
      %dma_start3A_650 = tpu.memref_slice %dma_start3A_647[%dma_start3A_648, %dma_start3A_649] : memref<10240x64xf32, #tpu.memory_space<hbm>> -> memref<10240x64xf32, #tpu.memory_space<hbm>>
      tpu.enqueue_indirect_dma source(%dma_start3A_650 : memref<10240x64xf32, #tpu.memory_space<hbm>>) target(%dma_start3A_640 : memref<128x64xf32, #tpu.memory_space<vmem>>) offsets(%dma_start3A_643 : memref<128xi32, #tpu.memory_space<vmem>>) semaphore(%arg15 : memref<!tpu.dma_semaphore, #tpu.memory_space<semaphore_mem>>)
    }
    %scan3A_105 = arith.constant 31 : i32
    %dma_wait3A = arith.constant 0 : i32
    %dma_wait3A_106 = arith.constant 0 : i32
    %dma_wait3A_107 = arith.constant 0 : i32
    %dma_wait3A_108 = arith.constant 0 : i32
    %dma_wait3A_109 = tpu.memref_slice %arg8[%dma_wait3A_106, %dma_wait3A_107, %dma_wait3A_108] : memref<5x128x64xf32, #tpu.memory_space<vmem>> -> memref<1x128x64xf32, #tpu.memory_space<vmem>>
    %dma_wait3A_110 = tpu.memref_squeeze %dma_wait3A_109 : memref<1x128x64xf32, #tpu.memory_space<vmem>> -> memref<128x64xf32, #tpu.memory_space<vmem>>
    %dma_wait3A_111 = arith.constant 0 : i32
    %dma_wait3A_112 = tpu.memref_slice %arg6[%dma_wait3A, %dma_wait3A_111] : memref<160x128xi32, #tpu.memory_space<vmem>> -> memref<1x128xi32, #tpu.memory_space<vmem>>
    %dma_wait3A_113 = tpu.memref_squeeze %dma_wait3A_112 : memref<1x128xi32, #tpu.memory_space<vmem>> -> memref<128xi32, #tpu.memory_space<vmem>>
    %dma_wait3A_114 = arith.constant 0 : i32
    %dma_wait3A_115 = arith.constant 0 : i32
    %dma_wait3A_116 = tpu.memref_slice %arg2[%arg0, %dma_wait3A_114, %dma_wait3A_115] : memref<2x10240x64xf32, #tpu.memory_space<hbm>> -> memref<1x10240x64xf32, #tpu.memory_space<hbm>>
    %dma_wait3A_117 = tpu.memref_squeeze %dma_wait3A_116 : memref<1x10240x64xf32, #tpu.memory_space<hbm>> -> memref<10240x64xf32, #tpu.memory_space<hbm>>
    %dma_wait3A_118 = arith.constant 0 : i32
    %dma_wait3A_119 = arith.constant 0 : i32
    %dma_wait3A_120 = tpu.memref_slice %dma_wait3A_117[%dma_wait3A_118, %dma_wait3A_119] : memref<10240x64xf32, #tpu.memory_space<hbm>> -> memref<10240x64xf32, #tpu.memory_space<hbm>>
    tpu.wait_indirect_dma semaphore(%arg11 : memref<!tpu.dma_semaphore, #tpu.memory_space<semaphore_mem>>) src(%dma_wait3A_120 : memref<10240x64xf32, #tpu.memory_space<hbm>>) dst(%dma_wait3A_110 : memref<128x64xf32, #tpu.memory_space<vmem>>)
    %dma_start3A_121 = arith.constant 0 : i32
    %dma_start3A_122 = arith.constant 155 : i32
    %dma_start3A_123 = arith.constant 0 : i32
    %dma_start3A_124 = arith.constant 0 : i32
    %dma_start3A_125 = tpu.memref_slice %arg8[%dma_start3A_121, %dma_start3A_123, %dma_start3A_124] : memref<5x128x64xf32, #tpu.memory_space<vmem>> -> memref<1x128x64xf32, #tpu.memory_space<vmem>>
    %dma_start3A_126 = tpu.memref_squeeze %dma_start3A_125 : memref<1x128x64xf32, #tpu.memory_space<vmem>> -> memref<128x64xf32, #tpu.memory_space<vmem>>
    %dma_start3A_127 = arith.constant 0 : i32
    %dma_start3A_128 = tpu.memref_slice %arg7[%dma_start3A_122, %dma_start3A_127] : memref<160x128xi32, #tpu.memory_space<vmem>> -> memref<1x128xi32, #tpu.memory_space<vmem>>
    %dma_start3A_129 = tpu.memref_squeeze %dma_start3A_128 : memref<1x128xi32, #tpu.memory_space<vmem>> -> memref<128xi32, #tpu.memory_space<vmem>>
    %dma_start3A_130 = arith.constant 0 : i32
    %dma_start3A_131 = arith.constant 0 : i32
    %dma_start3A_132 = tpu.memref_slice %arg10[%dma_start3A_130, %dma_start3A_131] : memref<10240x64xf32, #tpu.memory_space<vmem_shared>> -> memref<10240x64xf32, #tpu.memory_space<vmem_shared>>
    tpu.enqueue_indirect_dma source(%dma_start3A_126 : memref<128x64xf32, #tpu.memory_space<vmem>>) target(%dma_start3A_132 : memref<10240x64xf32, #tpu.memory_space<vmem_shared>>) offsets(%dma_start3A_129 : memref<128xi32, #tpu.memory_space<vmem>>) semaphore(%arg16 : memref<!tpu.dma_semaphore, #tpu.memory_space<semaphore_mem>>) {add = true}
    %dma_wait3A_133 = arith.constant 0 : i32
    %dma_wait3A_134 = arith.constant 1 : i32
    %dma_wait3A_135 = arith.constant 0 : i32
    %dma_wait3A_136 = arith.constant 0 : i32
    %dma_wait3A_137 = tpu.memref_slice %arg8[%dma_wait3A_134, %dma_wait3A_135, %dma_wait3A_136] : memref<5x128x64xf32, #tpu.memory_space<vmem>> -> memref<1x128x64xf32, #tpu.memory_space<vmem>>
    %dma_wait3A_138 = tpu.memref_squeeze %dma_wait3A_137 : memref<1x128x64xf32, #tpu.memory_space<vmem>> -> memref<128x64xf32, #tpu.memory_space<vmem>>
    %dma_wait3A_139 = arith.constant 0 : i32
    %dma_wait3A_140 = tpu.memref_slice %arg6[%dma_wait3A_133, %dma_wait3A_139] : memref<160x128xi32, #tpu.memory_space<vmem>> -> memref<1x128xi32, #tpu.memory_space<vmem>>
    %dma_wait3A_141 = tpu.memref_squeeze %dma_wait3A_140 : memref<1x128xi32, #tpu.memory_space<vmem>> -> memref<128xi32, #tpu.memory_space<vmem>>
    %dma_wait3A_142 = arith.constant 0 : i32
    %dma_wait3A_143 = arith.constant 0 : i32
    %dma_wait3A_144 = tpu.memref_slice %arg2[%arg0, %dma_wait3A_142, %dma_wait3A_143] : memref<2x10240x64xf32, #tpu.memory_space<hbm>> -> memref<1x10240x64xf32, #tpu.memory_space<hbm>>
    %dma_wait3A_145 = tpu.memref_squeeze %dma_wait3A_144 : memref<1x10240x64xf32, #tpu.memory_space<hbm>> -> memref<10240x64xf32, #tpu.memory_space<hbm>>
    %dma_wait3A_146 = arith.constant 0 : i32
    %dma_wait3A_147 = arith.constant 0 : i32
    %dma_wait3A_148 = tpu.memref_slice %dma_wait3A_145[%dma_wait3A_146, %dma_wait3A_147] : memref<10240x64xf32, #tpu.memory_space<hbm>> -> memref<10240x64xf32, #tpu.memory_space<hbm>>
    tpu.wait_indirect_dma semaphore(%arg12 : memref<!tpu.dma_semaphore, #tpu.memory_space<semaphore_mem>>) src(%dma_wait3A_148 : memref<10240x64xf32, #tpu.memory_space<hbm>>) dst(%dma_wait3A_138 : memref<128x64xf32, #tpu.memory_space<vmem>>)
    %dma_start3A_149 = arith.constant 1 : i32
    %dma_start3A_150 = arith.constant 156 : i32
    %dma_start3A_151 = arith.constant 0 : i32
    %dma_start3A_152 = arith.constant 0 : i32
    %dma_start3A_153 = tpu.memref_slice %arg8[%dma_start3A_149, %dma_start3A_151, %dma_start3A_152] : memref<5x128x64xf32, #tpu.memory_space<vmem>> -> memref<1x128x64xf32, #tpu.memory_space<vmem>>
    %dma_start3A_154 = tpu.memref_squeeze %dma_start3A_153 : memref<1x128x64xf32, #tpu.memory_space<vmem>> -> memref<128x64xf32, #tpu.memory_space<vmem>>
    %dma_start3A_155 = arith.constant 0 : i32
    %dma_start3A_156 = tpu.memref_slice %arg7[%dma_start3A_150, %dma_start3A_155] : memref<160x128xi32, #tpu.memory_space<vmem>> -> memref<1x128xi32, #tpu.memory_space<vmem>>
    %dma_start3A_157 = tpu.memref_squeeze %dma_start3A_156 : memref<1x128xi32, #tpu.memory_space<vmem>> -> memref<128xi32, #tpu.memory_space<vmem>>
    %dma_start3A_158 = arith.constant 0 : i32
    %dma_start3A_159 = arith.constant 0 : i32
    %dma_start3A_160 = tpu.memref_slice %arg10[%dma_start3A_158, %dma_start3A_159] : memref<10240x64xf32, #tpu.memory_space<vmem_shared>> -> memref<10240x64xf32, #tpu.memory_space<vmem_shared>>
    tpu.enqueue_indirect_dma source(%dma_start3A_154 : memref<128x64xf32, #tpu.memory_space<vmem>>) target(%dma_start3A_160 : memref<10240x64xf32, #tpu.memory_space<vmem_shared>>) offsets(%dma_start3A_157 : memref<128xi32, #tpu.memory_space<vmem>>) semaphore(%arg17 : memref<!tpu.dma_semaphore, #tpu.memory_space<semaphore_mem>>) {add = true}
    %dma_wait3A_161 = arith.constant 0 : i32
    %dma_wait3A_162 = arith.constant 2 : i32
    %dma_wait3A_163 = arith.constant 0 : i32
    %dma_wait3A_164 = arith.constant 0 : i32
    %dma_wait3A_165 = tpu.memref_slice %arg8[%dma_wait3A_162, %dma_wait3A_163, %dma_wait3A_164] : memref<5x128x64xf32, #tpu.memory_space<vmem>> -> memref<1x128x64xf32, #tpu.memory_space<vmem>>
    %dma_wait3A_166 = tpu.memref_squeeze %dma_wait3A_165 : memref<1x128x64xf32, #tpu.memory_space<vmem>> -> memref<128x64xf32, #tpu.memory_space<vmem>>
    %dma_wait3A_167 = arith.constant 0 : i32
    %dma_wait3A_168 = tpu.memref_slice %arg6[%dma_wait3A_161, %dma_wait3A_167] : memref<160x128xi32, #tpu.memory_space<vmem>> -> memref<1x128xi32, #tpu.memory_space<vmem>>
    %dma_wait3A_169 = tpu.memref_squeeze %dma_wait3A_168 : memref<1x128xi32, #tpu.memory_space<vmem>> -> memref<128xi32, #tpu.memory_space<vmem>>
    %dma_wait3A_170 = arith.constant 0 : i32
    %dma_wait3A_171 = arith.constant 0 : i32
    %dma_wait3A_172 = tpu.memref_slice %arg2[%arg0, %dma_wait3A_170, %dma_wait3A_171] : memref<2x10240x64xf32, #tpu.memory_space<hbm>> -> memref<1x10240x64xf32, #tpu.memory_space<hbm>>
    %dma_wait3A_173 = tpu.memref_squeeze %dma_wait3A_172 : memref<1x10240x64xf32, #tpu.memory_space<hbm>> -> memref<10240x64xf32, #tpu.memory_space<hbm>>
    %dma_wait3A_174 = arith.constant 0 : i32
    %dma_wait3A_175 = arith.constant 0 : i32
    %dma_wait3A_176 = tpu.memref_slice %dma_wait3A_173[%dma_wait3A_174, %dma_wait3A_175] : memref<10240x64xf32, #tpu.memory_space<hbm>> -> memref<10240x64xf32, #tpu.memory_space<hbm>>
    tpu.wait_indirect_dma semaphore(%arg13 : memref<!tpu.dma_semaphore, #tpu.memory_space<semaphore_mem>>) src(%dma_wait3A_176 : memref<10240x64xf32, #tpu.memory_space<hbm>>) dst(%dma_wait3A_166 : memref<128x64xf32, #tpu.memory_space<vmem>>)
    %dma_start3A_177 = arith.constant 2 : i32
    %dma_start3A_178 = arith.constant 157 : i32
    %dma_start3A_179 = arith.constant 0 : i32
    %dma_start3A_180 = arith.constant 0 : i32
    %dma_start3A_181 = tpu.memref_slice %arg8[%dma_start3A_177, %dma_start3A_179, %dma_start3A_180] : memref<5x128x64xf32, #tpu.memory_space<vmem>> -> memref<1x128x64xf32, #tpu.memory_space<vmem>>
    %dma_start3A_182 = tpu.memref_squeeze %dma_start3A_181 : memref<1x128x64xf32, #tpu.memory_space<vmem>> -> memref<128x64xf32, #tpu.memory_space<vmem>>
    %dma_start3A_183 = arith.constant 0 : i32
    %dma_start3A_184 = tpu.memref_slice %arg7[%dma_start3A_178, %dma_start3A_183] : memref<160x128xi32, #tpu.memory_space<vmem>> -> memref<1x128xi32, #tpu.memory_space<vmem>>
    %dma_start3A_185 = tpu.memref_squeeze %dma_start3A_184 : memref<1x128xi32, #tpu.memory_space<vmem>> -> memref<128xi32, #tpu.memory_space<vmem>>
    %dma_start3A_186 = arith.constant 0 : i32
    %dma_start3A_187 = arith.constant 0 : i32
    %dma_start3A_188 = tpu.memref_slice %arg10[%dma_start3A_186, %dma_start3A_187] : memref<10240x64xf32, #tpu.memory_space<vmem_shared>> -> memref<10240x64xf32, #tpu.memory_space<vmem_shared>>
    tpu.enqueue_indirect_dma source(%dma_start3A_182 : memref<128x64xf32, #tpu.memory_space<vmem>>) target(%dma_start3A_188 : memref<10240x64xf32, #tpu.memory_space<vmem_shared>>) offsets(%dma_start3A_185 : memref<128xi32, #tpu.memory_space<vmem>>) semaphore(%arg18 : memref<!tpu.dma_semaphore, #tpu.memory_space<semaphore_mem>>) {add = true}
    %dma_wait3A_189 = arith.constant 0 : i32
    %dma_wait3A_190 = arith.constant 3 : i32
    %dma_wait3A_191 = arith.constant 0 : i32
    %dma_wait3A_192 = arith.constant 0 : i32
    %dma_wait3A_193 = tpu.memref_slice %arg8[%dma_wait3A_190, %dma_wait3A_191, %dma_wait3A_192] : memref<5x128x64xf32, #tpu.memory_space<vmem>> -> memref<1x128x64xf32, #tpu.memory_space<vmem>>
    %dma_wait3A_194 = tpu.memref_squeeze %dma_wait3A_193 : memref<1x128x64xf32, #tpu.memory_space<vmem>> -> memref<128x64xf32, #tpu.memory_space<vmem>>
    %dma_wait3A_195 = arith.constant 0 : i32
    %dma_wait3A_196 = tpu.memref_slice %arg6[%dma_wait3A_189, %dma_wait3A_195] : memref<160x128xi32, #tpu.memory_space<vmem>> -> memref<1x128xi32, #tpu.memory_space<vmem>>
    %dma_wait3A_197 = tpu.memref_squeeze %dma_wait3A_196 : memref<1x128xi32, #tpu.memory_space<vmem>> -> memref<128xi32, #tpu.memory_space<vmem>>
    %dma_wait3A_198 = arith.constant 0 : i32
    %dma_wait3A_199 = arith.constant 0 : i32
    %dma_wait3A_200 = tpu.memref_slice %arg2[%arg0, %dma_wait3A_198, %dma_wait3A_199] : memref<2x10240x64xf32, #tpu.memory_space<hbm>> -> memref<1x10240x64xf32, #tpu.memory_space<hbm>>
    %dma_wait3A_201 = tpu.memref_squeeze %dma_wait3A_200 : memref<1x10240x64xf32, #tpu.memory_space<hbm>> -> memref<10240x64xf32, #tpu.memory_space<hbm>>
    %dma_wait3A_202 = arith.constant 0 : i32
    %dma_wait3A_203 = arith.constant 0 : i32
    %dma_wait3A_204 = tpu.memref_slice %dma_wait3A_201[%dma_wait3A_202, %dma_wait3A_203] : memref<10240x64xf32, #tpu.memory_space<hbm>> -> memref<10240x64xf32, #tpu.memory_space<hbm>>
    tpu.wait_indirect_dma semaphore(%arg14 : memref<!tpu.dma_semaphore, #tpu.memory_space<semaphore_mem>>) src(%dma_wait3A_204 : memref<10240x64xf32, #tpu.memory_space<hbm>>) dst(%dma_wait3A_194 : memref<128x64xf32, #tpu.memory_space<vmem>>)
    %dma_start3A_205 = arith.constant 3 : i32
    %dma_start3A_206 = arith.constant 158 : i32
    %dma_start3A_207 = arith.constant 0 : i32
    %dma_start3A_208 = arith.constant 0 : i32
    %dma_start3A_209 = tpu.memref_slice %arg8[%dma_start3A_205, %dma_start3A_207, %dma_start3A_208] : memref<5x128x64xf32, #tpu.memory_space<vmem>> -> memref<1x128x64xf32, #tpu.memory_space<vmem>>
    %dma_start3A_210 = tpu.memref_squeeze %dma_start3A_209 : memref<1x128x64xf32, #tpu.memory_space<vmem>> -> memref<128x64xf32, #tpu.memory_space<vmem>>
    %dma_start3A_211 = arith.constant 0 : i32
    %dma_start3A_212 = tpu.memref_slice %arg7[%dma_start3A_206, %dma_start3A_211] : memref<160x128xi32, #tpu.memory_space<vmem>> -> memref<1x128xi32, #tpu.memory_space<vmem>>
    %dma_start3A_213 = tpu.memref_squeeze %dma_start3A_212 : memref<1x128xi32, #tpu.memory_space<vmem>> -> memref<128xi32, #tpu.memory_space<vmem>>
    %dma_start3A_214 = arith.constant 0 : i32
    %dma_start3A_215 = arith.constant 0 : i32
    %dma_start3A_216 = tpu.memref_slice %arg10[%dma_start3A_214, %dma_start3A_215] : memref<10240x64xf32, #tpu.memory_space<vmem_shared>> -> memref<10240x64xf32, #tpu.memory_space<vmem_shared>>
    tpu.enqueue_indirect_dma source(%dma_start3A_210 : memref<128x64xf32, #tpu.memory_space<vmem>>) target(%dma_start3A_216 : memref<10240x64xf32, #tpu.memory_space<vmem_shared>>) offsets(%dma_start3A_213 : memref<128xi32, #tpu.memory_space<vmem>>) semaphore(%arg19 : memref<!tpu.dma_semaphore, #tpu.memory_space<semaphore_mem>>) {add = true}
    %dma_wait3A_217 = arith.constant 0 : i32
    %dma_wait3A_218 = arith.constant 4 : i32
    %dma_wait3A_219 = arith.constant 0 : i32
    %dma_wait3A_220 = arith.constant 0 : i32
    %dma_wait3A_221 = tpu.memref_slice %arg8[%dma_wait3A_218, %dma_wait3A_219, %dma_wait3A_220] : memref<5x128x64xf32, #tpu.memory_space<vmem>> -> memref<1x128x64xf32, #tpu.memory_space<vmem>>
    %dma_wait3A_222 = tpu.memref_squeeze %dma_wait3A_221 : memref<1x128x64xf32, #tpu.memory_space<vmem>> -> memref<128x64xf32, #tpu.memory_space<vmem>>
    %dma_wait3A_223 = arith.constant 0 : i32
    %dma_wait3A_224 = tpu.memref_slice %arg6[%dma_wait3A_217, %dma_wait3A_223] : memref<160x128xi32, #tpu.memory_space<vmem>> -> memref<1x128xi32, #tpu.memory_space<vmem>>
    %dma_wait3A_225 = tpu.memref_squeeze %dma_wait3A_224 : memref<1x128xi32, #tpu.memory_space<vmem>> -> memref<128xi32, #tpu.memory_space<vmem>>
    %dma_wait3A_226 = arith.constant 0 : i32
    %dma_wait3A_227 = arith.constant 0 : i32
    %dma_wait3A_228 = tpu.memref_slice %arg2[%arg0, %dma_wait3A_226, %dma_wait3A_227] : memref<2x10240x64xf32, #tpu.memory_space<hbm>> -> memref<1x10240x64xf32, #tpu.memory_space<hbm>>
    %dma_wait3A_229 = tpu.memref_squeeze %dma_wait3A_228 : memref<1x10240x64xf32, #tpu.memory_space<hbm>> -> memref<10240x64xf32, #tpu.memory_space<hbm>>
    %dma_wait3A_230 = arith.constant 0 : i32
    %dma_wait3A_231 = arith.constant 0 : i32
    %dma_wait3A_232 = tpu.memref_slice %dma_wait3A_229[%dma_wait3A_230, %dma_wait3A_231] : memref<10240x64xf32, #tpu.memory_space<hbm>> -> memref<10240x64xf32, #tpu.memory_space<hbm>>
    tpu.wait_indirect_dma semaphore(%arg15 : memref<!tpu.dma_semaphore, #tpu.memory_space<semaphore_mem>>) src(%dma_wait3A_232 : memref<10240x64xf32, #tpu.memory_space<hbm>>) dst(%dma_wait3A_222 : memref<128x64xf32, #tpu.memory_space<vmem>>)
    %dma_start3A_233 = arith.constant 4 : i32
    %dma_start3A_234 = arith.constant 159 : i32
    %dma_start3A_235 = arith.constant 0 : i32
    %dma_start3A_236 = arith.constant 0 : i32
    %dma_start3A_237 = tpu.memref_slice %arg8[%dma_start3A_233, %dma_start3A_235, %dma_start3A_236] : memref<5x128x64xf32, #tpu.memory_space<vmem>> -> memref<1x128x64xf32, #tpu.memory_space<vmem>>
    %dma_start3A_238 = tpu.memref_squeeze %dma_start3A_237 : memref<1x128x64xf32, #tpu.memory_space<vmem>> -> memref<128x64xf32, #tpu.memory_space<vmem>>
    %dma_start3A_239 = arith.constant 0 : i32
    %dma_start3A_240 = tpu.memref_slice %arg7[%dma_start3A_234, %dma_start3A_239] : memref<160x128xi32, #tpu.memory_space<vmem>> -> memref<1x128xi32, #tpu.memory_space<vmem>>
    %dma_start3A_241 = tpu.memref_squeeze %dma_start3A_240 : memref<1x128xi32, #tpu.memory_space<vmem>> -> memref<128xi32, #tpu.memory_space<vmem>>
    %dma_start3A_242 = arith.constant 0 : i32
    %dma_start3A_243 = arith.constant 0 : i32
    %dma_start3A_244 = tpu.memref_slice %arg10[%dma_start3A_242, %dma_start3A_243] : memref<10240x64xf32, #tpu.memory_space<vmem_shared>> -> memref<10240x64xf32, #tpu.memory_space<vmem_shared>>
    tpu.enqueue_indirect_dma source(%dma_start3A_238 : memref<128x64xf32, #tpu.memory_space<vmem>>) target(%dma_start3A_244 : memref<10240x64xf32, #tpu.memory_space<vmem_shared>>) offsets(%dma_start3A_241 : memref<128xi32, #tpu.memory_space<vmem>>) semaphore(%arg20 : memref<!tpu.dma_semaphore, #tpu.memory_space<semaphore_mem>>) {add = true}
    %dma_wait3A_245 = arith.constant 0 : i32
    %dma_wait3A_246 = arith.constant 0 : i32
    %dma_wait3A_247 = arith.constant 0 : i32
    %dma_wait3A_248 = arith.constant 0 : i32
    %dma_wait3A_249 = tpu.memref_slice %arg8[%dma_wait3A_245, %dma_wait3A_247, %dma_wait3A_248] : memref<5x128x64xf32, #tpu.memory_space<vmem>> -> memref<1x128x64xf32, #tpu.memory_space<vmem>>
    %dma_wait3A_250 = tpu.memref_squeeze %dma_wait3A_249 : memref<1x128x64xf32, #tpu.memory_space<vmem>> -> memref<128x64xf32, #tpu.memory_space<vmem>>
    %dma_wait3A_251 = arith.constant 0 : i32
    %dma_wait3A_252 = tpu.memref_slice %arg7[%dma_wait3A_246, %dma_wait3A_251] : memref<160x128xi32, #tpu.memory_space<vmem>> -> memref<1x128xi32, #tpu.memory_space<vmem>>
    %dma_wait3A_253 = tpu.memref_squeeze %dma_wait3A_252 : memref<1x128xi32, #tpu.memory_space<vmem>> -> memref<128xi32, #tpu.memory_space<vmem>>
    %dma_wait3A_254 = arith.constant 0 : i32
    %dma_wait3A_255 = arith.constant 0 : i32
    %dma_wait3A_256 = tpu.memref_slice %arg10[%dma_wait3A_254, %dma_wait3A_255] : memref<10240x64xf32, #tpu.memory_space<vmem_shared>> -> memref<10240x64xf32, #tpu.memory_space<vmem_shared>>
    tpu.wait_indirect_dma semaphore(%arg16 : memref<!tpu.dma_semaphore, #tpu.memory_space<semaphore_mem>>) src(%dma_wait3A_250 : memref<128x64xf32, #tpu.memory_space<vmem>>) dst(%dma_wait3A_256 : memref<10240x64xf32, #tpu.memory_space<vmem_shared>>)
    %dma_wait3A_257 = arith.constant 1 : i32
    %dma_wait3A_258 = arith.constant 0 : i32
    %dma_wait3A_259 = arith.constant 0 : i32
    %dma_wait3A_260 = arith.constant 0 : i32
    %dma_wait3A_261 = tpu.memref_slice %arg8[%dma_wait3A_257, %dma_wait3A_259, %dma_wait3A_260] : memref<5x128x64xf32, #tpu.memory_space<vmem>> -> memref<1x128x64xf32, #tpu.memory_space<vmem>>
    %dma_wait3A_262 = tpu.memref_squeeze %dma_wait3A_261 : memref<1x128x64xf32, #tpu.memory_space<vmem>> -> memref<128x64xf32, #tpu.memory_space<vmem>>
    %dma_wait3A_263 = arith.constant 0 : i32
    %dma_wait3A_264 = tpu.memref_slice %arg7[%dma_wait3A_258, %dma_wait3A_263] : memref<160x128xi32, #tpu.memory_space<vmem>> -> memref<1x128xi32, #tpu.memory_space<vmem>>
    %dma_wait3A_265 = tpu.memref_squeeze %dma_wait3A_264 : memref<1x128xi32, #tpu.memory_space<vmem>> -> memref<128xi32, #tpu.memory_space<vmem>>
    %dma_wait3A_266 = arith.constant 0 : i32
    %dma_wait3A_267 = arith.constant 0 : i32
    %dma_wait3A_268 = tpu.memref_slice %arg10[%dma_wait3A_266, %dma_wait3A_267] : memref<10240x64xf32, #tpu.memory_space<vmem_shared>> -> memref<10240x64xf32, #tpu.memory_space<vmem_shared>>
    tpu.wait_indirect_dma semaphore(%arg17 : memref<!tpu.dma_semaphore, #tpu.memory_space<semaphore_mem>>) src(%dma_wait3A_262 : memref<128x64xf32, #tpu.memory_space<vmem>>) dst(%dma_wait3A_268 : memref<10240x64xf32, #tpu.memory_space<vmem_shared>>)
    %dma_wait3A_269 = arith.constant 2 : i32
    %dma_wait3A_270 = arith.constant 0 : i32
    %dma_wait3A_271 = arith.constant 0 : i32
    %dma_wait3A_272 = arith.constant 0 : i32
    %dma_wait3A_273 = tpu.memref_slice %arg8[%dma_wait3A_269, %dma_wait3A_271, %dma_wait3A_272] : memref<5x128x64xf32, #tpu.memory_space<vmem>> -> memref<1x128x64xf32, #tpu.memory_space<vmem>>
    %dma_wait3A_274 = tpu.memref_squeeze %dma_wait3A_273 : memref<1x128x64xf32, #tpu.memory_space<vmem>> -> memref<128x64xf32, #tpu.memory_space<vmem>>
    %dma_wait3A_275 = arith.constant 0 : i32
    %dma_wait3A_276 = tpu.memref_slice %arg7[%dma_wait3A_270, %dma_wait3A_275] : memref<160x128xi32, #tpu.memory_space<vmem>> -> memref<1x128xi32, #tpu.memory_space<vmem>>
    %dma_wait3A_277 = tpu.memref_squeeze %dma_wait3A_276 : memref<1x128xi32, #tpu.memory_space<vmem>> -> memref<128xi32, #tpu.memory_space<vmem>>
    %dma_wait3A_278 = arith.constant 0 : i32
    %dma_wait3A_279 = arith.constant 0 : i32
    %dma_wait3A_280 = tpu.memref_slice %arg10[%dma_wait3A_278, %dma_wait3A_279] : memref<10240x64xf32, #tpu.memory_space<vmem_shared>> -> memref<10240x64xf32, #tpu.memory_space<vmem_shared>>
    tpu.wait_indirect_dma semaphore(%arg18 : memref<!tpu.dma_semaphore, #tpu.memory_space<semaphore_mem>>) src(%dma_wait3A_274 : memref<128x64xf32, #tpu.memory_space<vmem>>) dst(%dma_wait3A_280 : memref<10240x64xf32, #tpu.memory_space<vmem_shared>>)
    %dma_wait3A_281 = arith.constant 3 : i32
    %dma_wait3A_282 = arith.constant 0 : i32
    %dma_wait3A_283 = arith.constant 0 : i32
    %dma_wait3A_284 = arith.constant 0 : i32
    %dma_wait3A_285 = tpu.memref_slice %arg8[%dma_wait3A_281, %dma_wait3A_283, %dma_wait3A_284] : memref<5x128x64xf32, #tpu.memory_space<vmem>> -> memref<1x128x64xf32, #tpu.memory_space<vmem>>
    %dma_wait3A_286 = tpu.memref_squeeze %dma_wait3A_285 : memref<1x128x64xf32, #tpu.memory_space<vmem>> -> memref<128x64xf32, #tpu.memory_space<vmem>>
    %dma_wait3A_287 = arith.constant 0 : i32
    %dma_wait3A_288 = tpu.memref_slice %arg7[%dma_wait3A_282, %dma_wait3A_287] : memref<160x128xi32, #tpu.memory_space<vmem>> -> memref<1x128xi32, #tpu.memory_space<vmem>>
    %dma_wait3A_289 = tpu.memref_squeeze %dma_wait3A_288 : memref<1x128xi32, #tpu.memory_space<vmem>> -> memref<128xi32, #tpu.memory_space<vmem>>
    %dma_wait3A_290 = arith.constant 0 : i32
    %dma_wait3A_291 = arith.constant 0 : i32
    %dma_wait3A_292 = tpu.memref_slice %arg10[%dma_wait3A_290, %dma_wait3A_291] : memref<10240x64xf32, #tpu.memory_space<vmem_shared>> -> memref<10240x64xf32, #tpu.memory_space<vmem_shared>>
    tpu.wait_indirect_dma semaphore(%arg19 : memref<!tpu.dma_semaphore, #tpu.memory_space<semaphore_mem>>) src(%dma_wait3A_286 : memref<128x64xf32, #tpu.memory_space<vmem>>) dst(%dma_wait3A_292 : memref<10240x64xf32, #tpu.memory_space<vmem_shared>>)
    %dma_wait3A_293 = arith.constant 4 : i32
    %dma_wait3A_294 = arith.constant 0 : i32
    %dma_wait3A_295 = arith.constant 0 : i32
    %dma_wait3A_296 = arith.constant 0 : i32
    %dma_wait3A_297 = tpu.memref_slice %arg8[%dma_wait3A_293, %dma_wait3A_295, %dma_wait3A_296] : memref<5x128x64xf32, #tpu.memory_space<vmem>> -> memref<1x128x64xf32, #tpu.memory_space<vmem>>
    %dma_wait3A_298 = tpu.memref_squeeze %dma_wait3A_297 : memref<1x128x64xf32, #tpu.memory_space<vmem>> -> memref<128x64xf32, #tpu.memory_space<vmem>>
    %dma_wait3A_299 = arith.constant 0 : i32
    %dma_wait3A_300 = tpu.memref_slice %arg7[%dma_wait3A_294, %dma_wait3A_299] : memref<160x128xi32, #tpu.memory_space<vmem>> -> memref<1x128xi32, #tpu.memory_space<vmem>>
    %dma_wait3A_301 = tpu.memref_squeeze %dma_wait3A_300 : memref<1x128xi32, #tpu.memory_space<vmem>> -> memref<128xi32, #tpu.memory_space<vmem>>
    %dma_wait3A_302 = arith.constant 0 : i32
    %dma_wait3A_303 = arith.constant 0 : i32
    %dma_wait3A_304 = tpu.memref_slice %arg10[%dma_wait3A_302, %dma_wait3A_303] : memref<10240x64xf32, #tpu.memory_space<vmem_shared>> -> memref<10240x64xf32, #tpu.memory_space<vmem_shared>>
    tpu.wait_indirect_dma semaphore(%arg20 : memref<!tpu.dma_semaphore, #tpu.memory_space<semaphore_mem>>) src(%dma_wait3A_298 : memref<128x64xf32, #tpu.memory_space<vmem>>) dst(%dma_wait3A_304 : memref<10240x64xf32, #tpu.memory_space<vmem_shared>>)
    %barrier3A_305 = arith.constant 0 : index
    tpu.barrier barrier_id(%barrier3A_305)
    %mul3A_306 = arith.constant 640 : i32
    %mul3A_307 = arith.muli %arg1, %mul3A_306 : i32
    %add3A_308 = arith.constant 0 : i32
    %add3A_309 = arith.addi %mul3A_307, %add3A_308 : i32
    "tpu.region"() ({
      %run_scoped3A = tpu.sem_alloc : memref<!tpu.dma_semaphore, #tpu.memory_space<semaphore_mem>>
      %dma_start3A_326 = arith.constant 0 : i32
      %dma_start3A_327 = tpu.memref_slice %arg10[%add3A_309, %dma_start3A_326] : memref<10240x64xf32, #tpu.memory_space<vmem_shared>> -> memref<128x64xf32, #tpu.memory_space<vmem_shared>>
      %dma_start3A_328 = arith.constant 0 : i32
      %dma_start3A_329 = tpu.memref_slice %arg10[%add3A_309, %dma_start3A_328] : memref<10240x64xf32, #tpu.memory_space<vmem_shared>> -> memref<128x64xf32, #tpu.memory_space<vmem_shared>>
      tpu.enqueue_dma source(%dma_start3A_329 : memref<128x64xf32, #tpu.memory_space<vmem_shared>>) target(%arg9 : memref<128x64xf32, #tpu.memory_space<vmem>>) target_semaphore(%run_scoped3A : memref<!tpu.dma_semaphore, #tpu.memory_space<semaphore_mem>>)
      %dma_wait3A_330 = arith.constant 0 : i32
      %dma_wait3A_331 = tpu.memref_slice %arg10[%add3A_309, %dma_wait3A_330] : memref<10240x64xf32, #tpu.memory_space<vmem_shared>> -> memref<128x64xf32, #tpu.memory_space<vmem_shared>>
      %dma_wait3A_332 = arith.constant 0 : i32
      %dma_wait3A_333 = tpu.memref_slice %arg10[%add3A_309, %dma_wait3A_332] : memref<10240x64xf32, #tpu.memory_space<vmem_shared>> -> memref<128x64xf32, #tpu.memory_space<vmem_shared>>
      tpu.wait_dma2 semaphore(%run_scoped3A : memref<!tpu.dma_semaphore, #tpu.memory_space<semaphore_mem>>) src(%dma_wait3A_333 : memref<128x64xf32, #tpu.memory_space<vmem_shared>>) dst(%arg9 : memref<128x64xf32, #tpu.memory_space<vmem>>)
      tpu.yield
    }) : () -> ()
    "tpu.region"() ({
      %run_scoped3A = tpu.sem_alloc : memref<!tpu.dma_semaphore, #tpu.memory_space<semaphore_mem>>
      %dma_start3A_326 = arith.constant 0 : i32
      %dma_start3A_327 = arith.constant 0 : i32
      %dma_start3A_328 = tpu.memref_slice %arg5[%arg0, %dma_start3A_326, %dma_start3A_327] : memref<2x10240x64xf32, #tpu.memory_space<hbm>> -> memref<1x10240x64xf32, #tpu.memory_space<hbm>>
      %dma_start3A_329 = tpu.memref_squeeze %dma_start3A_328 : memref<1x10240x64xf32, #tpu.memory_space<hbm>> -> memref<10240x64xf32, #tpu.memory_space<hbm>>
      %dma_start3A_330 = arith.constant 0 : i32
      %dma_start3A_331 = tpu.memref_slice %dma_start3A_329[%add3A_309, %dma_start3A_330] : memref<10240x64xf32, #tpu.memory_space<hbm>> -> memref<128x64xf32, #tpu.memory_space<hbm>>
      %dma_start3A_332 = arith.constant 0 : i32
      %dma_start3A_333 = arith.constant 0 : i32
      %dma_start3A_334 = tpu.memref_slice %arg5[%arg0, %dma_start3A_332, %dma_start3A_333] : memref<2x10240x64xf32, #tpu.memory_space<hbm>> -> memref<1x10240x64xf32, #tpu.memory_space<hbm>>
      %dma_start3A_335 = tpu.memref_squeeze %dma_start3A_334 : memref<1x10240x64xf32, #tpu.memory_space<hbm>> -> memref<10240x64xf32, #tpu.memory_space<hbm>>
      %dma_start3A_336 = arith.constant 0 : i32
      %dma_start3A_337 = tpu.memref_slice %dma_start3A_335[%add3A_309, %dma_start3A_336] : memref<10240x64xf32, #tpu.memory_space<hbm>> -> memref<128x64xf32, #tpu.memory_space<hbm>>
      tpu.enqueue_dma source(%arg9 : memref<128x64xf32, #tpu.memory_space<vmem>>) target(%dma_start3A_337 : memref<128x64xf32, #tpu.memory_space<hbm>>) target_semaphore(%run_scoped3A : memref<!tpu.dma_semaphore, #tpu.memory_space<semaphore_mem>>)
      %dma_wait3A_338 = arith.constant 0 : i32
      %dma_wait3A_339 = arith.constant 0 : i32
      %dma_wait3A_340 = tpu.memref_slice %arg5[%arg0, %dma_wait3A_338, %dma_wait3A_339] : memref<2x10240x64xf32, #tpu.memory_space<hbm>> -> memref<1x10240x64xf32, #tpu.memory_space<hbm>>
      %dma_wait3A_341 = tpu.memref_squeeze %dma_wait3A_340 : memref<1x10240x64xf32, #tpu.memory_space<hbm>> -> memref<10240x64xf32, #tpu.memory_space<hbm>>
      %dma_wait3A_342 = arith.constant 0 : i32
      %dma_wait3A_343 = tpu.memref_slice %dma_wait3A_341[%add3A_309, %dma_wait3A_342] : memref<10240x64xf32, #tpu.memory_space<hbm>> -> memref<128x64xf32, #tpu.memory_space<hbm>>
      %dma_wait3A_344 = arith.constant 0 : i32
      %dma_wait3A_345 = arith.constant 0 : i32
      %dma_wait3A_346 = tpu.memref_slice %arg5[%arg0, %dma_wait3A_344, %dma_wait3A_345] : memref<2x10240x64xf32, #tpu.memory_space<hbm>> -> memref<1x10240x64xf32, #tpu.memory_space<hbm>>
      %dma_wait3A_347 = tpu.memref_squeeze %dma_wait3A_346 : memref<1x10240x64xf32, #tpu.memory_space<hbm>> -> memref<10240x64xf32, #tpu.memory_space<hbm>>
      %dma_wait3A_348 = arith.constant 0 : i32
      %dma_wait3A_349 = tpu.memref_slice %dma_wait3A_347[%add3A_309, %dma_wait3A_348] : memref<10240x64xf32, #tpu.memory_space<hbm>> -> memref<128x64xf32, #tpu.memory_space<hbm>>
      tpu.wait_dma2 semaphore(%run_scoped3A : memref<!tpu.dma_semaphore, #tpu.memory_space<semaphore_mem>>) src(%arg9 : memref<128x64xf32, #tpu.memory_space<vmem>>) dst(%dma_wait3A_349 : memref<128x64xf32, #tpu.memory_space<hbm>>)
      tpu.yield
    }) : () -> ()
    %mul3A_310 = arith.constant 640 : i32
    %mul3A_311 = arith.muli %arg1, %mul3A_310 : i32
    %add3A_312 = arith.constant 128 : i32
    %add3A_313 = arith.addi %mul3A_311, %add3A_312 : i32
    "tpu.region"() ({
      %run_scoped3A = tpu.sem_alloc : memref<!tpu.dma_semaphore, #tpu.memory_space<semaphore_mem>>
      %dma_start3A_326 = arith.constant 0 : i32
      %dma_start3A_327 = tpu.memref_slice %arg10[%add3A_313, %dma_start3A_326] : memref<10240x64xf32, #tpu.memory_space<vmem_shared>> -> memref<128x64xf32, #tpu.memory_space<vmem_shared>>
      %dma_start3A_328 = arith.constant 0 : i32
      %dma_start3A_329 = tpu.memref_slice %arg10[%add3A_313, %dma_start3A_328] : memref<10240x64xf32, #tpu.memory_space<vmem_shared>> -> memref<128x64xf32, #tpu.memory_space<vmem_shared>>
      tpu.enqueue_dma source(%dma_start3A_329 : memref<128x64xf32, #tpu.memory_space<vmem_shared>>) target(%arg9 : memref<128x64xf32, #tpu.memory_space<vmem>>) target_semaphore(%run_scoped3A : memref<!tpu.dma_semaphore, #tpu.memory_space<semaphore_mem>>)
      %dma_wait3A_330 = arith.constant 0 : i32
      %dma_wait3A_331 = tpu.memref_slice %arg10[%add3A_313, %dma_wait3A_330] : memref<10240x64xf32, #tpu.memory_space<vmem_shared>> -> memref<128x64xf32, #tpu.memory_space<vmem_shared>>
      %dma_wait3A_332 = arith.constant 0 : i32
      %dma_wait3A_333 = tpu.memref_slice %arg10[%add3A_313, %dma_wait3A_332] : memref<10240x64xf32, #tpu.memory_space<vmem_shared>> -> memref<128x64xf32, #tpu.memory_space<vmem_shared>>
      tpu.wait_dma2 semaphore(%run_scoped3A : memref<!tpu.dma_semaphore, #tpu.memory_space<semaphore_mem>>) src(%dma_wait3A_333 : memref<128x64xf32, #tpu.memory_space<vmem_shared>>) dst(%arg9 : memref<128x64xf32, #tpu.memory_space<vmem>>)
      tpu.yield
    }) : () -> ()
    "tpu.region"() ({
      %run_scoped3A = tpu.sem_alloc : memref<!tpu.dma_semaphore, #tpu.memory_space<semaphore_mem>>
      %dma_start3A_326 = arith.constant 0 : i32
      %dma_start3A_327 = arith.constant 0 : i32
      %dma_start3A_328 = tpu.memref_slice %arg5[%arg0, %dma_start3A_326, %dma_start3A_327] : memref<2x10240x64xf32, #tpu.memory_space<hbm>> -> memref<1x10240x64xf32, #tpu.memory_space<hbm>>
      %dma_start3A_329 = tpu.memref_squeeze %dma_start3A_328 : memref<1x10240x64xf32, #tpu.memory_space<hbm>> -> memref<10240x64xf32, #tpu.memory_space<hbm>>
      %dma_start3A_330 = arith.constant 0 : i32
      %dma_start3A_331 = tpu.memref_slice %dma_start3A_329[%add3A_313, %dma_start3A_330] : memref<10240x64xf32, #tpu.memory_space<hbm>> -> memref<128x64xf32, #tpu.memory_space<hbm>>
      %dma_start3A_332 = arith.constant 0 : i32
      %dma_start3A_333 = arith.constant 0 : i32
      %dma_start3A_334 = tpu.memref_slice %arg5[%arg0, %dma_start3A_332, %dma_start3A_333] : memref<2x10240x64xf32, #tpu.memory_space<hbm>> -> memref<1x10240x64xf32, #tpu.memory_space<hbm>>
      %dma_start3A_335 = tpu.memref_squeeze %dma_start3A_334 : memref<1x10240x64xf32, #tpu.memory_space<hbm>> -> memref<10240x64xf32, #tpu.memory_space<hbm>>
      %dma_start3A_336 = arith.constant 0 : i32
      %dma_start3A_337 = tpu.memref_slice %dma_start3A_335[%add3A_313, %dma_start3A_336] : memref<10240x64xf32, #tpu.memory_space<hbm>> -> memref<128x64xf32, #tpu.memory_space<hbm>>
      tpu.enqueue_dma source(%arg9 : memref<128x64xf32, #tpu.memory_space<vmem>>) target(%dma_start3A_337 : memref<128x64xf32, #tpu.memory_space<hbm>>) target_semaphore(%run_scoped3A : memref<!tpu.dma_semaphore, #tpu.memory_space<semaphore_mem>>)
      %dma_wait3A_338 = arith.constant 0 : i32
      %dma_wait3A_339 = arith.constant 0 : i32
      %dma_wait3A_340 = tpu.memref_slice %arg5[%arg0, %dma_wait3A_338, %dma_wait3A_339] : memref<2x10240x64xf32, #tpu.memory_space<hbm>> -> memref<1x10240x64xf32, #tpu.memory_space<hbm>>
      %dma_wait3A_341 = tpu.memref_squeeze %dma_wait3A_340 : memref<1x10240x64xf32, #tpu.memory_space<hbm>> -> memref<10240x64xf32, #tpu.memory_space<hbm>>
      %dma_wait3A_342 = arith.constant 0 : i32
      %dma_wait3A_343 = tpu.memref_slice %dma_wait3A_341[%add3A_313, %dma_wait3A_342] : memref<10240x64xf32, #tpu.memory_space<hbm>> -> memref<128x64xf32, #tpu.memory_space<hbm>>
      %dma_wait3A_344 = arith.constant 0 : i32
      %dma_wait3A_345 = arith.constant 0 : i32
      %dma_wait3A_346 = tpu.memref_slice %arg5[%arg0, %dma_wait3A_344, %dma_wait3A_345] : memref<2x10240x64xf32, #tpu.memory_space<hbm>> -> memref<1x10240x64xf32, #tpu.memory_space<hbm>>
      %dma_wait3A_347 = tpu.memref_squeeze %dma_wait3A_346 : memref<1x10240x64xf32, #tpu.memory_space<hbm>> -> memref<10240x64xf32, #tpu.memory_space<hbm>>
      %dma_wait3A_348 = arith.constant 0 : i32
      %dma_wait3A_349 = tpu.memref_slice %dma_wait3A_347[%add3A_313, %dma_wait3A_348] : memref<10240x64xf32, #tpu.memory_space<hbm>> -> memref<128x64xf32, #tpu.memory_space<hbm>>
      tpu.wait_dma2 semaphore(%run_scoped3A : memref<!tpu.dma_semaphore, #tpu.memory_space<semaphore_mem>>) src(%arg9 : memref<128x64xf32, #tpu.memory_space<vmem>>) dst(%dma_wait3A_349 : memref<128x64xf32, #tpu.memory_space<hbm>>)
      tpu.yield
    }) : () -> ()
    %mul3A_314 = arith.constant 640 : i32
    %mul3A_315 = arith.muli %arg1, %mul3A_314 : i32
    %add3A_316 = arith.constant 256 : i32
    %add3A_317 = arith.addi %mul3A_315, %add3A_316 : i32
    "tpu.region"() ({
      %run_scoped3A = tpu.sem_alloc : memref<!tpu.dma_semaphore, #tpu.memory_space<semaphore_mem>>
      %dma_start3A_326 = arith.constant 0 : i32
      %dma_start3A_327 = tpu.memref_slice %arg10[%add3A_317, %dma_start3A_326] : memref<10240x64xf32, #tpu.memory_space<vmem_shared>> -> memref<128x64xf32, #tpu.memory_space<vmem_shared>>
      %dma_start3A_328 = arith.constant 0 : i32
      %dma_start3A_329 = tpu.memref_slice %arg10[%add3A_317, %dma_start3A_328] : memref<10240x64xf32, #tpu.memory_space<vmem_shared>> -> memref<128x64xf32, #tpu.memory_space<vmem_shared>>
      tpu.enqueue_dma source(%dma_start3A_329 : memref<128x64xf32, #tpu.memory_space<vmem_shared>>) target(%arg9 : memref<128x64xf32, #tpu.memory_space<vmem>>) target_semaphore(%run_scoped3A : memref<!tpu.dma_semaphore, #tpu.memory_space<semaphore_mem>>)
      %dma_wait3A_330 = arith.constant 0 : i32
      %dma_wait3A_331 = tpu.memref_slice %arg10[%add3A_317, %dma_wait3A_330] : memref<10240x64xf32, #tpu.memory_space<vmem_shared>> -> memref<128x64xf32, #tpu.memory_space<vmem_shared>>
      %dma_wait3A_332 = arith.constant 0 : i32
      %dma_wait3A_333 = tpu.memref_slice %arg10[%add3A_317, %dma_wait3A_332] : memref<10240x64xf32, #tpu.memory_space<vmem_shared>> -> memref<128x64xf32, #tpu.memory_space<vmem_shared>>
      tpu.wait_dma2 semaphore(%run_scoped3A : memref<!tpu.dma_semaphore, #tpu.memory_space<semaphore_mem>>) src(%dma_wait3A_333 : memref<128x64xf32, #tpu.memory_space<vmem_shared>>) dst(%arg9 : memref<128x64xf32, #tpu.memory_space<vmem>>)
      tpu.yield
    }) : () -> ()
    "tpu.region"() ({
      %run_scoped3A = tpu.sem_alloc : memref<!tpu.dma_semaphore, #tpu.memory_space<semaphore_mem>>
      %dma_start3A_326 = arith.constant 0 : i32
      %dma_start3A_327 = arith.constant 0 : i32
      %dma_start3A_328 = tpu.memref_slice %arg5[%arg0, %dma_start3A_326, %dma_start3A_327] : memref<2x10240x64xf32, #tpu.memory_space<hbm>> -> memref<1x10240x64xf32, #tpu.memory_space<hbm>>
      %dma_start3A_329 = tpu.memref_squeeze %dma_start3A_328 : memref<1x10240x64xf32, #tpu.memory_space<hbm>> -> memref<10240x64xf32, #tpu.memory_space<hbm>>
      %dma_start3A_330 = arith.constant 0 : i32
      %dma_start3A_331 = tpu.memref_slice %dma_start3A_329[%add3A_317, %dma_start3A_330] : memref<10240x64xf32, #tpu.memory_space<hbm>> -> memref<128x64xf32, #tpu.memory_space<hbm>>
      %dma_start3A_332 = arith.constant 0 : i32
      %dma_start3A_333 = arith.constant 0 : i32
      %dma_start3A_334 = tpu.memref_slice %arg5[%arg0, %dma_start3A_332, %dma_start3A_333] : memref<2x10240x64xf32, #tpu.memory_space<hbm>> -> memref<1x10240x64xf32, #tpu.memory_space<hbm>>
      %dma_start3A_335 = tpu.memref_squeeze %dma_start3A_334 : memref<1x10240x64xf32, #tpu.memory_space<hbm>> -> memref<10240x64xf32, #tpu.memory_space<hbm>>
      %dma_start3A_336 = arith.constant 0 : i32
      %dma_start3A_337 = tpu.memref_slice %dma_start3A_335[%add3A_317, %dma_start3A_336] : memref<10240x64xf32, #tpu.memory_space<hbm>> -> memref<128x64xf32, #tpu.memory_space<hbm>>
      tpu.enqueue_dma source(%arg9 : memref<128x64xf32, #tpu.memory_space<vmem>>) target(%dma_start3A_337 : memref<128x64xf32, #tpu.memory_space<hbm>>) target_semaphore(%run_scoped3A : memref<!tpu.dma_semaphore, #tpu.memory_space<semaphore_mem>>)
      %dma_wait3A_338 = arith.constant 0 : i32
      %dma_wait3A_339 = arith.constant 0 : i32
      %dma_wait3A_340 = tpu.memref_slice %arg5[%arg0, %dma_wait3A_338, %dma_wait3A_339] : memref<2x10240x64xf32, #tpu.memory_space<hbm>> -> memref<1x10240x64xf32, #tpu.memory_space<hbm>>
      %dma_wait3A_341 = tpu.memref_squeeze %dma_wait3A_340 : memref<1x10240x64xf32, #tpu.memory_space<hbm>> -> memref<10240x64xf32, #tpu.memory_space<hbm>>
      %dma_wait3A_342 = arith.constant 0 : i32
      %dma_wait3A_343 = tpu.memref_slice %dma_wait3A_341[%add3A_317, %dma_wait3A_342] : memref<10240x64xf32, #tpu.memory_space<hbm>> -> memref<128x64xf32, #tpu.memory_space<hbm>>
      %dma_wait3A_344 = arith.constant 0 : i32
      %dma_wait3A_345 = arith.constant 0 : i32
      %dma_wait3A_346 = tpu.memref_slice %arg5[%arg0, %dma_wait3A_344, %dma_wait3A_345] : memref<2x10240x64xf32, #tpu.memory_space<hbm>> -> memref<1x10240x64xf32, #tpu.memory_space<hbm>>
      %dma_wait3A_347 = tpu.memref_squeeze %dma_wait3A_346 : memref<1x10240x64xf32, #tpu.memory_space<hbm>> -> memref<10240x64xf32, #tpu.memory_space<hbm>>
      %dma_wait3A_348 = arith.constant 0 : i32
      %dma_wait3A_349 = tpu.memref_slice %dma_wait3A_347[%add3A_317, %dma_wait3A_348] : memref<10240x64xf32, #tpu.memory_space<hbm>> -> memref<128x64xf32, #tpu.memory_space<hbm>>
      tpu.wait_dma2 semaphore(%run_scoped3A : memref<!tpu.dma_semaphore, #tpu.memory_space<semaphore_mem>>) src(%arg9 : memref<128x64xf32, #tpu.memory_space<vmem>>) dst(%dma_wait3A_349 : memref<128x64xf32, #tpu.memory_space<hbm>>)
      tpu.yield
    }) : () -> ()
    %mul3A_318 = arith.constant 640 : i32
    %mul3A_319 = arith.muli %arg1, %mul3A_318 : i32
    %add3A_320 = arith.constant 384 : i32
    %add3A_321 = arith.addi %mul3A_319, %add3A_320 : i32
    "tpu.region"() ({
      %run_scoped3A = tpu.sem_alloc : memref<!tpu.dma_semaphore, #tpu.memory_space<semaphore_mem>>
      %dma_start3A_326 = arith.constant 0 : i32
      %dma_start3A_327 = tpu.memref_slice %arg10[%add3A_321, %dma_start3A_326] : memref<10240x64xf32, #tpu.memory_space<vmem_shared>> -> memref<128x64xf32, #tpu.memory_space<vmem_shared>>
      %dma_start3A_328 = arith.constant 0 : i32
      %dma_start3A_329 = tpu.memref_slice %arg10[%add3A_321, %dma_start3A_328] : memref<10240x64xf32, #tpu.memory_space<vmem_shared>> -> memref<128x64xf32, #tpu.memory_space<vmem_shared>>
      tpu.enqueue_dma source(%dma_start3A_329 : memref<128x64xf32, #tpu.memory_space<vmem_shared>>) target(%arg9 : memref<128x64xf32, #tpu.memory_space<vmem>>) target_semaphore(%run_scoped3A : memref<!tpu.dma_semaphore, #tpu.memory_space<semaphore_mem>>)
      %dma_wait3A_330 = arith.constant 0 : i32
      %dma_wait3A_331 = tpu.memref_slice %arg10[%add3A_321, %dma_wait3A_330] : memref<10240x64xf32, #tpu.memory_space<vmem_shared>> -> memref<128x64xf32, #tpu.memory_space<vmem_shared>>
      %dma_wait3A_332 = arith.constant 0 : i32
      %dma_wait3A_333 = tpu.memref_slice %arg10[%add3A_321, %dma_wait3A_332] : memref<10240x64xf32, #tpu.memory_space<vmem_shared>> -> memref<128x64xf32, #tpu.memory_space<vmem_shared>>
      tpu.wait_dma2 semaphore(%run_scoped3A : memref<!tpu.dma_semaphore, #tpu.memory_space<semaphore_mem>>) src(%dma_wait3A_333 : memref<128x64xf32, #tpu.memory_space<vmem_shared>>) dst(%arg9 : memref<128x64xf32, #tpu.memory_space<vmem>>)
      tpu.yield
    }) : () -> ()
    "tpu.region"() ({
      %run_scoped3A = tpu.sem_alloc : memref<!tpu.dma_semaphore, #tpu.memory_space<semaphore_mem>>
      %dma_start3A_326 = arith.constant 0 : i32
      %dma_start3A_327 = arith.constant 0 : i32
      %dma_start3A_328 = tpu.memref_slice %arg5[%arg0, %dma_start3A_326, %dma_start3A_327] : memref<2x10240x64xf32, #tpu.memory_space<hbm>> -> memref<1x10240x64xf32, #tpu.memory_space<hbm>>
      %dma_start3A_329 = tpu.memref_squeeze %dma_start3A_328 : memref<1x10240x64xf32, #tpu.memory_space<hbm>> -> memref<10240x64xf32, #tpu.memory_space<hbm>>
      %dma_start3A_330 = arith.constant 0 : i32
      %dma_start3A_331 = tpu.memref_slice %dma_start3A_329[%add3A_321, %dma_start3A_330] : memref<10240x64xf32, #tpu.memory_space<hbm>> -> memref<128x64xf32, #tpu.memory_space<hbm>>
      %dma_start3A_332 = arith.constant 0 : i32
      %dma_start3A_333 = arith.constant 0 : i32
      %dma_start3A_334 = tpu.memref_slice %arg5[%arg0, %dma_start3A_332, %dma_start3A_333] : memref<2x10240x64xf32, #tpu.memory_space<hbm>> -> memref<1x10240x64xf32, #tpu.memory_space<hbm>>
      %dma_start3A_335 = tpu.memref_squeeze %dma_start3A_334 : memref<1x10240x64xf32, #tpu.memory_space<hbm>> -> memref<10240x64xf32, #tpu.memory_space<hbm>>
      %dma_start3A_336 = arith.constant 0 : i32
      %dma_start3A_337 = tpu.memref_slice %dma_start3A_335[%add3A_321, %dma_start3A_336] : memref<10240x64xf32, #tpu.memory_space<hbm>> -> memref<128x64xf32, #tpu.memory_space<hbm>>
      tpu.enqueue_dma source(%arg9 : memref<128x64xf32, #tpu.memory_space<vmem>>) target(%dma_start3A_337 : memref<128x64xf32, #tpu.memory_space<hbm>>) target_semaphore(%run_scoped3A : memref<!tpu.dma_semaphore, #tpu.memory_space<semaphore_mem>>)
      %dma_wait3A_338 = arith.constant 0 : i32
      %dma_wait3A_339 = arith.constant 0 : i32
      %dma_wait3A_340 = tpu.memref_slice %arg5[%arg0, %dma_wait3A_338, %dma_wait3A_339] : memref<2x10240x64xf32, #tpu.memory_space<hbm>> -> memref<1x10240x64xf32, #tpu.memory_space<hbm>>
      %dma_wait3A_341 = tpu.memref_squeeze %dma_wait3A_340 : memref<1x10240x64xf32, #tpu.memory_space<hbm>> -> memref<10240x64xf32, #tpu.memory_space<hbm>>
      %dma_wait3A_342 = arith.constant 0 : i32
      %dma_wait3A_343 = tpu.memref_slice %dma_wait3A_341[%add3A_321, %dma_wait3A_342] : memref<10240x64xf32, #tpu.memory_space<hbm>> -> memref<128x64xf32, #tpu.memory_space<hbm>>
      %dma_wait3A_344 = arith.constant 0 : i32
      %dma_wait3A_345 = arith.constant 0 : i32
      %dma_wait3A_346 = tpu.memref_slice %arg5[%arg0, %dma_wait3A_344, %dma_wait3A_345] : memref<2x10240x64xf32, #tpu.memory_space<hbm>> -> memref<1x10240x64xf32, #tpu.memory_space<hbm>>
      %dma_wait3A_347 = tpu.memref_squeeze %dma_wait3A_346 : memref<1x10240x64xf32, #tpu.memory_space<hbm>> -> memref<10240x64xf32, #tpu.memory_space<hbm>>
      %dma_wait3A_348 = arith.constant 0 : i32
      %dma_wait3A_349 = tpu.memref_slice %dma_wait3A_347[%add3A_321, %dma_wait3A_348] : memref<10240x64xf32, #tpu.memory_space<hbm>> -> memref<128x64xf32, #tpu.memory_space<hbm>>
      tpu.wait_dma2 semaphore(%run_scoped3A : memref<!tpu.dma_semaphore, #tpu.memory_space<semaphore_mem>>) src(%arg9 : memref<128x64xf32, #tpu.memory_space<vmem>>) dst(%dma_wait3A_349 : memref<128x64xf32, #tpu.memory_space<hbm>>)
      tpu.yield
    }) : () -> ()
    %mul3A_322 = arith.constant 640 : i32
    %mul3A_323 = arith.muli %arg1, %mul3A_322 : i32
    %add3A_324 = arith.constant 512 : i32
    %add3A_325 = arith.addi %mul3A_323, %add3A_324 : i32
    "tpu.region"() ({
      %run_scoped3A = tpu.sem_alloc : memref<!tpu.dma_semaphore, #tpu.memory_space<semaphore_mem>>
      %dma_start3A_326 = arith.constant 0 : i32
      %dma_start3A_327 = tpu.memref_slice %arg10[%add3A_325, %dma_start3A_326] : memref<10240x64xf32, #tpu.memory_space<vmem_shared>> -> memref<128x64xf32, #tpu.memory_space<vmem_shared>>
      %dma_start3A_328 = arith.constant 0 : i32
      %dma_start3A_329 = tpu.memref_slice %arg10[%add3A_325, %dma_start3A_328] : memref<10240x64xf32, #tpu.memory_space<vmem_shared>> -> memref<128x64xf32, #tpu.memory_space<vmem_shared>>
      tpu.enqueue_dma source(%dma_start3A_329 : memref<128x64xf32, #tpu.memory_space<vmem_shared>>) target(%arg9 : memref<128x64xf32, #tpu.memory_space<vmem>>) target_semaphore(%run_scoped3A : memref<!tpu.dma_semaphore, #tpu.memory_space<semaphore_mem>>)
      %dma_wait3A_330 = arith.constant 0 : i32
      %dma_wait3A_331 = tpu.memref_slice %arg10[%add3A_325, %dma_wait3A_330] : memref<10240x64xf32, #tpu.memory_space<vmem_shared>> -> memref<128x64xf32, #tpu.memory_space<vmem_shared>>
      %dma_wait3A_332 = arith.constant 0 : i32
      %dma_wait3A_333 = tpu.memref_slice %arg10[%add3A_325, %dma_wait3A_332] : memref<10240x64xf32, #tpu.memory_space<vmem_shared>> -> memref<128x64xf32, #tpu.memory_space<vmem_shared>>
      tpu.wait_dma2 semaphore(%run_scoped3A : memref<!tpu.dma_semaphore, #tpu.memory_space<semaphore_mem>>) src(%dma_wait3A_333 : memref<128x64xf32, #tpu.memory_space<vmem_shared>>) dst(%arg9 : memref<128x64xf32, #tpu.memory_space<vmem>>)
      tpu.yield
    }) : () -> ()
    "tpu.region"() ({
      %run_scoped3A = tpu.sem_alloc : memref<!tpu.dma_semaphore, #tpu.memory_space<semaphore_mem>>
      %dma_start3A_326 = arith.constant 0 : i32
      %dma_start3A_327 = arith.constant 0 : i32
      %dma_start3A_328 = tpu.memref_slice %arg5[%arg0, %dma_start3A_326, %dma_start3A_327] : memref<2x10240x64xf32, #tpu.memory_space<hbm>> -> memref<1x10240x64xf32, #tpu.memory_space<hbm>>
      %dma_start3A_329 = tpu.memref_squeeze %dma_start3A_328 : memref<1x10240x64xf32, #tpu.memory_space<hbm>> -> memref<10240x64xf32, #tpu.memory_space<hbm>>
      %dma_start3A_330 = arith.constant 0 : i32
      %dma_start3A_331 = tpu.memref_slice %dma_start3A_329[%add3A_325, %dma_start3A_330] : memref<10240x64xf32, #tpu.memory_space<hbm>> -> memref<128x64xf32, #tpu.memory_space<hbm>>
      %dma_start3A_332 = arith.constant 0 : i32
      %dma_start3A_333 = arith.constant 0 : i32
      %dma_start3A_334 = tpu.memref_slice %arg5[%arg0, %dma_start3A_332, %dma_start3A_333] : memref<2x10240x64xf32, #tpu.memory_space<hbm>> -> memref<1x10240x64xf32, #tpu.memory_space<hbm>>
      %dma_start3A_335 = tpu.memref_squeeze %dma_start3A_334 : memref<1x10240x64xf32, #tpu.memory_space<hbm>> -> memref<10240x64xf32, #tpu.memory_space<hbm>>
      %dma_start3A_336 = arith.constant 0 : i32
      %dma_start3A_337 = tpu.memref_slice %dma_start3A_335[%add3A_325, %dma_start3A_336] : memref<10240x64xf32, #tpu.memory_space<hbm>> -> memref<128x64xf32, #tpu.memory_space<hbm>>
      tpu.enqueue_dma source(%arg9 : memref<128x64xf32, #tpu.memory_space<vmem>>) target(%dma_start3A_337 : memref<128x64xf32, #tpu.memory_space<hbm>>) target_semaphore(%run_scoped3A : memref<!tpu.dma_semaphore, #tpu.memory_space<semaphore_mem>>)
      %dma_wait3A_338 = arith.constant 0 : i32
      %dma_wait3A_339 = arith.constant 0 : i32
      %dma_wait3A_340 = tpu.memref_slice %arg5[%arg0, %dma_wait3A_338, %dma_wait3A_339] : memref<2x10240x64xf32, #tpu.memory_space<hbm>> -> memref<1x10240x64xf32, #tpu.memory_space<hbm>>
      %dma_wait3A_341 = tpu.memref_squeeze %dma_wait3A_340 : memref<1x10240x64xf32, #tpu.memory_space<hbm>> -> memref<10240x64xf32, #tpu.memory_space<hbm>>
      %dma_wait3A_342 = arith.constant 0 : i32
      %dma_wait3A_343 = tpu.memref_slice %dma_wait3A_341[%add3A_325, %dma_wait3A_342] : memref<10240x64xf32, #tpu.memory_space<hbm>> -> memref<128x64xf32, #tpu.memory_space<hbm>>
      %dma_wait3A_344 = arith.constant 0 : i32
      %dma_wait3A_345 = arith.constant 0 : i32
      %dma_wait3A_346 = tpu.memref_slice %arg5[%arg0, %dma_wait3A_344, %dma_wait3A_345] : memref<2x10240x64xf32, #tpu.memory_space<hbm>> -> memref<1x10240x64xf32, #tpu.memory_space<hbm>>
      %dma_wait3A_347 = tpu.memref_squeeze %dma_wait3A_346 : memref<1x10240x64xf32, #tpu.memory_space<hbm>> -> memref<10240x64xf32, #tpu.memory_space<hbm>>
      %dma_wait3A_348 = arith.constant 0 : i32
      %dma_wait3A_349 = tpu.memref_slice %dma_wait3A_347[%add3A_325, %dma_wait3A_348] : memref<10240x64xf32, #tpu.memory_space<hbm>> -> memref<128x64xf32, #tpu.memory_space<hbm>>
      tpu.wait_dma2 semaphore(%run_scoped3A : memref<!tpu.dma_semaphore, #tpu.memory_space<semaphore_mem>>) src(%arg9 : memref<128x64xf32, #tpu.memory_space<vmem>>) dst(%dma_wait3A_349 : memref<128x64xf32, #tpu.memory_space<hbm>>)
      tpu.yield
    }) : () -> ()
    return
  }
}

#map = affine_map<(d0, d1) -> (0, 0, 0)>
#map1 = affine_map<(d0, d1) -> (0, 0, 0, 0, 0)>
module attributes {stable_mosaic.version = 14 : i64} {
  func.func @_sc_init_body(%arg0: i32, %arg1: i32, %arg2: memref<16x5x128xi32, #tpu.memory_space<hbm>>, %arg3: memref<2x64x64xf32, #tpu.memory_space<hbm>>, %arg4: memref<16x160x128xi32, #tpu.memory_space<hbm>>, %arg5: memref<2x16x5x128x64xf32, #tpu.memory_space<hbm>>, %arg6: memref<2x10240x16xf32, #tpu.memory_space<hbm>>, %arg7: memref<5x128xi32, #tpu.memory_space<vmem>>, %arg8: memref<5x128x64xf32, #tpu.memory_space<vmem>>, %arg9: memref<160x128xi32, #tpu.memory_space<vmem>>, %arg10: memref<128x16xf32, #tpu.memory_space<vmem>>, %arg11: memref<640x16xf32, #tpu.memory_space<vmem>>, %arg12: memref<64x64xf32, #tpu.memory_space<vmem>>, %arg13: memref<64x64xf32, #tpu.memory_space<vmem_shared>>, %arg14: memref<10240x16xf32, #tpu.memory_space<vmem_shared>>, %arg15: memref<!tpu.dma_semaphore, #tpu.memory_space<semaphore_mem>>, %arg16: memref<!tpu.dma_semaphore, #tpu.memory_space<semaphore_mem>>) attributes {dimension_semantics = [#tpu.dimension_semantics<core_parallel>, #tpu.dimension_semantics<subcore_parallel>], iteration_bounds = array<i64: 2, 16>, scalar_prefetch = 0 : i64, scratch_operands = 10 : i64, tpu.core_type = #tpu.core_type<sc_vector_subcore>, window_params = [{transform_indices = #map}, {transform_indices = #map}, {transform_indices = #map}, {transform_indices = #map1}, {transform_indices = #map}]} {
    "tpu.region"() ({
      %run_scoped3A = tpu.sem_alloc : memref<!tpu.dma_semaphore, #tpu.memory_space<semaphore_mem>>
      %dma_start3A_141 = arith.constant 0 : i32
      %dma_start3A_142 = arith.constant 0 : i32
      %dma_start3A_143 = tpu.memref_slice %arg4[%arg1, %dma_start3A_141, %dma_start3A_142] : memref<16x160x128xi32, #tpu.memory_space<hbm>> -> memref<1x160x128xi32, #tpu.memory_space<hbm>>
      %dma_start3A_144 = tpu.memref_squeeze %dma_start3A_143 : memref<1x160x128xi32, #tpu.memory_space<hbm>> -> memref<160x128xi32, #tpu.memory_space<hbm>>
      %dma_start3A_145 = arith.constant 0 : i32
      %dma_start3A_146 = arith.constant 0 : i32
      %dma_start3A_147 = tpu.memref_slice %arg4[%arg1, %dma_start3A_145, %dma_start3A_146] : memref<16x160x128xi32, #tpu.memory_space<hbm>> -> memref<1x160x128xi32, #tpu.memory_space<hbm>>
      %dma_start3A_148 = tpu.memref_squeeze %dma_start3A_147 : memref<1x160x128xi32, #tpu.memory_space<hbm>> -> memref<160x128xi32, #tpu.memory_space<hbm>>
      tpu.enqueue_dma source(%dma_start3A_148 : memref<160x128xi32, #tpu.memory_space<hbm>>) target(%arg9 : memref<160x128xi32, #tpu.memory_space<vmem>>) target_semaphore(%run_scoped3A : memref<!tpu.dma_semaphore, #tpu.memory_space<semaphore_mem>>)
      %dma_wait3A_149 = arith.constant 0 : i32
      %dma_wait3A_150 = arith.constant 0 : i32
      %dma_wait3A_151 = tpu.memref_slice %arg4[%arg1, %dma_wait3A_149, %dma_wait3A_150] : memref<16x160x128xi32, #tpu.memory_space<hbm>> -> memref<1x160x128xi32, #tpu.memory_space<hbm>>
      %dma_wait3A_152 = tpu.memref_squeeze %dma_wait3A_151 : memref<1x160x128xi32, #tpu.memory_space<hbm>> -> memref<160x128xi32, #tpu.memory_space<hbm>>
      %dma_wait3A_153 = arith.constant 0 : i32
      %dma_wait3A_154 = arith.constant 0 : i32
      %dma_wait3A_155 = tpu.memref_slice %arg4[%arg1, %dma_wait3A_153, %dma_wait3A_154] : memref<16x160x128xi32, #tpu.memory_space<hbm>> -> memref<1x160x128xi32, #tpu.memory_space<hbm>>
      %dma_wait3A_156 = tpu.memref_squeeze %dma_wait3A_155 : memref<1x160x128xi32, #tpu.memory_space<hbm>> -> memref<160x128xi32, #tpu.memory_space<hbm>>
      tpu.wait_dma2 semaphore(%run_scoped3A : memref<!tpu.dma_semaphore, #tpu.memory_space<semaphore_mem>>) src(%dma_wait3A_156 : memref<160x128xi32, #tpu.memory_space<hbm>>) dst(%arg9 : memref<160x128xi32, #tpu.memory_space<vmem>>)
      tpu.yield
    }) : () -> ()
    %eq3A = arith.constant 0 : i32
    %eq3A_0 = arith.cmpi eq, %arg1, %eq3A : i32
    %convert_element_type3A = arith.extui %eq3A_0 : i1 to i32
    %cond3A = arith.constant 0 : i32
    %cond3A_1 = arith.cmpi ne, %convert_element_type3A, %cond3A : i32
    scf.if %cond3A_1 {
      "tpu.region"() ({
        %run_scoped3A = tpu.sem_alloc : memref<!tpu.dma_semaphore, #tpu.memory_space<semaphore_mem>>
        %dma_start3A_141 = arith.constant 0 : i32
        %dma_start3A_142 = arith.constant 0 : i32
        %dma_start3A_143 = tpu.memref_slice %arg3[%arg0, %dma_start3A_141, %dma_start3A_142] : memref<2x64x64xf32, #tpu.memory_space<hbm>> -> memref<1x64x64xf32, #tpu.memory_space<hbm>>
        %dma_start3A_144 = tpu.memref_squeeze %dma_start3A_143 : memref<1x64x64xf32, #tpu.memory_space<hbm>> -> memref<64x64xf32, #tpu.memory_space<hbm>>
        %dma_start3A_145 = arith.constant 0 : i32
        %dma_start3A_146 = arith.constant 0 : i32
        %dma_start3A_147 = tpu.memref_slice %arg3[%arg0, %dma_start3A_145, %dma_start3A_146] : memref<2x64x64xf32, #tpu.memory_space<hbm>> -> memref<1x64x64xf32, #tpu.memory_space<hbm>>
        %dma_start3A_148 = tpu.memref_squeeze %dma_start3A_147 : memref<1x64x64xf32, #tpu.memory_space<hbm>> -> memref<64x64xf32, #tpu.memory_space<hbm>>
        tpu.enqueue_dma source(%dma_start3A_148 : memref<64x64xf32, #tpu.memory_space<hbm>>) target(%arg12 : memref<64x64xf32, #tpu.memory_space<vmem>>) target_semaphore(%run_scoped3A : memref<!tpu.dma_semaphore, #tpu.memory_space<semaphore_mem>>)
        %dma_wait3A_149 = arith.constant 0 : i32
        %dma_wait3A_150 = arith.constant 0 : i32
        %dma_wait3A_151 = tpu.memref_slice %arg3[%arg0, %dma_wait3A_149, %dma_wait3A_150] : memref<2x64x64xf32, #tpu.memory_space<hbm>> -> memref<1x64x64xf32, #tpu.memory_space<hbm>>
        %dma_wait3A_152 = tpu.memref_squeeze %dma_wait3A_151 : memref<1x64x64xf32, #tpu.memory_space<hbm>> -> memref<64x64xf32, #tpu.memory_space<hbm>>
        %dma_wait3A_153 = arith.constant 0 : i32
        %dma_wait3A_154 = arith.constant 0 : i32
        %dma_wait3A_155 = tpu.memref_slice %arg3[%arg0, %dma_wait3A_153, %dma_wait3A_154] : memref<2x64x64xf32, #tpu.memory_space<hbm>> -> memref<1x64x64xf32, #tpu.memory_space<hbm>>
        %dma_wait3A_156 = tpu.memref_squeeze %dma_wait3A_155 : memref<1x64x64xf32, #tpu.memory_space<hbm>> -> memref<64x64xf32, #tpu.memory_space<hbm>>
        tpu.wait_dma2 semaphore(%run_scoped3A : memref<!tpu.dma_semaphore, #tpu.memory_space<semaphore_mem>>) src(%dma_wait3A_156 : memref<64x64xf32, #tpu.memory_space<hbm>>) dst(%arg12 : memref<64x64xf32, #tpu.memory_space<vmem>>)
        tpu.yield
      }) : () -> ()
      "tpu.region"() ({
        %run_scoped3A = tpu.sem_alloc : memref<!tpu.dma_semaphore, #tpu.memory_space<semaphore_mem>>
        tpu.enqueue_dma source(%arg12 : memref<64x64xf32, #tpu.memory_space<vmem>>) target(%arg13 : memref<64x64xf32, #tpu.memory_space<vmem_shared>>) target_semaphore(%run_scoped3A : memref<!tpu.dma_semaphore, #tpu.memory_space<semaphore_mem>>)
        tpu.wait_dma2 semaphore(%run_scoped3A : memref<!tpu.dma_semaphore, #tpu.memory_space<semaphore_mem>>) src(%arg12 : memref<64x64xf32, #tpu.memory_space<vmem>>) dst(%arg13 : memref<64x64xf32, #tpu.memory_space<vmem_shared>>)
        tpu.yield
      }) : () -> ()
    } else {
    }
    "tpu.region"() ({
      %run_scoped3A = tpu.sem_alloc : memref<!tpu.dma_semaphore, #tpu.memory_space<semaphore_mem>>
      %dma_start3A_141 = arith.constant 0 : i32
      %dma_start3A_142 = arith.constant 0 : i32
      %dma_start3A_143 = tpu.memref_slice %arg2[%arg1, %dma_start3A_141, %dma_start3A_142] : memref<16x5x128xi32, #tpu.memory_space<hbm>> -> memref<1x5x128xi32, #tpu.memory_space<hbm>>
      %dma_start3A_144 = tpu.memref_squeeze %dma_start3A_143 : memref<1x5x128xi32, #tpu.memory_space<hbm>> -> memref<5x128xi32, #tpu.memory_space<hbm>>
      %dma_start3A_145 = arith.constant 0 : i32
      %dma_start3A_146 = arith.constant 0 : i32
      %dma_start3A_147 = tpu.memref_slice %arg2[%arg1, %dma_start3A_145, %dma_start3A_146] : memref<16x5x128xi32, #tpu.memory_space<hbm>> -> memref<1x5x128xi32, #tpu.memory_space<hbm>>
      %dma_start3A_148 = tpu.memref_squeeze %dma_start3A_147 : memref<1x5x128xi32, #tpu.memory_space<hbm>> -> memref<5x128xi32, #tpu.memory_space<hbm>>
      tpu.enqueue_dma source(%dma_start3A_148 : memref<5x128xi32, #tpu.memory_space<hbm>>) target(%arg7 : memref<5x128xi32, #tpu.memory_space<vmem>>) target_semaphore(%run_scoped3A : memref<!tpu.dma_semaphore, #tpu.memory_space<semaphore_mem>>)
      %dma_wait3A_149 = arith.constant 0 : i32
      %dma_wait3A_150 = arith.constant 0 : i32
      %dma_wait3A_151 = tpu.memref_slice %arg2[%arg1, %dma_wait3A_149, %dma_wait3A_150] : memref<16x5x128xi32, #tpu.memory_space<hbm>> -> memref<1x5x128xi32, #tpu.memory_space<hbm>>
      %dma_wait3A_152 = tpu.memref_squeeze %dma_wait3A_151 : memref<1x5x128xi32, #tpu.memory_space<hbm>> -> memref<5x128xi32, #tpu.memory_space<hbm>>
      %dma_wait3A_153 = arith.constant 0 : i32
      %dma_wait3A_154 = arith.constant 0 : i32
      %dma_wait3A_155 = tpu.memref_slice %arg2[%arg1, %dma_wait3A_153, %dma_wait3A_154] : memref<16x5x128xi32, #tpu.memory_space<hbm>> -> memref<1x5x128xi32, #tpu.memory_space<hbm>>
      %dma_wait3A_156 = tpu.memref_squeeze %dma_wait3A_155 : memref<1x5x128xi32, #tpu.memory_space<hbm>> -> memref<5x128xi32, #tpu.memory_space<hbm>>
      tpu.wait_dma2 semaphore(%run_scoped3A : memref<!tpu.dma_semaphore, #tpu.memory_space<semaphore_mem>>) src(%dma_wait3A_156 : memref<5x128xi32, #tpu.memory_space<hbm>>) dst(%arg7 : memref<5x128xi32, #tpu.memory_space<vmem>>)
      tpu.yield
    }) : () -> ()
    %barrier3A = arith.constant 0 : index
    tpu.barrier barrier_id(%barrier3A)
    %dma_start3A = arith.constant 0 : i32
    %dma_start3A_2 = arith.constant 0 : i32
    %dma_start3A_3 = arith.constant 0 : i32
    %dma_start3A_4 = arith.constant 0 : i32
    %dma_start3A_5 = tpu.memref_slice %arg8[%dma_start3A_2, %dma_start3A_3, %dma_start3A_4] : memref<5x128x64xf32, #tpu.memory_space<vmem>> -> memref<1x128x64xf32, #tpu.memory_space<vmem>>
    %dma_start3A_6 = tpu.memref_squeeze %dma_start3A_5 : memref<1x128x64xf32, #tpu.memory_space<vmem>> -> memref<128x64xf32, #tpu.memory_space<vmem>>
    %dma_start3A_7 = arith.constant 0 : i32
    %dma_start3A_8 = tpu.memref_slice %arg7[%dma_start3A, %dma_start3A_7] : memref<5x128xi32, #tpu.memory_space<vmem>> -> memref<1x128xi32, #tpu.memory_space<vmem>>
    %dma_start3A_9 = tpu.memref_squeeze %dma_start3A_8 : memref<1x128xi32, #tpu.memory_space<vmem>> -> memref<128xi32, #tpu.memory_space<vmem>>
    %dma_start3A_10 = arith.constant 0 : i32
    %dma_start3A_11 = arith.constant 0 : i32
    %dma_start3A_12 = tpu.memref_slice %arg13[%dma_start3A_10, %dma_start3A_11] : memref<64x64xf32, #tpu.memory_space<vmem_shared>> -> memref<64x64xf32, #tpu.memory_space<vmem_shared>>
    tpu.enqueue_indirect_dma source(%dma_start3A_12 : memref<64x64xf32, #tpu.memory_space<vmem_shared>>) target(%dma_start3A_6 : memref<128x64xf32, #tpu.memory_space<vmem>>) offsets(%dma_start3A_9 : memref<128xi32, #tpu.memory_space<vmem>>) semaphore(%arg15 : memref<!tpu.dma_semaphore, #tpu.memory_space<semaphore_mem>>)
    %dma_start3A_13 = arith.constant 1 : i32
    %dma_start3A_14 = arith.constant 1 : i32
    %dma_start3A_15 = arith.constant 0 : i32
    %dma_start3A_16 = arith.constant 0 : i32
    %dma_start3A_17 = tpu.memref_slice %arg8[%dma_start3A_14, %dma_start3A_15, %dma_start3A_16] : memref<5x128x64xf32, #tpu.memory_space<vmem>> -> memref<1x128x64xf32, #tpu.memory_space<vmem>>
    %dma_start3A_18 = tpu.memref_squeeze %dma_start3A_17 : memref<1x128x64xf32, #tpu.memory_space<vmem>> -> memref<128x64xf32, #tpu.memory_space<vmem>>
    %dma_start3A_19 = arith.constant 0 : i32
    %dma_start3A_20 = tpu.memref_slice %arg7[%dma_start3A_13, %dma_start3A_19] : memref<5x128xi32, #tpu.memory_space<vmem>> -> memref<1x128xi32, #tpu.memory_space<vmem>>
    %dma_start3A_21 = tpu.memref_squeeze %dma_start3A_20 : memref<1x128xi32, #tpu.memory_space<vmem>> -> memref<128xi32, #tpu.memory_space<vmem>>
    %dma_start3A_22 = arith.constant 0 : i32
    %dma_start3A_23 = arith.constant 0 : i32
    %dma_start3A_24 = tpu.memref_slice %arg13[%dma_start3A_22, %dma_start3A_23] : memref<64x64xf32, #tpu.memory_space<vmem_shared>> -> memref<64x64xf32, #tpu.memory_space<vmem_shared>>
    tpu.enqueue_indirect_dma source(%dma_start3A_24 : memref<64x64xf32, #tpu.memory_space<vmem_shared>>) target(%dma_start3A_18 : memref<128x64xf32, #tpu.memory_space<vmem>>) offsets(%dma_start3A_21 : memref<128xi32, #tpu.memory_space<vmem>>) semaphore(%arg15 : memref<!tpu.dma_semaphore, #tpu.memory_space<semaphore_mem>>)
    %dma_start3A_25 = arith.constant 2 : i32
    %dma_start3A_26 = arith.constant 2 : i32
    %dma_start3A_27 = arith.constant 0 : i32
    %dma_start3A_28 = arith.constant 0 : i32
    %dma_start3A_29 = tpu.memref_slice %arg8[%dma_start3A_26, %dma_start3A_27, %dma_start3A_28] : memref<5x128x64xf32, #tpu.memory_space<vmem>> -> memref<1x128x64xf32, #tpu.memory_space<vmem>>
    %dma_start3A_30 = tpu.memref_squeeze %dma_start3A_29 : memref<1x128x64xf32, #tpu.memory_space<vmem>> -> memref<128x64xf32, #tpu.memory_space<vmem>>
    %dma_start3A_31 = arith.constant 0 : i32
    %dma_start3A_32 = tpu.memref_slice %arg7[%dma_start3A_25, %dma_start3A_31] : memref<5x128xi32, #tpu.memory_space<vmem>> -> memref<1x128xi32, #tpu.memory_space<vmem>>
    %dma_start3A_33 = tpu.memref_squeeze %dma_start3A_32 : memref<1x128xi32, #tpu.memory_space<vmem>> -> memref<128xi32, #tpu.memory_space<vmem>>
    %dma_start3A_34 = arith.constant 0 : i32
    %dma_start3A_35 = arith.constant 0 : i32
    %dma_start3A_36 = tpu.memref_slice %arg13[%dma_start3A_34, %dma_start3A_35] : memref<64x64xf32, #tpu.memory_space<vmem_shared>> -> memref<64x64xf32, #tpu.memory_space<vmem_shared>>
    tpu.enqueue_indirect_dma source(%dma_start3A_36 : memref<64x64xf32, #tpu.memory_space<vmem_shared>>) target(%dma_start3A_30 : memref<128x64xf32, #tpu.memory_space<vmem>>) offsets(%dma_start3A_33 : memref<128xi32, #tpu.memory_space<vmem>>) semaphore(%arg15 : memref<!tpu.dma_semaphore, #tpu.memory_space<semaphore_mem>>)
    %dma_start3A_37 = arith.constant 3 : i32
    %dma_start3A_38 = arith.constant 3 : i32
    %dma_start3A_39 = arith.constant 0 : i32
    %dma_start3A_40 = arith.constant 0 : i32
    %dma_start3A_41 = tpu.memref_slice %arg8[%dma_start3A_38, %dma_start3A_39, %dma_start3A_40] : memref<5x128x64xf32, #tpu.memory_space<vmem>> -> memref<1x128x64xf32, #tpu.memory_space<vmem>>
    %dma_start3A_42 = tpu.memref_squeeze %dma_start3A_41 : memref<1x128x64xf32, #tpu.memory_space<vmem>> -> memref<128x64xf32, #tpu.memory_space<vmem>>
    %dma_start3A_43 = arith.constant 0 : i32
    %dma_start3A_44 = tpu.memref_slice %arg7[%dma_start3A_37, %dma_start3A_43] : memref<5x128xi32, #tpu.memory_space<vmem>> -> memref<1x128xi32, #tpu.memory_space<vmem>>
    %dma_start3A_45 = tpu.memref_squeeze %dma_start3A_44 : memref<1x128xi32, #tpu.memory_space<vmem>> -> memref<128xi32, #tpu.memory_space<vmem>>
    %dma_start3A_46 = arith.constant 0 : i32
    %dma_start3A_47 = arith.constant 0 : i32
    %dma_start3A_48 = tpu.memref_slice %arg13[%dma_start3A_46, %dma_start3A_47] : memref<64x64xf32, #tpu.memory_space<vmem_shared>> -> memref<64x64xf32, #tpu.memory_space<vmem_shared>>
    tpu.enqueue_indirect_dma source(%dma_start3A_48 : memref<64x64xf32, #tpu.memory_space<vmem_shared>>) target(%dma_start3A_42 : memref<128x64xf32, #tpu.memory_space<vmem>>) offsets(%dma_start3A_45 : memref<128xi32, #tpu.memory_space<vmem>>) semaphore(%arg15 : memref<!tpu.dma_semaphore, #tpu.memory_space<semaphore_mem>>)
    %dma_start3A_49 = arith.constant 4 : i32
    %dma_start3A_50 = arith.constant 4 : i32
    %dma_start3A_51 = arith.constant 0 : i32
    %dma_start3A_52 = arith.constant 0 : i32
    %dma_start3A_53 = tpu.memref_slice %arg8[%dma_start3A_50, %dma_start3A_51, %dma_start3A_52] : memref<5x128x64xf32, #tpu.memory_space<vmem>> -> memref<1x128x64xf32, #tpu.memory_space<vmem>>
    %dma_start3A_54 = tpu.memref_squeeze %dma_start3A_53 : memref<1x128x64xf32, #tpu.memory_space<vmem>> -> memref<128x64xf32, #tpu.memory_space<vmem>>
    %dma_start3A_55 = arith.constant 0 : i32
    %dma_start3A_56 = tpu.memref_slice %arg7[%dma_start3A_49, %dma_start3A_55] : memref<5x128xi32, #tpu.memory_space<vmem>> -> memref<1x128xi32, #tpu.memory_space<vmem>>
    %dma_start3A_57 = tpu.memref_squeeze %dma_start3A_56 : memref<1x128xi32, #tpu.memory_space<vmem>> -> memref<128xi32, #tpu.memory_space<vmem>>
    %dma_start3A_58 = arith.constant 0 : i32
    %dma_start3A_59 = arith.constant 0 : i32
    %dma_start3A_60 = tpu.memref_slice %arg13[%dma_start3A_58, %dma_start3A_59] : memref<64x64xf32, #tpu.memory_space<vmem_shared>> -> memref<64x64xf32, #tpu.memory_space<vmem_shared>>
    tpu.enqueue_indirect_dma source(%dma_start3A_60 : memref<64x64xf32, #tpu.memory_space<vmem_shared>>) target(%dma_start3A_54 : memref<128x64xf32, #tpu.memory_space<vmem>>) offsets(%dma_start3A_57 : memref<128xi32, #tpu.memory_space<vmem>>) semaphore(%arg15 : memref<!tpu.dma_semaphore, #tpu.memory_space<semaphore_mem>>)
    %scan3A = arith.constant 0 : i32
    %scan3A_61 = arith.constant 128 : i32
    %scan3A_62 = arith.addi %scan3A, %scan3A_61 : i32
    %scan3A_63 = arith.constant 1 : i32
    scf.for %scan3A_141 = %scan3A to %scan3A_62 step %scan3A_63  : i32 {
      %mul3A_142 = arith.constant 1 : i32
      %mul3A_143 = arith.muli %scan3A_141, %mul3A_142 : i32
      %add3A = arith.constant 0 : i32
      %add3A_144 = arith.addi %add3A, %mul3A_143 : i32
      %broadcast_in_dim3A = arith.constant 1.000000e+00 : f32
      %broadcast_in_dim3A_145 = vector.broadcast %broadcast_in_dim3A : f32 to vector<16xf32>
      %swap3A = arith.index_cast %add3A_144 : i32 to index
      %swap3A_146 = arith.constant 0 : index
      %swap3A_147 = tpu.vector_load %arg10[%swap3A, %swap3A_146] {strides = array<i32>} : memref<128x16xf32, #tpu.memory_space<vmem>>, vector<1x16xf32>,
      %swap3A_148 = vector.shape_cast %swap3A_147 : vector<1x16xf32> to vector<16xf32>
      %swap3A_149 = vector.shape_cast %broadcast_in_dim3A_145 : vector<16xf32> to vector<1x16xf32>
      tpu.vector_store %arg10[%swap3A, %swap3A_146], %swap3A_149 {strides = array<i32>} : memref<128x16xf32, #tpu.memory_space<vmem>>, vector<1x16xf32>,
    }
    %scan3A_64 = arith.constant 128 : i32
    %scan3A_65 = arith.constant 0 : i32
    %scan3A_66 = arith.constant 640 : i32
    %scan3A_67 = arith.addi %scan3A_65, %scan3A_66 : i32
    %scan3A_68 = arith.constant 1 : i32
    scf.for %scan3A_141 = %scan3A_65 to %scan3A_67 step %scan3A_68  : i32 {
      %mul3A_142 = arith.constant 1 : i32
      %mul3A_143 = arith.muli %scan3A_141, %mul3A_142 : i32
      %add3A = arith.constant 0 : i32
      %add3A_144 = arith.addi %add3A, %mul3A_143 : i32
      %broadcast_in_dim3A = arith.constant 0.000000e+00 : f32
      %broadcast_in_dim3A_145 = vector.broadcast %broadcast_in_dim3A : f32 to vector<16xf32>
      %swap3A = arith.index_cast %add3A_144 : i32 to index
      %swap3A_146 = arith.constant 0 : index
      %swap3A_147 = tpu.vector_load %arg11[%swap3A, %swap3A_146] {strides = array<i32>} : memref<640x16xf32, #tpu.memory_space<vmem>>, vector<1x16xf32>,
      %swap3A_148 = vector.shape_cast %swap3A_147 : vector<1x16xf32> to vector<16xf32>
      %swap3A_149 = vector.shape_cast %broadcast_in_dim3A_145 : vector<16xf32> to vector<1x16xf32>
      tpu.vector_store %arg11[%swap3A, %swap3A_146], %swap3A_149 {strides = array<i32>} : memref<640x16xf32, #tpu.memory_space<vmem>>, vector<1x16xf32>,
    }
    %scan3A_69 = arith.constant 640 : i32
    %mul3A = arith.constant 640 : i32
    %mul3A_70 = arith.muli %arg1, %mul3A : i32
    "tpu.region"() ({
      %run_scoped3A = tpu.sem_alloc : memref<!tpu.dma_semaphore, #tpu.memory_space<semaphore_mem>>
      %dma_start3A_141 = arith.constant 0 : i32
      %dma_start3A_142 = tpu.memref_slice %arg14[%mul3A_70, %dma_start3A_141] : memref<10240x16xf32, #tpu.memory_space<vmem_shared>> -> memref<640x16xf32, #tpu.memory_space<vmem_shared>>
      %dma_start3A_143 = arith.constant 0 : i32
      %dma_start3A_144 = tpu.memref_slice %arg14[%mul3A_70, %dma_start3A_143] : memref<10240x16xf32, #tpu.memory_space<vmem_shared>> -> memref<640x16xf32, #tpu.memory_space<vmem_shared>>
      tpu.enqueue_dma source(%arg11 : memref<640x16xf32, #tpu.memory_space<vmem>>) target(%dma_start3A_144 : memref<640x16xf32, #tpu.memory_space<vmem_shared>>) target_semaphore(%run_scoped3A : memref<!tpu.dma_semaphore, #tpu.memory_space<semaphore_mem>>)
      %dma_wait3A_145 = arith.constant 0 : i32
      %dma_wait3A_146 = tpu.memref_slice %arg14[%mul3A_70, %dma_wait3A_145] : memref<10240x16xf32, #tpu.memory_space<vmem_shared>> -> memref<640x16xf32, #tpu.memory_space<vmem_shared>>
      %dma_wait3A_147 = arith.constant 0 : i32
      %dma_wait3A_148 = tpu.memref_slice %arg14[%mul3A_70, %dma_wait3A_147] : memref<10240x16xf32, #tpu.memory_space<vmem_shared>> -> memref<640x16xf32, #tpu.memory_space<vmem_shared>>
      tpu.wait_dma2 semaphore(%run_scoped3A : memref<!tpu.dma_semaphore, #tpu.memory_space<semaphore_mem>>) src(%arg11 : memref<640x16xf32, #tpu.memory_space<vmem>>) dst(%dma_wait3A_148 : memref<640x16xf32, #tpu.memory_space<vmem_shared>>)
      tpu.yield
    }) : () -> ()
    %barrier3A_71 = arith.constant 0 : index
    tpu.barrier barrier_id(%barrier3A_71)
    %dma_wait3A = arith.constant 0 : i32
    %dma_wait3A_72 = arith.constant 0 : i32
    %dma_wait3A_73 = arith.constant 0 : i32
    %dma_wait3A_74 = arith.constant 0 : i32
    %dma_wait3A_75 = tpu.memref_slice %arg8[%dma_wait3A_72, %dma_wait3A_73, %dma_wait3A_74] : memref<5x128x64xf32, #tpu.memory_space<vmem>> -> memref<1x128x64xf32, #tpu.memory_space<vmem>>
    %dma_wait3A_76 = tpu.memref_squeeze %dma_wait3A_75 : memref<1x128x64xf32, #tpu.memory_space<vmem>> -> memref<128x64xf32, #tpu.memory_space<vmem>>
    %dma_wait3A_77 = arith.constant 0 : i32
    %dma_wait3A_78 = tpu.memref_slice %arg7[%dma_wait3A, %dma_wait3A_77] : memref<5x128xi32, #tpu.memory_space<vmem>> -> memref<1x128xi32, #tpu.memory_space<vmem>>
    %dma_wait3A_79 = tpu.memref_squeeze %dma_wait3A_78 : memref<1x128xi32, #tpu.memory_space<vmem>> -> memref<128xi32, #tpu.memory_space<vmem>>
    %dma_wait3A_80 = arith.constant 0 : i32
    %dma_wait3A_81 = arith.constant 0 : i32
    %dma_wait3A_82 = tpu.memref_slice %arg13[%dma_wait3A_80, %dma_wait3A_81] : memref<64x64xf32, #tpu.memory_space<vmem_shared>> -> memref<64x64xf32, #tpu.memory_space<vmem_shared>>
    tpu.wait_indirect_dma semaphore(%arg15 : memref<!tpu.dma_semaphore, #tpu.memory_space<semaphore_mem>>) src(%dma_wait3A_82 : memref<64x64xf32, #tpu.memory_space<vmem_shared>>) dst(%dma_wait3A_76 : memref<128x64xf32, #tpu.memory_space<vmem>>)
    %dma_wait3A_83 = arith.constant 1 : i32
    %dma_wait3A_84 = arith.constant 1 : i32
    %dma_wait3A_85 = arith.constant 0 : i32
    %dma_wait3A_86 = arith.constant 0 : i32
    %dma_wait3A_87 = tpu.memref_slice %arg8[%dma_wait3A_84, %dma_wait3A_85, %dma_wait3A_86] : memref<5x128x64xf32, #tpu.memory_space<vmem>> -> memref<1x128x64xf32, #tpu.memory_space<vmem>>
    %dma_wait3A_88 = tpu.memref_squeeze %dma_wait3A_87 : memref<1x128x64xf32, #tpu.memory_space<vmem>> -> memref<128x64xf32, #tpu.memory_space<vmem>>
    %dma_wait3A_89 = arith.constant 0 : i32
    %dma_wait3A_90 = tpu.memref_slice %arg7[%dma_wait3A_83, %dma_wait3A_89] : memref<5x128xi32, #tpu.memory_space<vmem>> -> memref<1x128xi32, #tpu.memory_space<vmem>>
    %dma_wait3A_91 = tpu.memref_squeeze %dma_wait3A_90 : memref<1x128xi32, #tpu.memory_space<vmem>> -> memref<128xi32, #tpu.memory_space<vmem>>
    %dma_wait3A_92 = arith.constant 0 : i32
    %dma_wait3A_93 = arith.constant 0 : i32
    %dma_wait3A_94 = tpu.memref_slice %arg13[%dma_wait3A_92, %dma_wait3A_93] : memref<64x64xf32, #tpu.memory_space<vmem_shared>> -> memref<64x64xf32, #tpu.memory_space<vmem_shared>>
    tpu.wait_indirect_dma semaphore(%arg15 : memref<!tpu.dma_semaphore, #tpu.memory_space<semaphore_mem>>) src(%dma_wait3A_94 : memref<64x64xf32, #tpu.memory_space<vmem_shared>>) dst(%dma_wait3A_88 : memref<128x64xf32, #tpu.memory_space<vmem>>)
    %dma_wait3A_95 = arith.constant 2 : i32
    %dma_wait3A_96 = arith.constant 2 : i32
    %dma_wait3A_97 = arith.constant 0 : i32
    %dma_wait3A_98 = arith.constant 0 : i32
    %dma_wait3A_99 = tpu.memref_slice %arg8[%dma_wait3A_96, %dma_wait3A_97, %dma_wait3A_98] : memref<5x128x64xf32, #tpu.memory_space<vmem>> -> memref<1x128x64xf32, #tpu.memory_space<vmem>>
    %dma_wait3A_100 = tpu.memref_squeeze %dma_wait3A_99 : memref<1x128x64xf32, #tpu.memory_space<vmem>> -> memref<128x64xf32, #tpu.memory_space<vmem>>
    %dma_wait3A_101 = arith.constant 0 : i32
    %dma_wait3A_102 = tpu.memref_slice %arg7[%dma_wait3A_95, %dma_wait3A_101] : memref<5x128xi32, #tpu.memory_space<vmem>> -> memref<1x128xi32, #tpu.memory_space<vmem>>
    %dma_wait3A_103 = tpu.memref_squeeze %dma_wait3A_102 : memref<1x128xi32, #tpu.memory_space<vmem>> -> memref<128xi32, #tpu.memory_space<vmem>>
    %dma_wait3A_104 = arith.constant 0 : i32
    %dma_wait3A_105 = arith.constant 0 : i32
    %dma_wait3A_106 = tpu.memref_slice %arg13[%dma_wait3A_104, %dma_wait3A_105] : memref<64x64xf32, #tpu.memory_space<vmem_shared>> -> memref<64x64xf32, #tpu.memory_space<vmem_shared>>
    tpu.wait_indirect_dma semaphore(%arg15 : memref<!tpu.dma_semaphore, #tpu.memory_space<semaphore_mem>>) src(%dma_wait3A_106 : memref<64x64xf32, #tpu.memory_space<vmem_shared>>) dst(%dma_wait3A_100 : memref<128x64xf32, #tpu.memory_space<vmem>>)
    %dma_wait3A_107 = arith.constant 3 : i32
    %dma_wait3A_108 = arith.constant 3 : i32
    %dma_wait3A_109 = arith.constant 0 : i32
    %dma_wait3A_110 = arith.constant 0 : i32
    %dma_wait3A_111 = tpu.memref_slice %arg8[%dma_wait3A_108, %dma_wait3A_109, %dma_wait3A_110] : memref<5x128x64xf32, #tpu.memory_space<vmem>> -> memref<1x128x64xf32, #tpu.memory_space<vmem>>
    %dma_wait3A_112 = tpu.memref_squeeze %dma_wait3A_111 : memref<1x128x64xf32, #tpu.memory_space<vmem>> -> memref<128x64xf32, #tpu.memory_space<vmem>>
    %dma_wait3A_113 = arith.constant 0 : i32
    %dma_wait3A_114 = tpu.memref_slice %arg7[%dma_wait3A_107, %dma_wait3A_113] : memref<5x128xi32, #tpu.memory_space<vmem>> -> memref<1x128xi32, #tpu.memory_space<vmem>>
    %dma_wait3A_115 = tpu.memref_squeeze %dma_wait3A_114 : memref<1x128xi32, #tpu.memory_space<vmem>> -> memref<128xi32, #tpu.memory_space<vmem>>
    %dma_wait3A_116 = arith.constant 0 : i32
    %dma_wait3A_117 = arith.constant 0 : i32
    %dma_wait3A_118 = tpu.memref_slice %arg13[%dma_wait3A_116, %dma_wait3A_117] : memref<64x64xf32, #tpu.memory_space<vmem_shared>> -> memref<64x64xf32, #tpu.memory_space<vmem_shared>>
    tpu.wait_indirect_dma semaphore(%arg15 : memref<!tpu.dma_semaphore, #tpu.memory_space<semaphore_mem>>) src(%dma_wait3A_118 : memref<64x64xf32, #tpu.memory_space<vmem_shared>>) dst(%dma_wait3A_112 : memref<128x64xf32, #tpu.memory_space<vmem>>)
    %dma_wait3A_119 = arith.constant 4 : i32
    %dma_wait3A_120 = arith.constant 4 : i32
    %dma_wait3A_121 = arith.constant 0 : i32
    %dma_wait3A_122 = arith.constant 0 : i32
    %dma_wait3A_123 = tpu.memref_slice %arg8[%dma_wait3A_120, %dma_wait3A_121, %dma_wait3A_122] : memref<5x128x64xf32, #tpu.memory_space<vmem>> -> memref<1x128x64xf32, #tpu.memory_space<vmem>>
    %dma_wait3A_124 = tpu.memref_squeeze %dma_wait3A_123 : memref<1x128x64xf32, #tpu.memory_space<vmem>> -> memref<128x64xf32, #tpu.memory_space<vmem>>
    %dma_wait3A_125 = arith.constant 0 : i32
    %dma_wait3A_126 = tpu.memref_slice %arg7[%dma_wait3A_119, %dma_wait3A_125] : memref<5x128xi32, #tpu.memory_space<vmem>> -> memref<1x128xi32, #tpu.memory_space<vmem>>
    %dma_wait3A_127 = tpu.memref_squeeze %dma_wait3A_126 : memref<1x128xi32, #tpu.memory_space<vmem>> -> memref<128xi32, #tpu.memory_space<vmem>>
    %dma_wait3A_128 = arith.constant 0 : i32
    %dma_wait3A_129 = arith.constant 0 : i32
    %dma_wait3A_130 = tpu.memref_slice %arg13[%dma_wait3A_128, %dma_wait3A_129] : memref<64x64xf32, #tpu.memory_space<vmem_shared>> -> memref<64x64xf32, #tpu.memory_space<vmem_shared>>
    tpu.wait_indirect_dma semaphore(%arg15 : memref<!tpu.dma_semaphore, #tpu.memory_space<semaphore_mem>>) src(%dma_wait3A_130 : memref<64x64xf32, #tpu.memory_space<vmem_shared>>) dst(%dma_wait3A_124 : memref<128x64xf32, #tpu.memory_space<vmem>>)
    "tpu.region"() ({
      %run_scoped3A = tpu.sem_alloc : memref<!tpu.dma_semaphore, #tpu.memory_space<semaphore_mem>>
      %dma_start3A_141 = arith.constant 0 : i32
      %dma_start3A_142 = arith.constant 0 : i32
      %dma_start3A_143 = arith.constant 0 : i32
      %dma_start3A_144 = tpu.memref_slice %arg5[%arg0, %arg1, %dma_start3A_141, %dma_start3A_142, %dma_start3A_143] : memref<2x16x5x128x64xf32, #tpu.memory_space<hbm>> -> memref<1x1x5x128x64xf32, #tpu.memory_space<hbm>>
      %dma_start3A_145 = tpu.memref_squeeze %dma_start3A_144 : memref<1x1x5x128x64xf32, #tpu.memory_space<hbm>> -> memref<5x128x64xf32, #tpu.memory_space<hbm>>
      %dma_start3A_146 = arith.constant 0 : i32
      %dma_start3A_147 = arith.constant 0 : i32
      %dma_start3A_148 = arith.constant 0 : i32
      %dma_start3A_149 = tpu.memref_slice %arg5[%arg0, %arg1, %dma_start3A_146, %dma_start3A_147, %dma_start3A_148] : memref<2x16x5x128x64xf32, #tpu.memory_space<hbm>> -> memref<1x1x5x128x64xf32, #tpu.memory_space<hbm>>
      %dma_start3A_150 = tpu.memref_squeeze %dma_start3A_149 : memref<1x1x5x128x64xf32, #tpu.memory_space<hbm>> -> memref<5x128x64xf32, #tpu.memory_space<hbm>>
      tpu.enqueue_dma source(%arg8 : memref<5x128x64xf32, #tpu.memory_space<vmem>>) target(%dma_start3A_150 : memref<5x128x64xf32, #tpu.memory_space<hbm>>) target_semaphore(%run_scoped3A : memref<!tpu.dma_semaphore, #tpu.memory_space<semaphore_mem>>)
      %dma_wait3A_151 = arith.constant 0 : i32
      %dma_wait3A_152 = arith.constant 0 : i32
      %dma_wait3A_153 = arith.constant 0 : i32
      %dma_wait3A_154 = tpu.memref_slice %arg5[%arg0, %arg1, %dma_wait3A_151, %dma_wait3A_152, %dma_wait3A_153] : memref<2x16x5x128x64xf32, #tpu.memory_space<hbm>> -> memref<1x1x5x128x64xf32, #tpu.memory_space<hbm>>
      %dma_wait3A_155 = tpu.memref_squeeze %dma_wait3A_154 : memref<1x1x5x128x64xf32, #tpu.memory_space<hbm>> -> memref<5x128x64xf32, #tpu.memory_space<hbm>>
      %dma_wait3A_156 = arith.constant 0 : i32
      %dma_wait3A_157 = arith.constant 0 : i32
      %dma_wait3A_158 = arith.constant 0 : i32
      %dma_wait3A_159 = tpu.memref_slice %arg5[%arg0, %arg1, %dma_wait3A_156, %dma_wait3A_157, %dma_wait3A_158] : memref<2x16x5x128x64xf32, #tpu.memory_space<hbm>> -> memref<1x1x5x128x64xf32, #tpu.memory_space<hbm>>
      %dma_wait3A_160 = tpu.memref_squeeze %dma_wait3A_159 : memref<1x1x5x128x64xf32, #tpu.memory_space<hbm>> -> memref<5x128x64xf32, #tpu.memory_space<hbm>>
      tpu.wait_dma2 semaphore(%run_scoped3A : memref<!tpu.dma_semaphore, #tpu.memory_space<semaphore_mem>>) src(%arg8 : memref<5x128x64xf32, #tpu.memory_space<vmem>>) dst(%dma_wait3A_160 : memref<5x128x64xf32, #tpu.memory_space<hbm>>)
      tpu.yield
    }) : () -> ()
    %scan3A_131 = arith.constant 0 : i32
    %scan3A_132 = arith.constant 10 : i32
    %scan3A_133 = arith.addi %scan3A_131, %scan3A_132 : i32
    %scan3A_134 = arith.constant 1 : i32
    scf.for %scan3A_141 = %scan3A_131 to %scan3A_133 step %scan3A_134  : i32 {
      %mul3A_142 = arith.constant 1 : i32
      %mul3A_143 = arith.muli %scan3A_141, %mul3A_142 : i32
      %add3A = arith.constant 0 : i32
      %add3A_144 = arith.addi %add3A, %mul3A_143 : i32
      %mul3A_145 = arith.constant 80 : i32
      %mul3A_146 = arith.muli %arg0, %mul3A_145 : i32
      %mul3A_147 = arith.constant 8 : i32
      %mul3A_148 = arith.muli %mul3A_147, %add3A_144 : i32
      %add3A_149 = arith.addi %mul3A_146, %mul3A_148 : i32
      %add3A_150 = arith.constant 0 : i32
      %add3A_151 = arith.addi %add3A_149, %add3A_150 : i32
      %dma_start3A_152 = arith.constant 0 : i32
      %dma_start3A_153 = tpu.memref_slice %arg9[%add3A_151, %dma_start3A_152] : memref<160x128xi32, #tpu.memory_space<vmem>> -> memref<1x128xi32, #tpu.memory_space<vmem>>
      %dma_start3A_154 = tpu.memref_squeeze %dma_start3A_153 : memref<1x128xi32, #tpu.memory_space<vmem>> -> memref<128xi32, #tpu.memory_space<vmem>>
      %dma_start3A_155 = arith.constant 0 : i32
      %dma_start3A_156 = arith.constant 0 : i32
      %dma_start3A_157 = tpu.memref_slice %arg14[%dma_start3A_155, %dma_start3A_156] : memref<10240x16xf32, #tpu.memory_space<vmem_shared>> -> memref<10240x16xf32, #tpu.memory_space<vmem_shared>>
      tpu.enqueue_indirect_dma source(%arg10 : memref<128x16xf32, #tpu.memory_space<vmem>>) target(%dma_start3A_157 : memref<10240x16xf32, #tpu.memory_space<vmem_shared>>) offsets(%dma_start3A_154 : memref<128xi32, #tpu.memory_space<vmem>>) semaphore(%arg16 : memref<!tpu.dma_semaphore, #tpu.memory_space<semaphore_mem>>) {add = true}
      %mul3A_158 = arith.constant 80 : i32
      %mul3A_159 = arith.muli %arg0, %mul3A_158 : i32
      %mul3A_160 = arith.constant 8 : i32
      %mul3A_161 = arith.muli %mul3A_160, %add3A_144 : i32
      %add3A_162 = arith.addi %mul3A_159, %mul3A_161 : i32
      %add3A_163 = arith.constant 1 : i32
      %add3A_164 = arith.addi %add3A_162, %add3A_163 : i32
      %dma_start3A_165 = arith.constant 0 : i32
      %dma_start3A_166 = tpu.memref_slice %arg9[%add3A_164, %dma_start3A_165] : memref<160x128xi32, #tpu.memory_space<vmem>> -> memref<1x128xi32, #tpu.memory_space<vmem>>
      %dma_start3A_167 = tpu.memref_squeeze %dma_start3A_166 : memref<1x128xi32, #tpu.memory_space<vmem>> -> memref<128xi32, #tpu.memory_space<vmem>>
      %dma_start3A_168 = arith.constant 0 : i32
      %dma_start3A_169 = arith.constant 0 : i32
      %dma_start3A_170 = tpu.memref_slice %arg14[%dma_start3A_168, %dma_start3A_169] : memref<10240x16xf32, #tpu.memory_space<vmem_shared>> -> memref<10240x16xf32, #tpu.memory_space<vmem_shared>>
      tpu.enqueue_indirect_dma source(%arg10 : memref<128x16xf32, #tpu.memory_space<vmem>>) target(%dma_start3A_170 : memref<10240x16xf32, #tpu.memory_space<vmem_shared>>) offsets(%dma_start3A_167 : memref<128xi32, #tpu.memory_space<vmem>>) semaphore(%arg16 : memref<!tpu.dma_semaphore, #tpu.memory_space<semaphore_mem>>) {add = true}
      %mul3A_171 = arith.constant 80 : i32
      %mul3A_172 = arith.muli %arg0, %mul3A_171 : i32
      %mul3A_173 = arith.constant 8 : i32
      %mul3A_174 = arith.muli %mul3A_173, %add3A_144 : i32
      %add3A_175 = arith.addi %mul3A_172, %mul3A_174 : i32
      %add3A_176 = arith.constant 2 : i32
      %add3A_177 = arith.addi %add3A_175, %add3A_176 : i32
      %dma_start3A_178 = arith.constant 0 : i32
      %dma_start3A_179 = tpu.memref_slice %arg9[%add3A_177, %dma_start3A_178] : memref<160x128xi32, #tpu.memory_space<vmem>> -> memref<1x128xi32, #tpu.memory_space<vmem>>
      %dma_start3A_180 = tpu.memref_squeeze %dma_start3A_179 : memref<1x128xi32, #tpu.memory_space<vmem>> -> memref<128xi32, #tpu.memory_space<vmem>>
      %dma_start3A_181 = arith.constant 0 : i32
      %dma_start3A_182 = arith.constant 0 : i32
      %dma_start3A_183 = tpu.memref_slice %arg14[%dma_start3A_181, %dma_start3A_182] : memref<10240x16xf32, #tpu.memory_space<vmem_shared>> -> memref<10240x16xf32, #tpu.memory_space<vmem_shared>>
      tpu.enqueue_indirect_dma source(%arg10 : memref<128x16xf32, #tpu.memory_space<vmem>>) target(%dma_start3A_183 : memref<10240x16xf32, #tpu.memory_space<vmem_shared>>) offsets(%dma_start3A_180 : memref<128xi32, #tpu.memory_space<vmem>>) semaphore(%arg16 : memref<!tpu.dma_semaphore, #tpu.memory_space<semaphore_mem>>) {add = true}
      %mul3A_184 = arith.constant 80 : i32
      %mul3A_185 = arith.muli %arg0, %mul3A_184 : i32
      %mul3A_186 = arith.constant 8 : i32
      %mul3A_187 = arith.muli %mul3A_186, %add3A_144 : i32
      %add3A_188 = arith.addi %mul3A_185, %mul3A_187 : i32
      %add3A_189 = arith.constant 3 : i32
      %add3A_190 = arith.addi %add3A_188, %add3A_189 : i32
      %dma_start3A_191 = arith.constant 0 : i32
      %dma_start3A_192 = tpu.memref_slice %arg9[%add3A_190, %dma_start3A_191] : memref<160x128xi32, #tpu.memory_space<vmem>> -> memref<1x128xi32, #tpu.memory_space<vmem>>
      %dma_start3A_193 = tpu.memref_squeeze %dma_start3A_192 : memref<1x128xi32, #tpu.memory_space<vmem>> -> memref<128xi32, #tpu.memory_space<vmem>>
      %dma_start3A_194 = arith.constant 0 : i32
      %dma_start3A_195 = arith.constant 0 : i32
      %dma_start3A_196 = tpu.memref_slice %arg14[%dma_start3A_194, %dma_start3A_195] : memref<10240x16xf32, #tpu.memory_space<vmem_shared>> -> memref<10240x16xf32, #tpu.memory_space<vmem_shared>>
      tpu.enqueue_indirect_dma source(%arg10 : memref<128x16xf32, #tpu.memory_space<vmem>>) target(%dma_start3A_196 : memref<10240x16xf32, #tpu.memory_space<vmem_shared>>) offsets(%dma_start3A_193 : memref<128xi32, #tpu.memory_space<vmem>>) semaphore(%arg16 : memref<!tpu.dma_semaphore, #tpu.memory_space<semaphore_mem>>) {add = true}
      %mul3A_197 = arith.constant 80 : i32
      %mul3A_198 = arith.muli %arg0, %mul3A_197 : i32
      %mul3A_199 = arith.constant 8 : i32
      %mul3A_200 = arith.muli %mul3A_199, %add3A_144 : i32
      %add3A_201 = arith.addi %mul3A_198, %mul3A_200 : i32
      %add3A_202 = arith.constant 4 : i32
      %add3A_203 = arith.addi %add3A_201, %add3A_202 : i32
      %dma_start3A_204 = arith.constant 0 : i32
      %dma_start3A_205 = tpu.memref_slice %arg9[%add3A_203, %dma_start3A_204] : memref<160x128xi32, #tpu.memory_space<vmem>> -> memref<1x128xi32, #tpu.memory_space<vmem>>
      %dma_start3A_206 = tpu.memref_squeeze %dma_start3A_205 : memref<1x128xi32, #tpu.memory_space<vmem>> -> memref<128xi32, #tpu.memory_space<vmem>>
      %dma_start3A_207 = arith.constant 0 : i32
      %dma_start3A_208 = arith.constant 0 : i32
      %dma_start3A_209 = tpu.memref_slice %arg14[%dma_start3A_207, %dma_start3A_208] : memref<10240x16xf32, #tpu.memory_space<vmem_shared>> -> memref<10240x16xf32, #tpu.memory_space<vmem_shared>>
      tpu.enqueue_indirect_dma source(%arg10 : memref<128x16xf32, #tpu.memory_space<vmem>>) target(%dma_start3A_209 : memref<10240x16xf32, #tpu.memory_space<vmem_shared>>) offsets(%dma_start3A_206 : memref<128xi32, #tpu.memory_space<vmem>>) semaphore(%arg16 : memref<!tpu.dma_semaphore, #tpu.memory_space<semaphore_mem>>) {add = true}
      %mul3A_210 = arith.constant 80 : i32
      %mul3A_211 = arith.muli %arg0, %mul3A_210 : i32
      %mul3A_212 = arith.constant 8 : i32
      %mul3A_213 = arith.muli %mul3A_212, %add3A_144 : i32
      %add3A_214 = arith.addi %mul3A_211, %mul3A_213 : i32
      %add3A_215 = arith.constant 5 : i32
      %add3A_216 = arith.addi %add3A_214, %add3A_215 : i32
      %dma_start3A_217 = arith.constant 0 : i32
      %dma_start3A_218 = tpu.memref_slice %arg9[%add3A_216, %dma_start3A_217] : memref<160x128xi32, #tpu.memory_space<vmem>> -> memref<1x128xi32, #tpu.memory_space<vmem>>
      %dma_start3A_219 = tpu.memref_squeeze %dma_start3A_218 : memref<1x128xi32, #tpu.memory_space<vmem>> -> memref<128xi32, #tpu.memory_space<vmem>>
      %dma_start3A_220 = arith.constant 0 : i32
      %dma_start3A_221 = arith.constant 0 : i32
      %dma_start3A_222 = tpu.memref_slice %arg14[%dma_start3A_220, %dma_start3A_221] : memref<10240x16xf32, #tpu.memory_space<vmem_shared>> -> memref<10240x16xf32, #tpu.memory_space<vmem_shared>>
      tpu.enqueue_indirect_dma source(%arg10 : memref<128x16xf32, #tpu.memory_space<vmem>>) target(%dma_start3A_222 : memref<10240x16xf32, #tpu.memory_space<vmem_shared>>) offsets(%dma_start3A_219 : memref<128xi32, #tpu.memory_space<vmem>>) semaphore(%arg16 : memref<!tpu.dma_semaphore, #tpu.memory_space<semaphore_mem>>) {add = true}
      %mul3A_223 = arith.constant 80 : i32
      %mul3A_224 = arith.muli %arg0, %mul3A_223 : i32
      %mul3A_225 = arith.constant 8 : i32
      %mul3A_226 = arith.muli %mul3A_225, %add3A_144 : i32
      %add3A_227 = arith.addi %mul3A_224, %mul3A_226 : i32
      %add3A_228 = arith.constant 6 : i32
      %add3A_229 = arith.addi %add3A_227, %add3A_228 : i32
      %dma_start3A_230 = arith.constant 0 : i32
      %dma_start3A_231 = tpu.memref_slice %arg9[%add3A_229, %dma_start3A_230] : memref<160x128xi32, #tpu.memory_space<vmem>> -> memref<1x128xi32, #tpu.memory_space<vmem>>
      %dma_start3A_232 = tpu.memref_squeeze %dma_start3A_231 : memref<1x128xi32, #tpu.memory_space<vmem>> -> memref<128xi32, #tpu.memory_space<vmem>>
      %dma_start3A_233 = arith.constant 0 : i32
      %dma_start3A_234 = arith.constant 0 : i32
      %dma_start3A_235 = tpu.memref_slice %arg14[%dma_start3A_233, %dma_start3A_234] : memref<10240x16xf32, #tpu.memory_space<vmem_shared>> -> memref<10240x16xf32, #tpu.memory_space<vmem_shared>>
      tpu.enqueue_indirect_dma source(%arg10 : memref<128x16xf32, #tpu.memory_space<vmem>>) target(%dma_start3A_235 : memref<10240x16xf32, #tpu.memory_space<vmem_shared>>) offsets(%dma_start3A_232 : memref<128xi32, #tpu.memory_space<vmem>>) semaphore(%arg16 : memref<!tpu.dma_semaphore, #tpu.memory_space<semaphore_mem>>) {add = true}
      %mul3A_236 = arith.constant 80 : i32
      %mul3A_237 = arith.muli %arg0, %mul3A_236 : i32
      %mul3A_238 = arith.constant 8 : i32
      %mul3A_239 = arith.muli %mul3A_238, %add3A_144 : i32
      %add3A_240 = arith.addi %mul3A_237, %mul3A_239 : i32
      %add3A_241 = arith.constant 7 : i32
      %add3A_242 = arith.addi %add3A_240, %add3A_241 : i32
      %dma_start3A_243 = arith.constant 0 : i32
      %dma_start3A_244 = tpu.memref_slice %arg9[%add3A_242, %dma_start3A_243] : memref<160x128xi32, #tpu.memory_space<vmem>> -> memref<1x128xi32, #tpu.memory_space<vmem>>
      %dma_start3A_245 = tpu.memref_squeeze %dma_start3A_244 : memref<1x128xi32, #tpu.memory_space<vmem>> -> memref<128xi32, #tpu.memory_space<vmem>>
      %dma_start3A_246 = arith.constant 0 : i32
      %dma_start3A_247 = arith.constant 0 : i32
      %dma_start3A_248 = tpu.memref_slice %arg14[%dma_start3A_246, %dma_start3A_247] : memref<10240x16xf32, #tpu.memory_space<vmem_shared>> -> memref<10240x16xf32, #tpu.memory_space<vmem_shared>>
      tpu.enqueue_indirect_dma source(%arg10 : memref<128x16xf32, #tpu.memory_space<vmem>>) target(%dma_start3A_248 : memref<10240x16xf32, #tpu.memory_space<vmem_shared>>) offsets(%dma_start3A_245 : memref<128xi32, #tpu.memory_space<vmem>>) semaphore(%arg16 : memref<!tpu.dma_semaphore, #tpu.memory_space<semaphore_mem>>) {add = true}
      %dma_wait3A_249 = arith.constant 0 : i32
      %dma_wait3A_250 = tpu.memref_slice %arg9[%add3A_151, %dma_wait3A_249] : memref<160x128xi32, #tpu.memory_space<vmem>> -> memref<1x128xi32, #tpu.memory_space<vmem>>
      %dma_wait3A_251 = tpu.memref_squeeze %dma_wait3A_250 : memref<1x128xi32, #tpu.memory_space<vmem>> -> memref<128xi32, #tpu.memory_space<vmem>>
      %dma_wait3A_252 = arith.constant 0 : i32
      %dma_wait3A_253 = arith.constant 0 : i32
      %dma_wait3A_254 = tpu.memref_slice %arg14[%dma_wait3A_252, %dma_wait3A_253] : memref<10240x16xf32, #tpu.memory_space<vmem_shared>> -> memref<10240x16xf32, #tpu.memory_space<vmem_shared>>
      tpu.wait_indirect_dma semaphore(%arg16 : memref<!tpu.dma_semaphore, #tpu.memory_space<semaphore_mem>>) src(%arg10 : memref<128x16xf32, #tpu.memory_space<vmem>>) dst(%dma_wait3A_254 : memref<10240x16xf32, #tpu.memory_space<vmem_shared>>)
      %dma_wait3A_255 = arith.constant 0 : i32
      %dma_wait3A_256 = tpu.memref_slice %arg9[%add3A_164, %dma_wait3A_255] : memref<160x128xi32, #tpu.memory_space<vmem>> -> memref<1x128xi32, #tpu.memory_space<vmem>>
      %dma_wait3A_257 = tpu.memref_squeeze %dma_wait3A_256 : memref<1x128xi32, #tpu.memory_space<vmem>> -> memref<128xi32, #tpu.memory_space<vmem>>
      %dma_wait3A_258 = arith.constant 0 : i32
      %dma_wait3A_259 = arith.constant 0 : i32
      %dma_wait3A_260 = tpu.memref_slice %arg14[%dma_wait3A_258, %dma_wait3A_259] : memref<10240x16xf32, #tpu.memory_space<vmem_shared>> -> memref<10240x16xf32, #tpu.memory_space<vmem_shared>>
      tpu.wait_indirect_dma semaphore(%arg16 : memref<!tpu.dma_semaphore, #tpu.memory_space<semaphore_mem>>) src(%arg10 : memref<128x16xf32, #tpu.memory_space<vmem>>) dst(%dma_wait3A_260 : memref<10240x16xf32, #tpu.memory_space<vmem_shared>>)
      %dma_wait3A_261 = arith.constant 0 : i32
      %dma_wait3A_262 = tpu.memref_slice %arg9[%add3A_177, %dma_wait3A_261] : memref<160x128xi32, #tpu.memory_space<vmem>> -> memref<1x128xi32, #tpu.memory_space<vmem>>
      %dma_wait3A_263 = tpu.memref_squeeze %dma_wait3A_262 : memref<1x128xi32, #tpu.memory_space<vmem>> -> memref<128xi32, #tpu.memory_space<vmem>>
      %dma_wait3A_264 = arith.constant 0 : i32
      %dma_wait3A_265 = arith.constant 0 : i32
      %dma_wait3A_266 = tpu.memref_slice %arg14[%dma_wait3A_264, %dma_wait3A_265] : memref<10240x16xf32, #tpu.memory_space<vmem_shared>> -> memref<10240x16xf32, #tpu.memory_space<vmem_shared>>
      tpu.wait_indirect_dma semaphore(%arg16 : memref<!tpu.dma_semaphore, #tpu.memory_space<semaphore_mem>>) src(%arg10 : memref<128x16xf32, #tpu.memory_space<vmem>>) dst(%dma_wait3A_266 : memref<10240x16xf32, #tpu.memory_space<vmem_shared>>)
      %dma_wait3A_267 = arith.constant 0 : i32
      %dma_wait3A_268 = tpu.memref_slice %arg9[%add3A_190, %dma_wait3A_267] : memref<160x128xi32, #tpu.memory_space<vmem>> -> memref<1x128xi32, #tpu.memory_space<vmem>>
      %dma_wait3A_269 = tpu.memref_squeeze %dma_wait3A_268 : memref<1x128xi32, #tpu.memory_space<vmem>> -> memref<128xi32, #tpu.memory_space<vmem>>
      %dma_wait3A_270 = arith.constant 0 : i32
      %dma_wait3A_271 = arith.constant 0 : i32
      %dma_wait3A_272 = tpu.memref_slice %arg14[%dma_wait3A_270, %dma_wait3A_271] : memref<10240x16xf32, #tpu.memory_space<vmem_shared>> -> memref<10240x16xf32, #tpu.memory_space<vmem_shared>>
      tpu.wait_indirect_dma semaphore(%arg16 : memref<!tpu.dma_semaphore, #tpu.memory_space<semaphore_mem>>) src(%arg10 : memref<128x16xf32, #tpu.memory_space<vmem>>) dst(%dma_wait3A_272 : memref<10240x16xf32, #tpu.memory_space<vmem_shared>>)
      %dma_wait3A_273 = arith.constant 0 : i32
      %dma_wait3A_274 = tpu.memref_slice %arg9[%add3A_203, %dma_wait3A_273] : memref<160x128xi32, #tpu.memory_space<vmem>> -> memref<1x128xi32, #tpu.memory_space<vmem>>
      %dma_wait3A_275 = tpu.memref_squeeze %dma_wait3A_274 : memref<1x128xi32, #tpu.memory_space<vmem>> -> memref<128xi32, #tpu.memory_space<vmem>>
      %dma_wait3A_276 = arith.constant 0 : i32
      %dma_wait3A_277 = arith.constant 0 : i32
      %dma_wait3A_278 = tpu.memref_slice %arg14[%dma_wait3A_276, %dma_wait3A_277] : memref<10240x16xf32, #tpu.memory_space<vmem_shared>> -> memref<10240x16xf32, #tpu.memory_space<vmem_shared>>
      tpu.wait_indirect_dma semaphore(%arg16 : memref<!tpu.dma_semaphore, #tpu.memory_space<semaphore_mem>>) src(%arg10 : memref<128x16xf32, #tpu.memory_space<vmem>>) dst(%dma_wait3A_278 : memref<10240x16xf32, #tpu.memory_space<vmem_shared>>)
      %dma_wait3A_279 = arith.constant 0 : i32
      %dma_wait3A_280 = tpu.memref_slice %arg9[%add3A_216, %dma_wait3A_279] : memref<160x128xi32, #tpu.memory_space<vmem>> -> memref<1x128xi32, #tpu.memory_space<vmem>>
      %dma_wait3A_281 = tpu.memref_squeeze %dma_wait3A_280 : memref<1x128xi32, #tpu.memory_space<vmem>> -> memref<128xi32, #tpu.memory_space<vmem>>
      %dma_wait3A_282 = arith.constant 0 : i32
      %dma_wait3A_283 = arith.constant 0 : i32
      %dma_wait3A_284 = tpu.memref_slice %arg14[%dma_wait3A_282, %dma_wait3A_283] : memref<10240x16xf32, #tpu.memory_space<vmem_shared>> -> memref<10240x16xf32, #tpu.memory_space<vmem_shared>>
      tpu.wait_indirect_dma semaphore(%arg16 : memref<!tpu.dma_semaphore, #tpu.memory_space<semaphore_mem>>) src(%arg10 : memref<128x16xf32, #tpu.memory_space<vmem>>) dst(%dma_wait3A_284 : memref<10240x16xf32, #tpu.memory_space<vmem_shared>>)
      %dma_wait3A_285 = arith.constant 0 : i32
      %dma_wait3A_286 = tpu.memref_slice %arg9[%add3A_229, %dma_wait3A_285] : memref<160x128xi32, #tpu.memory_space<vmem>> -> memref<1x128xi32, #tpu.memory_space<vmem>>
      %dma_wait3A_287 = tpu.memref_squeeze %dma_wait3A_286 : memref<1x128xi32, #tpu.memory_space<vmem>> -> memref<128xi32, #tpu.memory_space<vmem>>
      %dma_wait3A_288 = arith.constant 0 : i32
      %dma_wait3A_289 = arith.constant 0 : i32
      %dma_wait3A_290 = tpu.memref_slice %arg14[%dma_wait3A_288, %dma_wait3A_289] : memref<10240x16xf32, #tpu.memory_space<vmem_shared>> -> memref<10240x16xf32, #tpu.memory_space<vmem_shared>>
      tpu.wait_indirect_dma semaphore(%arg16 : memref<!tpu.dma_semaphore, #tpu.memory_space<semaphore_mem>>) src(%arg10 : memref<128x16xf32, #tpu.memory_space<vmem>>) dst(%dma_wait3A_290 : memref<10240x16xf32, #tpu.memory_space<vmem_shared>>)
      %dma_wait3A_291 = arith.constant 0 : i32
      %dma_wait3A_292 = tpu.memref_slice %arg9[%add3A_242, %dma_wait3A_291] : memref<160x128xi32, #tpu.memory_space<vmem>> -> memref<1x128xi32, #tpu.memory_space<vmem>>
      %dma_wait3A_293 = tpu.memref_squeeze %dma_wait3A_292 : memref<1x128xi32, #tpu.memory_space<vmem>> -> memref<128xi32, #tpu.memory_space<vmem>>
      %dma_wait3A_294 = arith.constant 0 : i32
      %dma_wait3A_295 = arith.constant 0 : i32
      %dma_wait3A_296 = tpu.memref_slice %arg14[%dma_wait3A_294, %dma_wait3A_295] : memref<10240x16xf32, #tpu.memory_space<vmem_shared>> -> memref<10240x16xf32, #tpu.memory_space<vmem_shared>>
      tpu.wait_indirect_dma semaphore(%arg16 : memref<!tpu.dma_semaphore, #tpu.memory_space<semaphore_mem>>) src(%arg10 : memref<128x16xf32, #tpu.memory_space<vmem>>) dst(%dma_wait3A_296 : memref<10240x16xf32, #tpu.memory_space<vmem_shared>>)
    }
    %scan3A_135 = arith.constant 10 : i32
    %barrier3A_136 = arith.constant 0 : index
    tpu.barrier barrier_id(%barrier3A_136)
    %mul3A_137 = arith.constant 640 : i32
    %mul3A_138 = arith.muli %arg1, %mul3A_137 : i32
    "tpu.region"() ({
      %run_scoped3A = tpu.sem_alloc : memref<!tpu.dma_semaphore, #tpu.memory_space<semaphore_mem>>
      %dma_start3A_141 = arith.constant 0 : i32
      %dma_start3A_142 = tpu.memref_slice %arg14[%mul3A_138, %dma_start3A_141] : memref<10240x16xf32, #tpu.memory_space<vmem_shared>> -> memref<640x16xf32, #tpu.memory_space<vmem_shared>>
      %dma_start3A_143 = arith.constant 0 : i32
      %dma_start3A_144 = tpu.memref_slice %arg14[%mul3A_138, %dma_start3A_143] : memref<10240x16xf32, #tpu.memory_space<vmem_shared>> -> memref<640x16xf32, #tpu.memory_space<vmem_shared>>
      tpu.enqueue_dma source(%dma_start3A_144 : memref<640x16xf32, #tpu.memory_space<vmem_shared>>) target(%arg11 : memref<640x16xf32, #tpu.memory_space<vmem>>) target_semaphore(%run_scoped3A : memref<!tpu.dma_semaphore, #tpu.memory_space<semaphore_mem>>)
      %dma_wait3A_145 = arith.constant 0 : i32
      %dma_wait3A_146 = tpu.memref_slice %arg14[%mul3A_138, %dma_wait3A_145] : memref<10240x16xf32, #tpu.memory_space<vmem_shared>> -> memref<640x16xf32, #tpu.memory_space<vmem_shared>>
      %dma_wait3A_147 = arith.constant 0 : i32
      %dma_wait3A_148 = tpu.memref_slice %arg14[%mul3A_138, %dma_wait3A_147] : memref<10240x16xf32, #tpu.memory_space<vmem_shared>> -> memref<640x16xf32, #tpu.memory_space<vmem_shared>>
      tpu.wait_dma2 semaphore(%run_scoped3A : memref<!tpu.dma_semaphore, #tpu.memory_space<semaphore_mem>>) src(%dma_wait3A_148 : memref<640x16xf32, #tpu.memory_space<vmem_shared>>) dst(%arg11 : memref<640x16xf32, #tpu.memory_space<vmem>>)
      tpu.yield
    }) : () -> ()
    %mul3A_139 = arith.constant 640 : i32
    %mul3A_140 = arith.muli %arg1, %mul3A_139 : i32
    "tpu.region"() ({
      %run_scoped3A = tpu.sem_alloc : memref<!tpu.dma_semaphore, #tpu.memory_space<semaphore_mem>>
      %dma_start3A_141 = arith.constant 0 : i32
      %dma_start3A_142 = arith.constant 0 : i32
      %dma_start3A_143 = tpu.memref_slice %arg6[%arg0, %dma_start3A_141, %dma_start3A_142] : memref<2x10240x16xf32, #tpu.memory_space<hbm>> -> memref<1x10240x16xf32, #tpu.memory_space<hbm>>
      %dma_start3A_144 = tpu.memref_squeeze %dma_start3A_143 : memref<1x10240x16xf32, #tpu.memory_space<hbm>> -> memref<10240x16xf32, #tpu.memory_space<hbm>>
      %dma_start3A_145 = arith.constant 0 : i32
      %dma_start3A_146 = tpu.memref_slice %dma_start3A_144[%mul3A_140, %dma_start3A_145] : memref<10240x16xf32, #tpu.memory_space<hbm>> -> memref<640x16xf32, #tpu.memory_space<hbm>>
      %dma_start3A_147 = arith.constant 0 : i32
      %dma_start3A_148 = arith.constant 0 : i32
      %dma_start3A_149 = tpu.memref_slice %arg6[%arg0, %dma_start3A_147, %dma_start3A_148] : memref<2x10240x16xf32, #tpu.memory_space<hbm>> -> memref<1x10240x16xf32, #tpu.memory_space<hbm>>
      %dma_start3A_150 = tpu.memref_squeeze %dma_start3A_149 : memref<1x10240x16xf32, #tpu.memory_space<hbm>> -> memref<10240x16xf32, #tpu.memory_space<hbm>>
      %dma_start3A_151 = arith.constant 0 : i32
      %dma_start3A_152 = tpu.memref_slice %dma_start3A_150[%mul3A_140, %dma_start3A_151] : memref<10240x16xf32, #tpu.memory_space<hbm>> -> memref<640x16xf32, #tpu.memory_space<hbm>>
      tpu.enqueue_dma source(%arg11 : memref<640x16xf32, #tpu.memory_space<vmem>>) target(%dma_start3A_152 : memref<640x16xf32, #tpu.memory_space<hbm>>) target_semaphore(%run_scoped3A : memref<!tpu.dma_semaphore, #tpu.memory_space<semaphore_mem>>)
      %dma_wait3A_153 = arith.constant 0 : i32
      %dma_wait3A_154 = arith.constant 0 : i32
      %dma_wait3A_155 = tpu.memref_slice %arg6[%arg0, %dma_wait3A_153, %dma_wait3A_154] : memref<2x10240x16xf32, #tpu.memory_space<hbm>> -> memref<1x10240x16xf32, #tpu.memory_space<hbm>>
      %dma_wait3A_156 = tpu.memref_squeeze %dma_wait3A_155 : memref<1x10240x16xf32, #tpu.memory_space<hbm>> -> memref<10240x16xf32, #tpu.memory_space<hbm>>
      %dma_wait3A_157 = arith.constant 0 : i32
      %dma_wait3A_158 = tpu.memref_slice %dma_wait3A_156[%mul3A_140, %dma_wait3A_157] : memref<10240x16xf32, #tpu.memory_space<hbm>> -> memref<640x16xf32, #tpu.memory_space<hbm>>
      %dma_wait3A_159 = arith.constant 0 : i32
      %dma_wait3A_160 = arith.constant 0 : i32
      %dma_wait3A_161 = tpu.memref_slice %arg6[%arg0, %dma_wait3A_159, %dma_wait3A_160] : memref<2x10240x16xf32, #tpu.memory_space<hbm>> -> memref<1x10240x16xf32, #tpu.memory_space<hbm>>
      %dma_wait3A_162 = tpu.memref_squeeze %dma_wait3A_161 : memref<1x10240x16xf32, #tpu.memory_space<hbm>> -> memref<10240x16xf32, #tpu.memory_space<hbm>>
      %dma_wait3A_163 = arith.constant 0 : i32
      %dma_wait3A_164 = tpu.memref_slice %dma_wait3A_162[%mul3A_140, %dma_wait3A_163] : memref<10240x16xf32, #tpu.memory_space<hbm>> -> memref<640x16xf32, #tpu.memory_space<hbm>>
      tpu.wait_dma2 semaphore(%run_scoped3A : memref<!tpu.dma_semaphore, #tpu.memory_space<semaphore_mem>>) src(%arg11 : memref<640x16xf32, #tpu.memory_space<vmem>>) dst(%dma_wait3A_164 : memref<640x16xf32, #tpu.memory_space<hbm>>)
      tpu.yield
    }) : () -> ()
    return
  }
}

module attributes {stable_mosaic.version = 14 : i64} {
  func.func @_tc_update_body(%arg0: i32, %arg1: memref<2x2560x128xf32, #tpu.memory_space<vmem>>, %arg2: memref<2x2560x32xf32, #tpu.memory_space<vmem>>, %arg3: memref<2x2560x128xf32, #tpu.memory_space<vmem>>, %arg4: memref<128x128xf32, #tpu.memory_space<vmem>>, %arg5: memref<128x128xf32, #tpu.memory_space<vmem>>, %arg6: memref<2x2560x128xf32, #tpu.memory_space<vmem>>) attributes {dimension_semantics = [#tpu.dimension_semantics<arbitrary>], iteration_bounds = array<i64: 2>, scalar_prefetch = 0 : i64, scratch_operands = 0 : i64, tpu.core_type = #tpu.core_type<tc>, window_params = [{transform_indices = @transform_0, window_bounds = array<i64: 2, 2560, 128>}, {transform_indices = @transform_1, window_bounds = array<i64: 2, 2560, 32>}, {transform_indices = @transform_2, window_bounds = array<i64: 2, 2560, 128>}, {pipeline_mode = #tpu.pipeline_mode<synchronous>, transform_indices = @transform_3, window_bounds = array<i64: 128, 128>}, {pipeline_mode = #tpu.pipeline_mode<synchronous>, transform_indices = @transform_4, window_bounds = array<i64: 128, 128>}, {transform_indices = @transform_5, window_bounds = array<i64: 2, 2560, 128>}]} {
    %get3A = arith.constant 0 : index
    %get3A_0 = arith.constant 0 : index
    %get3A_1 = arith.constant 0 : index
    %get3A_2 = vector.load %arg1[%get3A, %get3A_0, %get3A_1] : memref<2x2560x128xf32, #tpu.memory_space<vmem>>, vector<1x2560x128xf32>
    %get3A_3 = vector.shape_cast %get3A_2 : vector<1x2560x128xf32> to vector<2560x128xf32>
    %get3A_4 = arith.constant 1 : index
    %get3A_5 = arith.constant 0 : index
    %get3A_6 = arith.constant 0 : index
    %get3A_7 = vector.load %arg1[%get3A_4, %get3A_5, %get3A_6] : memref<2x2560x128xf32, #tpu.memory_space<vmem>>, vector<1x2560x128xf32>
    %get3A_8 = vector.shape_cast %get3A_7 : vector<1x2560x128xf32> to vector<2560x128xf32>
    %get3A_9 = arith.constant 0 : index
    %get3A_10 = arith.constant 0 : index
    %get3A_11 = arith.constant 0 : index
    %get3A_12 = vector.load %arg2[%get3A_9, %get3A_10, %get3A_11] : memref<2x2560x32xf32, #tpu.memory_space<vmem>>, vector<1x2560x32xf32>
    %get3A_13 = vector.shape_cast %get3A_12 : vector<1x2560x32xf32> to vector<2560x32xf32>
    %slice3A = vector.extract_strided_slice %get3A_13 {offsets = [0, 0], sizes = [2560, 1], strides = [1, 1]} : vector<2560x32xf32> to vector<2560x1xf32>
    %squeeze3A = vector.shape_cast %slice3A : vector<2560x1xf32> to vector<2560xf32>
    %get3A_14 = arith.constant 1 : index
    %get3A_15 = arith.constant 0 : index
    %get3A_16 = arith.constant 0 : index
    %get3A_17 = vector.load %arg2[%get3A_14, %get3A_15, %get3A_16] : memref<2x2560x32xf32, #tpu.memory_space<vmem>>, vector<1x2560x32xf32>
    %get3A_18 = vector.shape_cast %get3A_17 : vector<1x2560x32xf32> to vector<2560x32xf32>
    %slice3A_19 = vector.extract_strided_slice %get3A_18 {offsets = [0, 0], sizes = [2560, 1], strides = [1, 1]} : vector<2560x32xf32> to vector<2560x1xf32>
    %squeeze3A_20 = vector.shape_cast %slice3A_19 : vector<2560x1xf32> to vector<2560xf32>
    %add3A = arith.addf %squeeze3A, %squeeze3A_20 : vector<2560xf32>
    %max3A = arith.constant 1.000000e+00 : f32
    %max3A_21 = vector.broadcast %max3A : f32 to vector<2560xf32>
    %max3A_22 = arith.maximumf %add3A, %max3A_21 : vector<2560xf32>
    %div3A = arith.constant 1.000000e+00 : f32
    %div3A_23 = vector.broadcast %div3A : f32 to vector<2560xf32>
    %div3A_24 = arith.divf %div3A_23, %max3A_22 : vector<2560xf32>
    %broadcast_in_dim3A = vector.shape_cast %div3A_24 : vector<2560xf32> to vector<2560x1xf32>
    %get3A_25 = arith.constant 0 : index
    %get3A_26 = arith.constant 0 : index
    %get3A_27 = arith.constant 0 : index
    %get3A_28 = vector.load %arg2[%get3A_25, %get3A_26, %get3A_27] : memref<2x2560x32xf32, #tpu.memory_space<vmem>>, vector<1x2560x32xf32>
    %get3A_29 = vector.shape_cast %get3A_28 : vector<1x2560x32xf32> to vector<2560x32xf32>
    %slice3A_30 = vector.extract_strided_slice %get3A_29 {offsets = [0, 16], sizes = [2560, 1], strides = [1, 1]} : vector<2560x32xf32> to vector<2560x1xf32>
    %squeeze3A_31 = vector.shape_cast %slice3A_30 : vector<2560x1xf32> to vector<2560xf32>
    %get3A_32 = arith.constant 1 : index
    %get3A_33 = arith.constant 0 : index
    %get3A_34 = arith.constant 0 : index
    %get3A_35 = vector.load %arg2[%get3A_32, %get3A_33, %get3A_34] : memref<2x2560x32xf32, #tpu.memory_space<vmem>>, vector<1x2560x32xf32>
    %get3A_36 = vector.shape_cast %get3A_35 : vector<1x2560x32xf32> to vector<2560x32xf32>
    %slice3A_37 = vector.extract_strided_slice %get3A_36 {offsets = [0, 16], sizes = [2560, 1], strides = [1, 1]} : vector<2560x32xf32> to vector<2560x1xf32>
    %squeeze3A_38 = vector.shape_cast %slice3A_37 : vector<2560x1xf32> to vector<2560xf32>
    %add3A_39 = arith.addf %squeeze3A_31, %squeeze3A_38 : vector<2560xf32>
    %max3A_40 = arith.constant 1.000000e+00 : f32
    %max3A_41 = vector.broadcast %max3A_40 : f32 to vector<2560xf32>
    %max3A_42 = arith.maximumf %add3A_39, %max3A_41 : vector<2560xf32>
    %div3A_43 = arith.constant 1.000000e+00 : f32
    %div3A_44 = vector.broadcast %div3A_43 : f32 to vector<2560xf32>
    %div3A_45 = arith.divf %div3A_44, %max3A_42 : vector<2560xf32>
    %broadcast_in_dim3A_46 = vector.shape_cast %div3A_45 : vector<2560xf32> to vector<2560x1xf32>
    %slice3A_47 = vector.extract_strided_slice %get3A_3 {offsets = [0, 0], sizes = [2560, 64], strides = [1, 1]} : vector<2560x128xf32> to vector<2560x64xf32>
    %mul3A = vector.broadcast %broadcast_in_dim3A : vector<2560x1xf32> to vector<2560x64xf32>
    %mul3A_48 = arith.mulf %slice3A_47, %mul3A : vector<2560x64xf32>
    %slice3A_49 = vector.extract_strided_slice %get3A_8 {offsets = [0, 0], sizes = [2560, 64], strides = [1, 1]} : vector<2560x128xf32> to vector<2560x64xf32>
    %mul3A_50 = vector.broadcast %broadcast_in_dim3A : vector<2560x1xf32> to vector<2560x64xf32>
    %mul3A_51 = arith.mulf %slice3A_49, %mul3A_50 : vector<2560x64xf32>
    %get3A_52 = arith.constant 0 : index
    %get3A_53 = arith.constant 0 : index
    %get3A_54 = vector.load %arg4[%get3A_52, %get3A_53] : memref<128x128xf32, #tpu.memory_space<vmem>>, vector<64x128xf32>
    %dot_general3A = arith.constant dense<0.000000e+00> : vector<2560x128xf32>
    %dot_general3A_55 = tpu.matmul %mul3A_48, %get3A_54, %dot_general3A {dimension_numbers = #tpu.dot_dimension_numbers<[1], [0], [0], [1], [0, 0, 1, 1], [], []>, transpose_lhs_hint = false} : vector<2560x64xf32>, vector<64x128xf32>, vector<2560x128xf32> -> vector<2560x128xf32>
    %get3A_56 = arith.constant 64 : index
    %get3A_57 = arith.constant 0 : index
    %get3A_58 = vector.load %arg4[%get3A_56, %get3A_57] : memref<128x128xf32, #tpu.memory_space<vmem>>, vector<64x128xf32>
    %dot_general3A_59 = arith.constant dense<0.000000e+00> : vector<2560x128xf32>
    %dot_general3A_60 = tpu.matmul %mul3A_51, %get3A_58, %dot_general3A_59 {dimension_numbers = #tpu.dot_dimension_numbers<[1], [0], [0], [1], [0, 0, 1, 1], [], []>, transpose_lhs_hint = false} : vector<2560x64xf32>, vector<64x128xf32>, vector<2560x128xf32> -> vector<2560x128xf32>
    %add3A_61 = arith.addf %dot_general3A_55, %dot_general3A_60 : vector<2560x128xf32>
    %neg3A = arith.constant 0.000000e+00 : f32
    %neg3A_62 = vector.broadcast %neg3A : f32 to vector<2560x128xf32>
    %neg3A_63 = arith.subf %neg3A_62, %add3A_61 : vector<2560x128xf32>
    %exp3A = math.exp %neg3A_63 : vector<2560x128xf32>
    %add3A_64 = arith.constant 1.000000e+00 : f32
    %add3A_65 = vector.broadcast %add3A_64 : f32 to vector<2560x128xf32>
    %add3A_66 = arith.addf %add3A_65, %exp3A : vector<2560x128xf32>
    %div3A_67 = arith.constant 1.000000e+00 : f32
    %div3A_68 = vector.broadcast %div3A_67 : f32 to vector<2560x128xf32>
    %div3A_69 = arith.divf %div3A_68, %add3A_66 : vector<2560x128xf32>
    %get3A_70 = arith.constant 0 : index
    %get3A_71 = arith.constant 0 : index
    %get3A_72 = vector.load %arg5[%get3A_70, %get3A_71] : memref<128x128xf32, #tpu.memory_space<vmem>>, vector<64x128xf32>
    %dot_general3A_73 = arith.constant dense<0.000000e+00> : vector<2560x128xf32>
    %dot_general3A_74 = tpu.matmul %mul3A_48, %get3A_72, %dot_general3A_73 {dimension_numbers = #tpu.dot_dimension_numbers<[1], [0], [0], [1], [0, 0, 1, 1], [], []>, transpose_lhs_hint = false} : vector<2560x64xf32>, vector<64x128xf32>, vector<2560x128xf32> -> vector<2560x128xf32>
    %get3A_75 = arith.constant 64 : index
    %get3A_76 = arith.constant 0 : index
    %get3A_77 = vector.load %arg5[%get3A_75, %get3A_76] : memref<128x128xf32, #tpu.memory_space<vmem>>, vector<64x128xf32>
    %dot_general3A_78 = arith.constant dense<0.000000e+00> : vector<2560x128xf32>
    %dot_general3A_79 = tpu.matmul %mul3A_51, %get3A_77, %dot_general3A_78 {dimension_numbers = #tpu.dot_dimension_numbers<[1], [0], [0], [1], [0, 0, 1, 1], [], []>, transpose_lhs_hint = false} : vector<2560x64xf32>, vector<64x128xf32>, vector<2560x128xf32> -> vector<2560x128xf32>
    %add3A_80 = arith.addf %dot_general3A_74, %dot_general3A_79 : vector<2560x128xf32>
    %mul3A_81 = arith.mulf %div3A_69, %add3A_80 : vector<2560x128xf32>
    %get3A_82 = arith.constant 0 : index
    %get3A_83 = arith.constant 0 : index
    %get3A_84 = arith.constant 0 : index
    %get3A_85 = vector.load %arg3[%get3A_82, %get3A_83, %get3A_84] : memref<2x2560x128xf32, #tpu.memory_space<vmem>>, vector<1x2560x128xf32>
    %get3A_86 = vector.shape_cast %get3A_85 : vector<1x2560x128xf32> to vector<2560x128xf32>
    %slice3A_87 = vector.extract_strided_slice %get3A_86 {offsets = [0, 0], sizes = [2560, 64], strides = [1, 1]} : vector<2560x128xf32> to vector<2560x64xf32>
    %slice3A_88 = vector.extract_strided_slice %mul3A_81 {offsets = [0, 0], sizes = [2560, 64], strides = [1, 1]} : vector<2560x128xf32> to vector<2560x64xf32>
    %add3A_89 = arith.addf %slice3A_87, %slice3A_88 : vector<2560x64xf32>
    %swap3A = arith.constant 0 : index
    %swap3A_90 = arith.constant 0 : index
    %swap3A_91 = arith.constant 0 : index
    %swap3A_92 = vector.load %arg6[%swap3A, %swap3A_90, %swap3A_91] : memref<2x2560x128xf32, #tpu.memory_space<vmem>>, vector<1x2560x64xf32>
    %swap3A_93 = vector.shape_cast %swap3A_92 : vector<1x2560x64xf32> to vector<2560x64xf32>
    %swap3A_94 = vector.shape_cast %add3A_89 : vector<2560x64xf32> to vector<1x2560x64xf32>
    tpu.vector_store %arg6[%swap3A, %swap3A_90, %swap3A_91], %swap3A_94 {strides = array<i32>} : memref<2x2560x128xf32, #tpu.memory_space<vmem>>, vector<1x2560x64xf32>,
    %get3A_95 = arith.constant 1 : index
    %get3A_96 = arith.constant 0 : index
    %get3A_97 = arith.constant 0 : index
    %get3A_98 = vector.load %arg3[%get3A_95, %get3A_96, %get3A_97] : memref<2x2560x128xf32, #tpu.memory_space<vmem>>, vector<1x2560x128xf32>
    %get3A_99 = vector.shape_cast %get3A_98 : vector<1x2560x128xf32> to vector<2560x128xf32>
    %slice3A_100 = vector.extract_strided_slice %get3A_99 {offsets = [0, 0], sizes = [2560, 64], strides = [1, 1]} : vector<2560x128xf32> to vector<2560x64xf32>
    %slice3A_101 = vector.extract_strided_slice %mul3A_81 {offsets = [0, 64], sizes = [2560, 64], strides = [1, 1]} : vector<2560x128xf32> to vector<2560x64xf32>
    %add3A_102 = arith.addf %slice3A_100, %slice3A_101 : vector<2560x64xf32>
    %swap3A_103 = arith.constant 1 : index
    %swap3A_104 = arith.constant 0 : index
    %swap3A_105 = arith.constant 0 : index
    %swap3A_106 = vector.load %arg6[%swap3A_103, %swap3A_104, %swap3A_105] : memref<2x2560x128xf32, #tpu.memory_space<vmem>>, vector<1x2560x64xf32>
    %swap3A_107 = vector.shape_cast %swap3A_106 : vector<1x2560x64xf32> to vector<2560x64xf32>
    %swap3A_108 = vector.shape_cast %add3A_102 : vector<2560x64xf32> to vector<1x2560x64xf32>
    tpu.vector_store %arg6[%swap3A_103, %swap3A_104, %swap3A_105], %swap3A_108 {strides = array<i32>} : memref<2x2560x128xf32, #tpu.memory_space<vmem>>, vector<1x2560x64xf32>,
    %slice3A_109 = vector.extract_strided_slice %get3A_3 {offsets = [0, 64], sizes = [2560, 64], strides = [1, 1]} : vector<2560x128xf32> to vector<2560x64xf32>
    %mul3A_110 = vector.broadcast %broadcast_in_dim3A_46 : vector<2560x1xf32> to vector<2560x64xf32>
    %mul3A_111 = arith.mulf %slice3A_109, %mul3A_110 : vector<2560x64xf32>
    %slice3A_112 = vector.extract_strided_slice %get3A_8 {offsets = [0, 64], sizes = [2560, 64], strides = [1, 1]} : vector<2560x128xf32> to vector<2560x64xf32>
    %mul3A_113 = vector.broadcast %broadcast_in_dim3A_46 : vector<2560x1xf32> to vector<2560x64xf32>
    %mul3A_114 = arith.mulf %slice3A_112, %mul3A_113 : vector<2560x64xf32>
    %get3A_115 = arith.constant 0 : index
    %get3A_116 = arith.constant 0 : index
    %get3A_117 = vector.load %arg4[%get3A_115, %get3A_116] : memref<128x128xf32, #tpu.memory_space<vmem>>, vector<64x128xf32>
    %dot_general3A_118 = arith.constant dense<0.000000e+00> : vector<2560x128xf32>
    %dot_general3A_119 = tpu.matmul %mul3A_111, %get3A_117, %dot_general3A_118 {dimension_numbers = #tpu.dot_dimension_numbers<[1], [0], [0], [1], [0, 0, 1, 1], [], []>, transpose_lhs_hint = false} : vector<2560x64xf32>, vector<64x128xf32>, vector<2560x128xf32> -> vector<2560x128xf32>
    %get3A_120 = arith.constant 64 : index
    %get3A_121 = arith.constant 0 : index
    %get3A_122 = vector.load %arg4[%get3A_120, %get3A_121] : memref<128x128xf32, #tpu.memory_space<vmem>>, vector<64x128xf32>
    %dot_general3A_123 = arith.constant dense<0.000000e+00> : vector<2560x128xf32>
    %dot_general3A_124 = tpu.matmul %mul3A_114, %get3A_122, %dot_general3A_123 {dimension_numbers = #tpu.dot_dimension_numbers<[1], [0], [0], [1], [0, 0, 1, 1], [], []>, transpose_lhs_hint = false} : vector<2560x64xf32>, vector<64x128xf32>, vector<2560x128xf32> -> vector<2560x128xf32>
    %add3A_125 = arith.addf %dot_general3A_119, %dot_general3A_124 : vector<2560x128xf32>
    %neg3A_126 = arith.constant 0.000000e+00 : f32
    %neg3A_127 = vector.broadcast %neg3A_126 : f32 to vector<2560x128xf32>
    %neg3A_128 = arith.subf %neg3A_127, %add3A_125 : vector<2560x128xf32>
    %exp3A_129 = math.exp %neg3A_128 : vector<2560x128xf32>
    %add3A_130 = arith.constant 1.000000e+00 : f32
    %add3A_131 = vector.broadcast %add3A_130 : f32 to vector<2560x128xf32>
    %add3A_132 = arith.addf %add3A_131, %exp3A_129 : vector<2560x128xf32>
    %div3A_133 = arith.constant 1.000000e+00 : f32
    %div3A_134 = vector.broadcast %div3A_133 : f32 to vector<2560x128xf32>
    %div3A_135 = arith.divf %div3A_134, %add3A_132 : vector<2560x128xf32>
    %get3A_136 = arith.constant 0 : index
    %get3A_137 = arith.constant 0 : index
    %get3A_138 = vector.load %arg5[%get3A_136, %get3A_137] : memref<128x128xf32, #tpu.memory_space<vmem>>, vector<64x128xf32>
    %dot_general3A_139 = arith.constant dense<0.000000e+00> : vector<2560x128xf32>
    %dot_general3A_140 = tpu.matmul %mul3A_111, %get3A_138, %dot_general3A_139 {dimension_numbers = #tpu.dot_dimension_numbers<[1], [0], [0], [1], [0, 0, 1, 1], [], []>, transpose_lhs_hint = false} : vector<2560x64xf32>, vector<64x128xf32>, vector<2560x128xf32> -> vector<2560x128xf32>
    %get3A_141 = arith.constant 64 : index
    %get3A_142 = arith.constant 0 : index
    %get3A_143 = vector.load %arg5[%get3A_141, %get3A_142] : memref<128x128xf32, #tpu.memory_space<vmem>>, vector<64x128xf32>
    %dot_general3A_144 = arith.constant dense<0.000000e+00> : vector<2560x128xf32>
    %dot_general3A_145 = tpu.matmul %mul3A_114, %get3A_143, %dot_general3A_144 {dimension_numbers = #tpu.dot_dimension_numbers<[1], [0], [0], [1], [0, 0, 1, 1], [], []>, transpose_lhs_hint = false} : vector<2560x64xf32>, vector<64x128xf32>, vector<2560x128xf32> -> vector<2560x128xf32>
    %add3A_146 = arith.addf %dot_general3A_140, %dot_general3A_145 : vector<2560x128xf32>
    %mul3A_147 = arith.mulf %div3A_135, %add3A_146 : vector<2560x128xf32>
    %get3A_148 = arith.constant 0 : index
    %get3A_149 = arith.constant 0 : index
    %get3A_150 = arith.constant 0 : index
    %get3A_151 = vector.load %arg3[%get3A_148, %get3A_149, %get3A_150] : memref<2x2560x128xf32, #tpu.memory_space<vmem>>, vector<1x2560x128xf32>
    %get3A_152 = vector.shape_cast %get3A_151 : vector<1x2560x128xf32> to vector<2560x128xf32>
    %slice3A_153 = vector.extract_strided_slice %get3A_152 {offsets = [0, 64], sizes = [2560, 64], strides = [1, 1]} : vector<2560x128xf32> to vector<2560x64xf32>
    %slice3A_154 = vector.extract_strided_slice %mul3A_147 {offsets = [0, 0], sizes = [2560, 64], strides = [1, 1]} : vector<2560x128xf32> to vector<2560x64xf32>
    %add3A_155 = arith.addf %slice3A_153, %slice3A_154 : vector<2560x64xf32>
    %swap3A_156 = arith.constant 0 : index
    %swap3A_157 = arith.constant 0 : index
    %swap3A_158 = arith.constant 64 : index
    %swap3A_159 = vector.load %arg6[%swap3A_156, %swap3A_157, %swap3A_158] : memref<2x2560x128xf32, #tpu.memory_space<vmem>>, vector<1x2560x64xf32>
    %swap3A_160 = vector.shape_cast %swap3A_159 : vector<1x2560x64xf32> to vector<2560x64xf32>
    %swap3A_161 = vector.shape_cast %add3A_155 : vector<2560x64xf32> to vector<1x2560x64xf32>
    tpu.vector_store %arg6[%swap3A_156, %swap3A_157, %swap3A_158], %swap3A_161 {strides = array<i32>} : memref<2x2560x128xf32, #tpu.memory_space<vmem>>, vector<1x2560x64xf32>,
    %get3A_162 = arith.constant 1 : index
    %get3A_163 = arith.constant 0 : index
    %get3A_164 = arith.constant 0 : index
    %get3A_165 = vector.load %arg3[%get3A_162, %get3A_163, %get3A_164] : memref<2x2560x128xf32, #tpu.memory_space<vmem>>, vector<1x2560x128xf32>
    %get3A_166 = vector.shape_cast %get3A_165 : vector<1x2560x128xf32> to vector<2560x128xf32>
    %slice3A_167 = vector.extract_strided_slice %get3A_166 {offsets = [0, 64], sizes = [2560, 64], strides = [1, 1]} : vector<2560x128xf32> to vector<2560x64xf32>
    %slice3A_168 = vector.extract_strided_slice %mul3A_147 {offsets = [0, 64], sizes = [2560, 64], strides = [1, 1]} : vector<2560x128xf32> to vector<2560x64xf32>
    %add3A_169 = arith.addf %slice3A_167, %slice3A_168 : vector<2560x64xf32>
    %swap3A_170 = arith.constant 1 : index
    %swap3A_171 = arith.constant 0 : index
    %swap3A_172 = arith.constant 64 : index
    %swap3A_173 = vector.load %arg6[%swap3A_170, %swap3A_171, %swap3A_172] : memref<2x2560x128xf32, #tpu.memory_space<vmem>>, vector<1x2560x64xf32>
    %swap3A_174 = vector.shape_cast %swap3A_173 : vector<1x2560x64xf32> to vector<2560x64xf32>
    %swap3A_175 = vector.shape_cast %add3A_169 : vector<2560x64xf32> to vector<1x2560x64xf32>
    tpu.vector_store %arg6[%swap3A_170, %swap3A_171, %swap3A_172], %swap3A_175 {strides = array<i32>} : memref<2x2560x128xf32, #tpu.memory_space<vmem>>, vector<1x2560x64xf32>,
    return
  }
  func.func @transform_0(%arg0: i32) -> (i32, i32, i32) {
    %c0_i32 = arith.constant 0 : i32
    %c0_i32_0 = arith.constant 0 : i32
    %c0_i32_1 = arith.constant 0 : i32
    return %c0_i32, %arg0, %c0_i32_0 : i32, i32, i32
  }
  func.func @transform_1(%arg0: i32) -> (i32, i32, i32) {
    %c0_i32 = arith.constant 0 : i32
    %c0_i32_0 = arith.constant 0 : i32
    %c0_i32_1 = arith.constant 0 : i32
    return %c0_i32, %arg0, %c0_i32_0 : i32, i32, i32
  }
  func.func @transform_2(%arg0: i32) -> (i32, i32, i32) {
    %c0_i32 = arith.constant 0 : i32
    %c0_i32_0 = arith.constant 0 : i32
    %c0_i32_1 = arith.constant 0 : i32
    return %c0_i32, %arg0, %c0_i32_0 : i32, i32, i32
  }
  func.func @transform_3(%arg0: i32) -> (i32, i32) {
    %c0_i32 = arith.constant 0 : i32
    %c0_i32_0 = arith.constant 0 : i32
    %c0_i32_1 = arith.constant 0 : i32
    return %c0_i32, %c0_i32_0 : i32, i32
  }
  func.func @transform_4(%arg0: i32) -> (i32, i32) {
    %c0_i32 = arith.constant 0 : i32
    %c0_i32_0 = arith.constant 0 : i32
    %c0_i32_1 = arith.constant 0 : i32
    return %c0_i32, %c0_i32_0 : i32, i32
  }
  func.func @transform_5(%arg0: i32) -> (i32, i32, i32) {
    %c0_i32 = arith.constant 0 : i32
    %c0_i32_0 = arith.constant 0 : i32
    %c0_i32_1 = arith.constant 0 : i32
    return %c0_i32, %arg0, %c0_i32_0 : i32, i32, i32
  }
}

module attributes {stable_mosaic.version = 14 : i64} {
  func.func @_tc_readout_body(%arg0: i32, %arg1: memref<2x2560x128xf32, #tpu.memory_space<vmem>>, %arg2: memref<128x64xf32, #tpu.memory_space<vmem>>, %arg3: memref<64xf32, #tpu.memory_space<vmem>>, %arg4: memref<64x8xf32, #tpu.memory_space<vmem>>, %arg5: memref<8xf32, #tpu.memory_space<vmem>>, %arg6: memref<2x2560x8xf32, #tpu.memory_space<vmem>>) attributes {dimension_semantics = [#tpu.dimension_semantics<arbitrary>], iteration_bounds = array<i64: 2>, scalar_prefetch = 0 : i64, scratch_operands = 0 : i64, tpu.core_type = #tpu.core_type<tc>, window_params = [{transform_indices = @transform_0, window_bounds = array<i64: 2, 2560, 128>}, {pipeline_mode = #tpu.pipeline_mode<synchronous>, transform_indices = @transform_1, window_bounds = array<i64: 128, 64>}, {pipeline_mode = #tpu.pipeline_mode<synchronous>, transform_indices = @transform_2, window_bounds = array<i64: 64>}, {pipeline_mode = #tpu.pipeline_mode<synchronous>, transform_indices = @transform_3, window_bounds = array<i64: 64, 8>}, {pipeline_mode = #tpu.pipeline_mode<synchronous>, transform_indices = @transform_4, window_bounds = array<i64: 8>}, {transform_indices = @transform_5, window_bounds = array<i64: 2, 2560, 8>}]} {
    %get3A = arith.constant 0 : index
    %get3A_0 = arith.constant 0 : index
    %get3A_1 = arith.constant 0 : index
    %get3A_2 = vector.load %arg1[%get3A, %get3A_0, %get3A_1] : memref<2x2560x128xf32, #tpu.memory_space<vmem>>, vector<1x2560x128xf32>
    %get3A_3 = vector.shape_cast %get3A_2 : vector<1x2560x128xf32> to vector<2560x128xf32>
    %slice3A = vector.extract_strided_slice %get3A_3 {offsets = [0, 0], sizes = [2560, 64], strides = [1, 1]} : vector<2560x128xf32> to vector<2560x64xf32>
    %get3A_4 = arith.constant 0 : index
    %get3A_5 = arith.constant 0 : index
    %get3A_6 = vector.load %arg2[%get3A_4, %get3A_5] : memref<128x64xf32, #tpu.memory_space<vmem>>, vector<64x64xf32>
    %dot_general3A = arith.constant dense<0.000000e+00> : vector<2560x64xf32>
    %dot_general3A_7 = tpu.matmul %slice3A, %get3A_6, %dot_general3A {dimension_numbers = #tpu.dot_dimension_numbers<[1], [0], [0], [1], [0, 0, 1, 1], [], []>, transpose_lhs_hint = false} : vector<2560x64xf32>, vector<64x64xf32>, vector<2560x64xf32> -> vector<2560x64xf32>
    %get3A_8 = arith.constant 1 : index
    %get3A_9 = arith.constant 0 : index
    %get3A_10 = arith.constant 0 : index
    %get3A_11 = vector.load %arg1[%get3A_8, %get3A_9, %get3A_10] : memref<2x2560x128xf32, #tpu.memory_space<vmem>>, vector<1x2560x128xf32>
    %get3A_12 = vector.shape_cast %get3A_11 : vector<1x2560x128xf32> to vector<2560x128xf32>
    %slice3A_13 = vector.extract_strided_slice %get3A_12 {offsets = [0, 0], sizes = [2560, 64], strides = [1, 1]} : vector<2560x128xf32> to vector<2560x64xf32>
    %get3A_14 = arith.constant 64 : index
    %get3A_15 = arith.constant 0 : index
    %get3A_16 = vector.load %arg2[%get3A_14, %get3A_15] : memref<128x64xf32, #tpu.memory_space<vmem>>, vector<64x64xf32>
    %dot_general3A_17 = arith.constant dense<0.000000e+00> : vector<2560x64xf32>
    %dot_general3A_18 = tpu.matmul %slice3A_13, %get3A_16, %dot_general3A_17 {dimension_numbers = #tpu.dot_dimension_numbers<[1], [0], [0], [1], [0, 0, 1, 1], [], []>, transpose_lhs_hint = false} : vector<2560x64xf32>, vector<64x64xf32>, vector<2560x64xf32> -> vector<2560x64xf32>
    %add3A = arith.addf %dot_general3A_7, %dot_general3A_18 : vector<2560x64xf32>
    %get3A_19 = arith.constant 0 : index
    %get3A_20 = vector.load %arg3[%get3A_19] : memref<64xf32, #tpu.memory_space<vmem>>, vector<64xf32>
    %broadcast_in_dim3A = vector.shape_cast %get3A_20 : vector<64xf32> to vector<1x64xf32>
    %add3A_21 = vector.broadcast %broadcast_in_dim3A : vector<1x64xf32> to vector<2560x64xf32>
    %add3A_22 = arith.addf %add3A, %add3A_21 : vector<2560x64xf32>
    %max3A = arith.constant 0.000000e+00 : f32
    %max3A_23 = vector.broadcast %max3A : f32 to vector<2560x64xf32>
    %max3A_24 = arith.maximumf %add3A_22, %max3A_23 : vector<2560x64xf32>
    %get3A_25 = arith.constant 0 : index
    %get3A_26 = arith.constant 0 : index
    %get3A_27 = vector.load %arg4[%get3A_25, %get3A_26] : memref<64x8xf32, #tpu.memory_space<vmem>>, vector<64x8xf32>
    %dot_general3A_28 = arith.constant dense<0.000000e+00> : vector<2560x8xf32>
    %dot_general3A_29 = tpu.matmul %max3A_24, %get3A_27, %dot_general3A_28 {dimension_numbers = #tpu.dot_dimension_numbers<[1], [0], [0], [1], [0, 0, 1, 1], [], []>, transpose_lhs_hint = false} : vector<2560x64xf32>, vector<64x8xf32>, vector<2560x8xf32> -> vector<2560x8xf32>
    %get3A_30 = arith.constant 0 : index
    %get3A_31 = vector.load %arg5[%get3A_30] : memref<8xf32, #tpu.memory_space<vmem>>, vector<8xf32>
    %broadcast_in_dim3A_32 = vector.shape_cast %get3A_31 : vector<8xf32> to vector<1x8xf32>
    %add3A_33 = vector.broadcast %broadcast_in_dim3A_32 : vector<1x8xf32> to vector<2560x8xf32>
    %add3A_34 = arith.addf %dot_general3A_29, %add3A_33 : vector<2560x8xf32>
    %swap3A = arith.constant 0 : index
    %swap3A_35 = arith.constant 0 : index
    %swap3A_36 = arith.constant 0 : index
    %swap3A_37 = vector.load %arg6[%swap3A, %swap3A_35, %swap3A_36] : memref<2x2560x8xf32, #tpu.memory_space<vmem>>, vector<1x2560x8xf32>
    %swap3A_38 = vector.shape_cast %swap3A_37 : vector<1x2560x8xf32> to vector<2560x8xf32>
    %swap3A_39 = vector.shape_cast %add3A_34 : vector<2560x8xf32> to vector<1x2560x8xf32>
    tpu.vector_store %arg6[%swap3A, %swap3A_35, %swap3A_36], %swap3A_39 {strides = array<i32>} : memref<2x2560x8xf32, #tpu.memory_space<vmem>>, vector<1x2560x8xf32>,
    %get3A_40 = arith.constant 0 : index
    %get3A_41 = arith.constant 0 : index
    %get3A_42 = arith.constant 0 : index
    %get3A_43 = vector.load %arg1[%get3A_40, %get3A_41, %get3A_42] : memref<2x2560x128xf32, #tpu.memory_space<vmem>>, vector<1x2560x128xf32>
    %get3A_44 = vector.shape_cast %get3A_43 : vector<1x2560x128xf32> to vector<2560x128xf32>
    %slice3A_45 = vector.extract_strided_slice %get3A_44 {offsets = [0, 64], sizes = [2560, 64], strides = [1, 1]} : vector<2560x128xf32> to vector<2560x64xf32>
    %get3A_46 = arith.constant 0 : index
    %get3A_47 = arith.constant 0 : index
    %get3A_48 = vector.load %arg2[%get3A_46, %get3A_47] : memref<128x64xf32, #tpu.memory_space<vmem>>, vector<64x64xf32>
    %dot_general3A_49 = arith.constant dense<0.000000e+00> : vector<2560x64xf32>
    %dot_general3A_50 = tpu.matmul %slice3A_45, %get3A_48, %dot_general3A_49 {dimension_numbers = #tpu.dot_dimension_numbers<[1], [0], [0], [1], [0, 0, 1, 1], [], []>, transpose_lhs_hint = false} : vector<2560x64xf32>, vector<64x64xf32>, vector<2560x64xf32> -> vector<2560x64xf32>
    %get3A_51 = arith.constant 1 : index
    %get3A_52 = arith.constant 0 : index
    %get3A_53 = arith.constant 0 : index
    %get3A_54 = vector.load %arg1[%get3A_51, %get3A_52, %get3A_53] : memref<2x2560x128xf32, #tpu.memory_space<vmem>>, vector<1x2560x128xf32>
    %get3A_55 = vector.shape_cast %get3A_54 : vector<1x2560x128xf32> to vector<2560x128xf32>
    %slice3A_56 = vector.extract_strided_slice %get3A_55 {offsets = [0, 64], sizes = [2560, 64], strides = [1, 1]} : vector<2560x128xf32> to vector<2560x64xf32>
    %get3A_57 = arith.constant 64 : index
    %get3A_58 = arith.constant 0 : index
    %get3A_59 = vector.load %arg2[%get3A_57, %get3A_58] : memref<128x64xf32, #tpu.memory_space<vmem>>, vector<64x64xf32>
    %dot_general3A_60 = arith.constant dense<0.000000e+00> : vector<2560x64xf32>
    %dot_general3A_61 = tpu.matmul %slice3A_56, %get3A_59, %dot_general3A_60 {dimension_numbers = #tpu.dot_dimension_numbers<[1], [0], [0], [1], [0, 0, 1, 1], [], []>, transpose_lhs_hint = false} : vector<2560x64xf32>, vector<64x64xf32>, vector<2560x64xf32> -> vector<2560x64xf32>
    %add3A_62 = arith.addf %dot_general3A_50, %dot_general3A_61 : vector<2560x64xf32>
    %get3A_63 = arith.constant 0 : index
    %get3A_64 = vector.load %arg3[%get3A_63] : memref<64xf32, #tpu.memory_space<vmem>>, vector<64xf32>
    %broadcast_in_dim3A_65 = vector.shape_cast %get3A_64 : vector<64xf32> to vector<1x64xf32>
    %add3A_66 = vector.broadcast %broadcast_in_dim3A_65 : vector<1x64xf32> to vector<2560x64xf32>
    %add3A_67 = arith.addf %add3A_62, %add3A_66 : vector<2560x64xf32>
    %max3A_68 = arith.constant 0.000000e+00 : f32
    %max3A_69 = vector.broadcast %max3A_68 : f32 to vector<2560x64xf32>
    %max3A_70 = arith.maximumf %add3A_67, %max3A_69 : vector<2560x64xf32>
    %get3A_71 = arith.constant 0 : index
    %get3A_72 = arith.constant 0 : index
    %get3A_73 = vector.load %arg4[%get3A_71, %get3A_72] : memref<64x8xf32, #tpu.memory_space<vmem>>, vector<64x8xf32>
    %dot_general3A_74 = arith.constant dense<0.000000e+00> : vector<2560x8xf32>
    %dot_general3A_75 = tpu.matmul %max3A_70, %get3A_73, %dot_general3A_74 {dimension_numbers = #tpu.dot_dimension_numbers<[1], [0], [0], [1], [0, 0, 1, 1], [], []>, transpose_lhs_hint = false} : vector<2560x64xf32>, vector<64x8xf32>, vector<2560x8xf32> -> vector<2560x8xf32>
    %get3A_76 = arith.constant 0 : index
    %get3A_77 = vector.load %arg5[%get3A_76] : memref<8xf32, #tpu.memory_space<vmem>>, vector<8xf32>
    %broadcast_in_dim3A_78 = vector.shape_cast %get3A_77 : vector<8xf32> to vector<1x8xf32>
    %add3A_79 = vector.broadcast %broadcast_in_dim3A_78 : vector<1x8xf32> to vector<2560x8xf32>
    %add3A_80 = arith.addf %dot_general3A_75, %add3A_79 : vector<2560x8xf32>
    %swap3A_81 = arith.constant 1 : index
    %swap3A_82 = arith.constant 0 : index
    %swap3A_83 = arith.constant 0 : index
    %swap3A_84 = vector.load %arg6[%swap3A_81, %swap3A_82, %swap3A_83] : memref<2x2560x8xf32, #tpu.memory_space<vmem>>, vector<1x2560x8xf32>
    %swap3A_85 = vector.shape_cast %swap3A_84 : vector<1x2560x8xf32> to vector<2560x8xf32>
    %swap3A_86 = vector.shape_cast %add3A_80 : vector<2560x8xf32> to vector<1x2560x8xf32>
    tpu.vector_store %arg6[%swap3A_81, %swap3A_82, %swap3A_83], %swap3A_86 {strides = array<i32>} : memref<2x2560x8xf32, #tpu.memory_space<vmem>>, vector<1x2560x8xf32>,
    return
  }
  func.func @transform_0(%arg0: i32) -> (i32, i32, i32) {
    %c0_i32 = arith.constant 0 : i32
    %c0_i32_0 = arith.constant 0 : i32
    %c0_i32_1 = arith.constant 0 : i32
    return %c0_i32, %arg0, %c0_i32_0 : i32, i32, i32
  }
  func.func @transform_1(%arg0: i32) -> (i32, i32) {
    %c0_i32 = arith.constant 0 : i32
    %c0_i32_0 = arith.constant 0 : i32
    %c0_i32_1 = arith.constant 0 : i32
    return %c0_i32, %c0_i32_0 : i32, i32
  }
  func.func @transform_2(%arg0: i32) -> i32 {
    %c0_i32 = arith.constant 0 : i32
    %c0_i32_0 = arith.constant 0 : i32
    return %c0_i32 : i32
  }
  func.func @transform_3(%arg0: i32) -> (i32, i32) {
    %c0_i32 = arith.constant 0 : i32
    %c0_i32_0 = arith.constant 0 : i32
    %c0_i32_1 = arith.constant 0 : i32
    return %c0_i32, %c0_i32_0 : i32, i32
  }
  func.func @transform_4(%arg0: i32) -> i32 {
    %c0_i32 = arith.constant 0 : i32
    %c0_i32_0 = arith.constant 0 : i32
    return %c0_i32 : i32
  }
  func.func @transform_5(%arg0: i32) -> (i32, i32, i32) {
    %c0_i32 = arith.constant 0 : i32
    %c0_i32_0 = arith.constant 0 : i32
    %c0_i32_1 = arith.constant 0 : i32
    return %c0_i32, %arg0, %c0_i32_0 : i32, i32, i32
  }
}

</mosaic_0001>

<sc_bundles>
// kernel: closed_call.19.cloned.1.call-start
scs
__scs_entry_jumppad:
0x0: {  	(pc) =	sbr.rel $0x88, $3  }
0x1: {  	(tag) =	ssettag $0x0;
	lr =	simm.s32 $0x1  }
0x2: {  	[smem:$0x3F98] =	sst lr;
	_ =	strace $0xD0000000  }
0x3: {  	_ = 	snop  }
0x4: {  	_ = 	snop  }
0x5: {  	_ = 	snop  }
0x6: {  	_ = 	snop  }
0x7: {  	_ = 	snop  }
__scs_overlays_trampoline_lowered:
0x8: {  	[smem:$0x3FA7] =	sst s0  }
0x9: {  	[smem:$0x3FA8] =	sst s1  }
0xa: {  	[smem:$0x3FA9] =	sst s2  }
0xb: {  	[smem:$0x3FAA] =	sst s3  }
0xc: {  	[smem:$0x3FAB] =	sst s4  }
0xd: {  	[smem:$0x3FAC] =	sst s5  }
0xe: {  	[smem:$0x3FAD] =	sst s6  }
0xf: {  	[smem:$0x3FAE] =	sst s7  }
0x10: {  	[smem:$0x3FAF] =	sst s8  }
0x11: {  	[smem:$0x3FB0] =	sst s9;
	s0 =	simm.s32 @!p0 $0x0  }
0x12: {  	s1 =	sld [smem:$0x3F96];
	s0 =	simm.s32 @p0 $0x1  }
0x13: {  	[smem:$0x3FB1] =	sst s0;
	s0 =	simm.s32 @!p1 $0x0  }
0x14: {  	s2 =	sld [smem:$0x3F95];
	s0 =	simm.s32 @p1 $0x1  }
0x15: {  	[smem:$0x3FB2] =	sst s0;
	s0 =	simm.s32 @!p2 $0x0  }
0x16: {  	s3 =	sld [smem:$0x3FDB];
	s0 =	simm.s32 @p2 $0x1  }
0x17: {  	s4 =	simm.s32 $0x1BF5;
	[smem:$0x3FB4] =	sst s0  }
0x18: {  	s0 =	sld [smem:$0x3F97];
	_ =	swait.ge [sflag:s4], $0x0  }
0x19: {  	s7 =	sld [smem:$0x3F98]  }
0x1a: {  	s8 =	sadd.s32 $0xFFFFE003, lr  }
0x1b: {  	s9 =	sadd.s32 $0xFFFFFEF7, lr;
	s5 =	simm.s32 $0xFFFFFFFF;
	p2 =	slt.u32 s8, $0xFFFFF086  }
0x1c: {  	p1 =	slt.u32 s9, $0xF7A;
	s5 =	simm.s32 @!p2 $0x0  }
0x1d: {  	s5 =	simm.s32 @p1 $0x1;
	p0 =	seq.s32 s7, s2  }
0x1e: {  	s7 =	smul.u32 @!p0 $0xF7A, s2;
	p2 =	seq.s32 @!p0 s5, $0x0  }
0x1f: {  	s9 =	smul.u32 $0xF7A, s1;
	s8 =	simm.s32 @!p0 $0x1BF5;
	p2 =	por !p2, p0  }
0x20: {  	[sflag:s8] =	ssyncset.s32 @!p0 $0xFFFFF086;
	s6 =	sadd.s32 @!p0 s3, s7;
	s7 =	simm.s32 @!p0 $0x108  }
0x21: {  	s3 =	sadd.s32 s3, s9;
	s6 =	sadd.s32 @!p0 $0x88, s6;
	s7 =	simm.s32 @p2 $0x1082  }
0x22: {  	[simem:s7], [sflag:s8] =	dma.local @!p0 [hbm:s6], $0xF7A  }
0x23: {  	s9 =	sor.u32 $0xD0000000, s2;
	s6 =	simm.s32 $0x108;
	_ =	swait.ge @!p0 [sflag:s8], $0x0  }
0x24: {  	s3 =	sadd.s32 $0x88, s3;
	s6 =	simm.s32 @!p1 $0x1082;
	[sflag:s4] =	ssyncset.s32 $0xFFFFF086  }
0x25: {  	[simem:s6], [sflag:s4] =	dma.local [hbm:s3], $0xF7A  }
0x26: {  	[smem:$0x3F98] =	sst s1;
	(tag) =	ssettag s2;
	_ =	strace s9  }
0x27: {  	s1 =	sld [smem:$0x3FA8]  }
0x28: {  	s2 =	sld [smem:$0x3FA9]  }
0x29: {  	s4 =	sld [smem:$0x3FAB]  }
0x2a: {  	p0 =	seq.s32 s5, $0x0;
	s5 =	sld [smem:$0x3FAC]  }
0x2b: {  	s6 =	sld [smem:$0x3FAD]  }
0x2c: {  	s7 =	sld [smem:$0x3FAE]  }
0x2d: {  	s3 =	simm.s32 $0x108;
	s8 =	sld [smem:$0x3FAF]  }
0x2e: {  	s3 =	simm.s32 @!p0 $0x1082;
	s9 =	sld [smem:$0x3FB0]  }
0x2f: {  	lr =	sadd.s32 s0, s3;
	s0 =	sld [smem:$0x3FA7]  }
0x30: {  	s3 =	sld [smem:$0x3FAA]  }
0x31: {  	[smem:$0x3FB3] =	sst s10  }
0x32: {  	s10 =	sld [smem:$0x3FB1];
	_ =	sdelay $0x3  }
0x33: {  	p0 =	seq.s32 s10, $0x1;
	s10 =	sld [smem:$0x3FB3];
	_ =	sdelay $0x3  }
0x34: {  	[smem:$0x3FB3] =	sst s10  }
0x35: {  	s10 =	sld [smem:$0x3FB2];
	_ =	sdelay $0x3  }
0x36: {  	p1 =	seq.s32 s10, $0x1;
	s10 =	sld [smem:$0x3FB3];
	_ =	sdelay $0x3  }
0x37: {  	[smem:$0x3FB3] =	sst s10  }
0x38: {  	s10 =	sld [smem:$0x3FB4]  }
0x39: {  	_ = 	snop;
	(pc) =	sbr.ind lr, $3  }
0x3a: {  	_ = 	snop  }
0x3b: {  	_ = 	snop  }
0x3c: {  	p2 =	seq.s32 s10, $0x1;
	s10 =	sld [smem:$0x3FB3]  }
0x3d: {  	_ =	shalt  }
0x3e: {  	_ =	shalt  }
0x3f: {  	_ =	shalt  }
0x40: {  	_ =	shalt  }
0x41: {  	_ =	shalt  }
0x42: {  	_ =	shalt  }
0x43: {  	_ =	shalt  }
0x44: {  	_ =	shalt  }
0x45: {  	_ =	shalt  }
0x46: {  	_ =	shalt  }
0x47: {  	_ =	shalt  }
0x48: {  	_ =	shalt  }
0x49: {  	_ =	shalt  }
0x4a: {  	_ =	shalt  }
0x4b: {  	_ =	shalt  }
0x4c: {  	_ =	shalt  }
0x4d: {  	_ =	shalt  }
0x4e: {  	_ =	shalt  }
0x4f: {  	_ =	shalt  }
0x50: {  	_ =	shalt  }
0x51: {  	_ =	shalt  }
0x52: {  	_ =	shalt  }
0x53: {  	_ =	shalt  }
0x54: {  	_ =	shalt  }
0x55: {  	_ =	shalt  }
0x56: {  	_ =	shalt  }
0x57: {  	_ =	shalt  }
0x58: {  	_ =	shalt  }
0x59: {  	_ =	shalt  }
0x5a: {  	_ =	shalt  }
0x5b: {  	_ =	shalt  }
0x5c: {  	_ =	shalt  }
0x5d: {  	_ =	shalt  }
0x5e: {  	_ =	shalt  }
0x5f: {  	_ =	shalt  }
0x60: {  	_ =	shalt  }
0x61: {  	_ =	shalt  }
0x62: {  	_ =	shalt  }
0x63: {  	_ =	shalt  }
0x64: {  	_ =	shalt  }
0x65: {  	_ =	shalt  }
0x66: {  	_ =	shalt  }
0x67: {  	_ =	shalt  }
0x68: {  	_ =	shalt  }
0x69: {  	_ =	shalt  }
0x6a: {  	_ =	shalt  }
0x6b: {  	_ =	shalt  }
0x6c: {  	_ =	shalt  }
0x6d: {  	_ =	shalt  }
0x6e: {  	_ =	shalt  }
0x6f: {  	_ =	shalt  }
0x70: {  	_ =	shalt  }
0x71: {  	_ =	shalt  }
0x72: {  	_ =	shalt  }
0x73: {  	_ =	shalt  }
0x74: {  	_ =	shalt  }
0x75: {  	_ =	shalt  }
0x76: {  	_ =	shalt  }
0x77: {  	_ =	shalt  }
0x78: {  	_ =	shalt  }
0x79: {  	_ =	shalt  }
0x7a: {  	_ =	shalt  }
0x7b: {  	_ =	shalt  }
0x7c: {  	_ =	shalt  }
0x7d: {  	_ =	shalt  }
0x7e: {  	_ =	shalt  }
0x7f: {  	_ =	shalt  }
0x80: {  	_ =	shalt  }
0x81: {  	_ =	shalt  }
0x82: {  	_ =	shalt  }
0x83: {  	_ =	shalt  }
0x84: {  	_ =	shalt  }
0x85: {  	_ =	shalt  }
0x86: {  	_ =	shalt  }
0x87: {  	_ =	shalt  }
.Lfunc_end0:
.L_simem_size_0:
called_computation.1_lowered:
.L_overlay_start_0:
0x88: {  	s2 =	sld [smem:$0x3FD9]  }
0x89: {  	s3 =	sld [smem:$0x3FFE];
	_ =	sdelay $0x1  }
0x8a: {  	s1 =	srdreg.scid  }
0x8b: {  	s0 =	sand.u32 $0x1, s1  }
0x8c: {  	s16 =	sshll.u32 s0, $0xA;
	s2 =	sadd.s32 s3, s2  }
0x8d: {  	s2 =	sadd.s32 s2, s16  }
0x8e: {  	[smem:$0x3FBF] =	sst s2  }
0x8f: {  	_ = 	snop  }
0x90: {  	(tm) =	ssettm $0x1  }
0x91: {  	s17 =	sld [smem:$0x3FFB];
	_ =	sdelay $0x3  }
0x92: {  	_ =	strace s17  }
0x93: {  	s2 =	sld [smem:$0x3FFC];
	_ =	sdelay $0x3  }
0x94: {  	_ =	strace s2  }
0x95: {  	s2 =	sld [smem:$0x3FFD];
	_ =	sdelay $0x3  }
0x96: {  	_ =	strace s2  }
0x97: {  	_ =	strace $0x8FFFFFFF  }
0x98: {  	s18 =	sld [smem:$0x3FDB];
	_ =	sdelay $0x1  }
0x99: {  	s19 =	simm.s32 $_scs_section_size  }
0x9a: {  	s4 =	simm.s32 $_size__tile_overlayer_lowered;
	s5 =	simm.s32 $_tile_overlayer_lowered  }
0x9b: {  	s22 =	simm.s32 $0x1BFF;
	s21 =	sshll.u32 s5, $0x1;
	s2 =	sadd.s32 s19, s18  }
0x9c: {  	s6 =	simm.s32 $0x0;
	s20 =	sshll.u32 s4, $0x1;
	s4 =	sadd.s32 s21, s2  }
0x9d: {  	[timem:s6], [sflag:s22] =	dma.local [hbm:s4], s20  }
0x9e: {  	_ =	swait.ge [sflag:s22], s20  }
0x9f: {  	s3 =	ssub.s32 $0x0, s20;
	[sflag:s22] =	ssyncset.done $0x0  }
0xa0: {  	[sflag:s22] =	ssyncadd.s32 s3;
	_ =	sdelay $0x1  }
0xa1: {  	s23 =	simm.s32 $0x1B8B  }
0xa2: {  	_ =	swait.ge [sflag:s23], $0x1  }
0xa3: {  	[sflag:s23] =	ssyncset.done $0x0  }
0xa4: {  	s25 =	simm.s32 $0x1B8E;
	s24 =	sld [smem:$0x3FFE];
	[sflag:s23] =	ssyncadd.s32 $0xFFFFFFFF  }
0xa5: {  	s26 =	simm.s32 $execute0_lowered;
	[smem:$0x3FD2] =	sst s25  }
0xa6: {  	s4 =	sshll.u32 s26, $0x1;
	_ =	strace $0x8000004C;
	[dreg:$0x1] =	wrdreg $0xFFFFFFFF  }
0xa7: {  	s28 =	simm.s32 $_size_execute0_lowered;
	s2 =	sadd.s32 s2, s4;
	[dreg:$0x0] =	wrdreg $0x0  }
0xa8: {  	s4 =	sshll.u32 s28, $0x1;
	[dreg:$0x2] =	wrdreg s2  }
0xa9: {  	[dreg:$0x3] =	wrdreg s4  }
0xaa: {  	[dreg:$0x4] =	wrdreg $0xC0  }
0xab: {  	_ =	task [dreg:s6], $0x5FFFF  }
0xac: {  	[dreg:$0x1] =	wrdreg $0xFFFFFFFF  }
0xad: {  	[dreg:$0x0] =	wrdreg $0x60  }
0xae: {  	[dreg:$0x2] =	wrdreg s24  }
0xaf: {  	[dreg:$0x3] =	wrdreg $0x160000  }
0xb0: {  	[dreg:$0x4] =	wrdreg $0x9  }
0xb1: {  	_ =	task.clear_ibuf [dreg:s6], $0x5FFFF;
	_ =	strace $0x9000004C  }
0xb2: {  	s29 =	simm.s32 $0x9;
	_ =	strace $0x8000004E  }
0xb3: {  	_ =	swait.ge [sflag:s29], $0x1  }
0xb4: {  	[sflag:s29] =	ssyncadd.s32 $0xFFFFFFFF  }
0xb5: {  	_ =	strace $0x9000004E  }
0xb6: {  	_ =	sfence  }
0xb7: {  	s30 =	sld [smem:$0x0];
	_ =	sdelay $0x2  }
0xb8: {  	s31 =	sshll.u32 s1, $0xD;
	s1 =	sshrl.u32 s1, $0x2  }
0xb9: {  	s3 =	sand.u32 $0x4000, s31;
	s1 =	sadd.s32 s1, s30  }
0xba: {  	s0 =	sor.u32 s3, s0;
	s1 =	sshll.u32 s1, $0x11  }
0xbb: {  	s0 =	sor.u32 s1, s0  }
0xbc: {  	s0 =	sadd.s32 $0x8F2B, s0  }
0xbd: {  	[sflag:s0] =	ssyncadd.remote.s32 $0x1  }
0xbe: {  	_ =	sfence.sel $0xFFFF  }
0xbf: {  	[dreg:$0x0] =	wrdreg $0xFFFFFFFF;
	(pc) =	sbr.abs _section_cstart, $3  }
0xc0: {  	[dreg:$0x1] =	wrdreg $0xFFFFFFFF  }
0xc1: {  	_ =	task.clear_ibuf [dreg:s6], $0x2FFFF;
	_ =	strace $0x9FFFFFFF  }
0xc2: {  	(tm) =	ssettm $0x7FFFFFFF  }
0xc3: {  	_ =	shalt  }
tec
execute0_lowered:
.L_overlay_start_1:
0x0: {  	(tag) =	ssettag $0x1  }
0x1: {  	s0 =	rddreg [dreg:$0x0]  }
0x2: {  	s2 =	rddreg [dreg:$0x1];
	s3 =	simm.s32 $0x0;
	s7 =	stileid.u32  }
0x3: {  	s1 =	srdreg.scid;
	s15 =	simm.s32 $0x14000;
	s16 =	simm.s32 $0x80  }
0x4: {  	s17 =	simm.s32 $0xA000;
	s18 =	simm.s32 $0xC000;
	s28 =	simm.s32 $0x10000  }
0x5: {  	s30 =	simm.s32 $0x12000;
	s31 =	simm.s32 $0x1;
	s4 =	smul.u32 $0xA00, s7  }
0x6: {  	s29 =	simm.s32 $0x7;
	s1 =	sand.u32 $0x1, s1;
	s12 =	smul.u32 $0xA000, s7  }
0x7: {  	[smem:$0x7FF] =	sst s3;
	s5 =	smul.u32 $0x14000, s1;
	s1 =	ssub.s32 $0x2, s1  }
0x8: {  	_ =	strace $0x8000004D;
	s4 =	sadd.s32 s4, s0;
	s6 =	sshrl.u32 s1, $0x1  }
0x9: {  	s21 =	sadd.s32 $0x2000, s12;
	s22 =	sadd.s32 $0x4000, s12;
	s13 =	sadd.s32 $0x6000, s12  }
0xa: {  	s14 =	sadd.s32 $0x8000, s12;
	s0 =	sadd.s32 s5, s0;
	s1 =	ssub.s32 s1, s6  }
0xb: {  	s20 =	sadd.s32 $0x35A00, s4;
	s4 =	sadd.s32 $0x3A00, s4;
	s6 =	sadd.s32 s12, s2  }
0xc: {  	s7 =	sadd.s32 s21, s2;
	s8 =	sadd.s32 s22, s2;
	s9 =	sadd.s32 s13, s2  }
0xd: {  	s10 =	sadd.s32 s14, s2;
	s12 =	sshrl.u32 s12, $0x3;
	s5 =	sshrl.u32 s22, $0x3  }
0xe: {  	s19 =	sshrl.u32 s13, $0x3;
	s14 =	sshrl.u32 s14, $0x3;
	[dreg:$0x3] =	wrdreg s20  }
0xf: {  	s13 =	simm.s32 $0xB;
	[dreg:$0x4] =	wrdreg s4;
	s11 =	sadd.s32 $0xDA00, s0  }
0x10: {  	s0 =	sadd.s32 $0x3FA00, s0;
	s4 =	sshrl.u32 s21, $0x3;
	s1 =	smax.u32 s1, $0x1  }
0x11: {  	s20 =	simm.s32 $0x0;
	[dreg:$0x5] =	wrdreg s1;
	s23 =	sadd.s32 s12, s0  }
0x12: {  	s24 =	sadd.s32 s4, s0;
	s25 =	sadd.s32 s5, s0;
	[dreg:$0x6] =	wrdreg s23  }
0x13: {  	s26 =	sadd.s32 s19, s0;
	s0 =	sadd.s32 s14, s0;
	[dreg:$0x7] =	wrdreg s24  }
0x14: {  	s1 =	simm.s32 $0x3;
	s14 =	simm.s32 $0x4;
	[dreg:$0x8] =	wrdreg s25  }
0x15: {  	s19 =	simm.s32 $0x5;
	s4 =	simm.s32 $0x8;
	[dreg:$0x9] =	wrdreg s26  }
0x16: {  	s5 =	simm.s32 $0x9;
	s12 =	simm.s32 $0xA;
	[dreg:$0xa] =	wrdreg s0  }
0x17: {  	v0 =	vimm.f32 $0.0e+00;
	s25 =	simm.s32 $0xE000;
	s0 =	simm.s32 $0x2;
	s26 =	simm.s32 $0x6  }
.LBB2_1:
0x18: {  	s21 =	rddreg [dreg:$0x3]  }
0x19: {  	[tilespmem:s3], [sflag:$0xB] =	stream.linear.gather [hbm4b:s21+s3], $0x5000, $0x38;
	v63 =	vld [tilespmem:$0x0]  }
0x1a: {  	_ =	swait.ge [sflag:s13], $0x5000  }
0x1b: {  	s22 =	simm.s32 $0x5000;
	[sflag:s13] =	ssyncset.done $0x0  }
0x1c: {  	s23 =	sand.u32 $0x7F00, s3;
	s24 =	rddreg [dreg:$0x4];
	[sflag:s13] =	ssyncadd.s32 $0xFFFFB000  }
0x1d: {  	[tilespmem:s22], [sflag:$0xB] =	stream.linear.gather [hbm4b:s24+s3], $0x5000, $0x38;
	v63 =	vld [tilespmem:$0x0]  }
0x1e: {  	s23 =	sshrl.u32 s23, $0x2;
	_ =	swait.ge [sflag:s13], $0x5000  }
0x1f: {  	s21 =	simm.s32 $0x40;
	s24 =	sand.u32 $0x30, s3;
	[sflag:s13] =	ssyncset.done $0x0  }
0x20: {  	s22 =	simm.s32 $0x0;
	s23 =	sor.u32 s24, s23;
	[sflag:s13] =	ssyncadd.s32 $0xFFFFB000  }
.LBB2_2:
0x21: {  	p0 =	sne.s32 s21, $0x7FC0  }
0x22: {  	[tilespmem:s23+$0x14000] =	vst v0;
	s22 =	sadd.s32 $0x10, s22;
	s23 =	smov.u32 s21;
	s21 =	sadd.s32 $0x40, s21  }
.Ltmp0:
0x23: {  	(pc) =	sbr.rel @p0 .LBB2_2-.Ltmp0, $4  }
0x24: {  	_ = 	snop  }
0x25: {  	s23 =	sand.u32 $0x7F00, s23  }
0x26: {  	s24 =	sand.u32 $0x30, s22;
	s23 =	sshrl.u32 s23, $0x2  }
0x27: {  	s23 =	sor.u32 s24, s23  }
0x28: {  	[tilespmem:s23+$0x14000] =	vst v0  }
0x29: {  	[spmem:s6] =	stream.linear.scatter [tilespmem:s15], [sflag:$0xB], $0x2000, $0x38;
	v63 =	vld [tilespmem:$0x0]  }
0x2a: {  	_ =	swait.ge [sflag:s13], $0x2000  }
0x2b: {  	[sflag:s13] =	ssyncset.done $0x0  }
0x2c: {  	[sflag:s13] =	ssyncadd.s32 $0xFFFFE000  }
0x2d: {  	[spmem:s7] =	stream.linear.scatter [tilespmem:s15], [sflag:$0xB], $0x2000, $0x38;
	v63 =	vld [tilespmem:$0x0]  }
0x2e: {  	_ =	swait.ge [sflag:s13], $0x2000  }
0x2f: {  	[sflag:s13] =	ssyncset.done $0x0  }
0x30: {  	[sflag:s13] =	ssyncadd.s32 $0xFFFFE000  }
0x31: {  	[spmem:s8] =	stream.linear.scatter [tilespmem:s15], [sflag:$0xB], $0x2000, $0x38;
	v63 =	vld [tilespmem:$0x0]  }
0x32: {  	_ =	swait.ge [sflag:s13], $0x2000  }
0x33: {  	[sflag:s13] =	ssyncset.done $0x0  }
0x34: {  	[sflag:s13] =	ssyncadd.s32 $0xFFFFE000  }
0x35: {  	[spmem:s9] =	stream.linear.scatter [tilespmem:s15], [sflag:$0xB], $0x2000, $0x38;
	v63 =	vld [tilespmem:$0x0]  }
0x36: {  	_ =	swait.ge [sflag:s13], $0x2000  }
0x37: {  	[sflag:s13] =	ssyncset.done $0x0  }
0x38: {  	[sflag:s13] =	ssyncadd.s32 $0xFFFFE000  }
0x39: {  	[spmem:s10] =	stream.linear.scatter [tilespmem:s15], [sflag:$0xB], $0x2000, $0x38;
	v63 =	vld [tilespmem:$0x0]  }
0x3a: {  	_ =	swait.ge [sflag:s13], $0x2000  }
0x3b: {  	[sflag:s13] =	ssyncset.done $0x0  }
0x3c: {  	[sflag:s13] =	ssyncadd.s32 $0xFFFFE000  }
0x3d: {  	s21 =	simm.s32 $0x0;
	[bflag:$0x0] =	sbarrier.arrive $0xFFFF  }
0x3e: {  	[tilespmem:s17], [sflag:$0x1] =	stream.indirect.gather [hbm4b:s11+s16], $0x40, s21, s16, $0xb8;
	v63 =	vld [tilespmem:$0x0]  }
0x3f: {  	_ = 	snop  }
0x40: {  	[tilespmem:s18], [sflag:$0x2] =	stream.indirect.gather [hbm4b:s11+s16], $0x40, s16, s16, $0xb8;
	v63 =	vld [tilespmem:$0x0]  }
0x41: {  	s22 =	simm.s32 $0x100  }
0x42: {  	[tilespmem:s25], [sflag:$0x3] =	stream.indirect.gather [hbm4b:s11+s16], $0x40, s22, s16, $0xb8;
	v63 =	vld [tilespmem:$0x0]  }
0x43: {  	s23 =	simm.s32 $0x180  }
0x44: {  	[tilespmem:s28], [sflag:$0x4] =	stream.indirect.gather [hbm4b:s11+s16], $0x40, s23, s16, $0xb8;
	v63 =	vld [tilespmem:$0x0]  }
0x45: {  	s24 =	simm.s32 $0x200  }
0x46: {  	[tilespmem:s30], [sflag:$0x5] =	stream.indirect.gather [hbm4b:s11+s16], $0x40, s24, s16, $0xb8;
	v63 =	vld [tilespmem:$0x0]  }
0x47: {  	_ =	swait.ge [sflag:s31], $0x2000  }
0x48: {  	[sflag:s31] =	ssyncset.done $0x0  }
0x49: {  	s22 =	simm.s32 $0x5000;
	[sflag:s31] =	ssyncadd.s32 $0xFFFFE000  }
0x4a: {  	[spmem:s2] =	stream.indirect.scatter.add.f32 [tilespmem:s17], [sflag:$0x6], $0x40, s22, s16, $0xb8;
	v63 =	vld [tilespmem:$0x0]  }
0x4b: {  	_ =	swait.ge [sflag:s0], $0x2000  }
0x4c: {  	[sflag:s0] =	ssyncset.done $0x0  }
0x4d: {  	s23 =	simm.s32 $0x5080;
	[sflag:s0] =	ssyncadd.s32 $0xFFFFE000  }
0x4e: {  	[spmem:s2] =	stream.indirect.scatter.add.f32 [tilespmem:s18], [sflag:$0x7], $0x40, s23, s16, $0xb8;
	v63 =	vld [tilespmem:$0x0]  }
0x4f: {  	_ =	swait.ge [sflag:s1], $0x2000  }
0x50: {  	[sflag:s1] =	ssyncset.done $0x0  }
0x51: {  	s24 =	simm.s32 $0x5100;
	[sflag:s1] =	ssyncadd.s32 $0xFFFFE000  }
0x52: {  	[spmem:s2] =	stream.indirect.scatter.add.f32 [tilespmem:s25], [sflag:$0x8], $0x40, s24, s16, $0xb8;
	v63 =	vld [tilespmem:$0x0]  }
0x53: {  	_ =	swait.ge [sflag:s14], $0x2000  }
0x54: {  	[sflag:s14] =	ssyncset.done $0x0  }
0x55: {  	s22 =	simm.s32 $0x5180;
	[sflag:s14] =	ssyncadd.s32 $0xFFFFE000  }
0x56: {  	[spmem:s2] =	stream.indirect.scatter.add.f32 [tilespmem:s28], [sflag:$0x9], $0x40, s22, s16, $0xb8;
	v63 =	vld [tilespmem:$0x0]  }
0x57: {  	_ =	swait.ge [sflag:s19], $0x2000  }
0x58: {  	[sflag:s19] =	ssyncset.done $0x0  }
0x59: {  	s23 =	simm.s32 $0x5200;
	[sflag:s19] =	ssyncadd.s32 $0xFFFFE000  }
0x5a: {  	[spmem:s2] =	stream.indirect.scatter.add.f32 [tilespmem:s30], [sflag:$0xA], $0x40, s23, s16, $0xb8;
	v63 =	vld [tilespmem:$0x0]  }
0x5b: {  	_ =	swait.ge [sflag:s26], $0x2000  }
0x5c: {  	[sflag:s26] =	ssyncset.done $0x0  }
0x5d: {  	s24 =	simm.s32 $0x280;
	[sflag:s26] =	ssyncadd.s32 $0xFFFFE000  }
0x5e: {  	[tilespmem:s17], [sflag:$0x1] =	stream.indirect.gather [hbm4b:s11+s16], $0x40, s24, s16, $0xb8;
	v63 =	vld [tilespmem:$0x0]  }
0x5f: {  	_ =	swait.ge [sflag:s29], $0x2000  }
0x60: {  	[sflag:s29] =	ssyncset.done $0x0  }
0x61: {  	s22 =	simm.s32 $0x300;
	[sflag:s29] =	ssyncadd.s32 $0xFFFFE000  }
0x62: {  	[tilespmem:s18], [sflag:$0x2] =	stream.indirect.gather [hbm4b:s11+s16], $0x40, s22, s16, $0xb8;
	v63 =	vld [tilespmem:$0x0]  }
0x63: {  	_ =	swait.ge [sflag:s4], $0x2000  }
0x64: {  	[sflag:s4] =	ssyncset.done $0x0  }
0x65: {  	s23 =	simm.s32 $0x380;
	[sflag:s4] =	ssyncadd.s32 $0xFFFFE000  }
0x66: {  	[tilespmem:s25], [sflag:$0x3] =	stream.indirect.gather [hbm4b:s11+s16], $0x40, s23, s16, $0xb8;
	v63 =	vld [tilespmem:$0x0]  }
0x67: {  	_ =	swait.ge [sflag:s5], $0x2000  }
0x68: {  	[sflag:s5] =	ssyncset.done $0x0  }
0x69: {  	s24 =	simm.s32 $0x400;
	[sflag:s5] =	ssyncadd.s32 $0xFFFFE000  }
0x6a: {  	[tilespmem:s28], [sflag:$0x4] =	stream.indirect.gather [hbm4b:s11+s16], $0x40, s24, s16, $0xb8;
	v63 =	vld [tilespmem:$0x0]  }
0x6b: {  	_ =	swait.ge [sflag:s12], $0x2000  }
0x6c: {  	[sflag:s12] =	ssyncset.done $0x0  }
0x6d: {  	s21 =	simm.s32 $0xA00;
	s22 =	simm.s32 $0x480;
	[sflag:s12] =	ssyncadd.s32 $0xFFFFE000  }
.LBB2_4:
0x6e: {  	[tilespmem:s30], [sflag:$0x5] =	stream.indirect.gather [hbm4b:s11+s16], $0x40, s22, s16, $0xb8;
	v63 =	vld [tilespmem:$0x0]  }
0x6f: {  	s22 =	smov.u32 s21  }
0x70: {  	p0 =	sne.s32 s21, $0x12C00;
	s21 =	sadd.s32 $0xA00, s21;
	_ =	swait.ge [sflag:s31], $0x2000  }
0x71: {  	s22 =	sshra.s32 s22, $0x2;
	[sflag:s31] =	ssyncset.done $0x0  }
0x72: {  	s23 =	sadd.s32 $0x5000, s22;
	[sflag:s31] =	ssyncadd.s32 $0xFFFFE000  }
0x73: {  	[spmem:s2] =	stream.indirect.scatter.add.f32 [tilespmem:s17], [sflag:$0x6], $0x40, s23, s16, $0xb8;
	v63 =	vld [tilespmem:$0x0]  }
0x74: {  	_ =	swait.ge [sflag:s0], $0x2000  }
0x75: {  	[sflag:s0] =	ssyncset.done $0x0  }
0x76: {  	s23 =	sadd.s32 $0x5080, s22;
	[sflag:s0] =	ssyncadd.s32 $0xFFFFE000  }
0x77: {  	[spmem:s2] =	stream.indirect.scatter.add.f32 [tilespmem:s18], [sflag:$0x7], $0x40, s23, s16, $0xb8;
	v63 =	vld [tilespmem:$0x0]  }
0x78: {  	_ =	swait.ge [sflag:s1], $0x2000  }
0x79: {  	[sflag:s1] =	ssyncset.done $0x0  }
0x7a: {  	s23 =	sadd.s32 $0x5100, s22;
	[sflag:s1] =	ssyncadd.s32 $0xFFFFE000  }
0x7b: {  	[spmem:s2] =	stream.indirect.scatter.add.f32 [tilespmem:s25], [sflag:$0x8], $0x40, s23, s16, $0xb8;
	v63 =	vld [tilespmem:$0x0]  }
0x7c: {  	_ =	swait.ge [sflag:s14], $0x2000  }
0x7d: {  	[sflag:s14] =	ssyncset.done $0x0  }
0x7e: {  	s23 =	sadd.s32 $0x5180, s22;
	[sflag:s14] =	ssyncadd.s32 $0xFFFFE000  }
0x7f: {  	[spmem:s2] =	stream.indirect.scatter.add.f32 [tilespmem:s28], [sflag:$0x9], $0x40, s23, s16, $0xb8;
	v63 =	vld [tilespmem:$0x0]  }
0x80: {  	_ =	swait.ge [sflag:s19], $0x2000  }
0x81: {  	[sflag:s19] =	ssyncset.done $0x0  }
0x82: {  	s23 =	sadd.s32 $0x5200, s22;
	[sflag:s19] =	ssyncadd.s32 $0xFFFFE000  }
0x83: {  	[spmem:s2] =	stream.indirect.scatter.add.f32 [tilespmem:s30], [sflag:$0xA], $0x40, s23, s16, $0xb8;
	v63 =	vld [tilespmem:$0x0]  }
0x84: {  	_ =	swait.ge [sflag:s26], $0x2000  }
0x85: {  	[sflag:s26] =	ssyncset.done $0x0  }
0x86: {  	s23 =	sadd.s32 $0x280, s22;
	[sflag:s26] =	ssyncadd.s32 $0xFFFFE000  }
0x87: {  	[tilespmem:s17], [sflag:$0x1] =	stream.indirect.gather [hbm4b:s11+s16], $0x40, s23, s16, $0xb8;
	v63 =	vld [tilespmem:$0x0]  }
0x88: {  	_ =	swait.ge [sflag:s29], $0x2000  }
0x89: {  	[sflag:s29] =	ssyncset.done $0x0  }
0x8a: {  	s23 =	sadd.s32 $0x300, s22;
	[sflag:s29] =	ssyncadd.s32 $0xFFFFE000  }
0x8b: {  	[tilespmem:s18], [sflag:$0x2] =	stream.indirect.gather [hbm4b:s11+s16], $0x40, s23, s16, $0xb8;
	v63 =	vld [tilespmem:$0x0]  }
0x8c: {  	_ =	swait.ge [sflag:s4], $0x2000  }
0x8d: {  	[sflag:s4] =	ssyncset.done $0x0  }
0x8e: {  	s23 =	sadd.s32 $0x380, s22;
	[sflag:s4] =	ssyncadd.s32 $0xFFFFE000  }
0x8f: {  	[tilespmem:s25], [sflag:$0x3] =	stream.indirect.gather [hbm4b:s11+s16], $0x40, s23, s16, $0xb8;
	v63 =	vld [tilespmem:$0x0]  }
0x90: {  	_ =	swait.ge [sflag:s5], $0x2000  }
0x91: {  	[sflag:s5] =	ssyncset.done $0x0  }
.Ltmp1:
0x92: {  	s23 =	sadd.s32 $0x400, s22;
	[sflag:s5] =	ssyncadd.s32 $0xFFFFE000;
	(pc) =	sbr.rel @p0 .LBB2_4-.Ltmp1, $4  }
0x93: {  	[tilespmem:s28], [sflag:$0x4] =	stream.indirect.gather [hbm4b:s11+s16], $0x40, s23, s16, $0xb8;
	v63 =	vld [tilespmem:$0x0]  }
0x94: {  	_ =	swait.ge [sflag:s12], $0x2000  }
0x95: {  	[sflag:s12] =	ssyncset.done $0x0  }
0x96: {  	s22 =	sadd.s32 $0x480, s22;
	[sflag:s12] =	ssyncadd.s32 $0xFFFFE000  }
0x97: {  	[tilespmem:s30], [sflag:$0x5] =	stream.indirect.gather [hbm4b:s11+s16], $0x40, s22, s16, $0xb8;
	v63 =	vld [tilespmem:$0x0]  }
0x98: {  	_ =	swait.ge [sflag:s31], $0x2000  }
0x99: {  	[sflag:s31] =	ssyncset.done $0x0  }
0x9a: {  	s21 =	simm.s32 $0x9D80;
	[sflag:s31] =	ssyncadd.s32 $0xFFFFE000  }
0x9b: {  	[spmem:s2] =	stream.indirect.scatter.add.f32 [tilespmem:s17], [sflag:$0x6], $0x40, s21, s16, $0xb8;
	v63 =	vld [tilespmem:$0x0]  }
0x9c: {  	_ =	swait.ge [sflag:s0], $0x2000  }
0x9d: {  	[sflag:s0] =	ssyncset.done $0x0  }
0x9e: {  	s24 =	simm.s32 $0x9E00;
	[sflag:s0] =	ssyncadd.s32 $0xFFFFE000  }
0x9f: {  	[spmem:s2] =	stream.indirect.scatter.add.f32 [tilespmem:s18], [sflag:$0x7], $0x40, s24, s16, $0xb8;
	v63 =	vld [tilespmem:$0x0]  }
0xa0: {  	_ =	swait.ge [sflag:s1], $0x2000  }
0xa1: {  	[sflag:s1] =	ssyncset.done $0x0  }
0xa2: {  	s22 =	simm.s32 $0x9E80;
	[sflag:s1] =	ssyncadd.s32 $0xFFFFE000  }
0xa3: {  	[spmem:s2] =	stream.indirect.scatter.add.f32 [tilespmem:s25], [sflag:$0x8], $0x40, s22, s16, $0xb8;
	v63 =	vld [tilespmem:$0x0]  }
0xa4: {  	_ =	swait.ge [sflag:s14], $0x2000  }
0xa5: {  	[sflag:s14] =	ssyncset.done $0x0  }
0xa6: {  	s23 =	simm.s32 $0x9F00;
	[sflag:s14] =	ssyncadd.s32 $0xFFFFE000  }
0xa7: {  	[spmem:s2] =	stream.indirect.scatter.add.f32 [tilespmem:s28], [sflag:$0x9], $0x40, s23, s16, $0xb8;
	v63 =	vld [tilespmem:$0x0]  }
0xa8: {  	_ =	swait.ge [sflag:s19], $0x2000  }
0xa9: {  	[sflag:s19] =	ssyncset.done $0x0  }
0xaa: {  	s24 =	simm.s32 $0x9F80;
	[sflag:s19] =	ssyncadd.s32 $0xFFFFE000  }
0xab: {  	[spmem:s2] =	stream.indirect.scatter.add.f32 [tilespmem:s30], [sflag:$0xA], $0x40, s24, s16, $0xb8;
	v63 =	vld [tilespmem:$0x0]  }
0xac: {  	_ =	swait.ge [sflag:s26], $0x2000  }
0xad: {  	[sflag:s26] =	ssyncset.done $0x0  }
0xae: {  	[sflag:s26] =	ssyncadd.s32 $0xFFFFE000  }
0xaf: {  	_ =	swait.ge [sflag:s29], $0x2000  }
0xb0: {  	[sflag:s29] =	ssyncset.done $0x0  }
0xb1: {  	[sflag:s29] =	ssyncadd.s32 $0xFFFFE000  }
0xb2: {  	_ =	swait.ge [sflag:s4], $0x2000  }
0xb3: {  	[sflag:s4] =	ssyncset.done $0x0  }
0xb4: {  	[sflag:s4] =	ssyncadd.s32 $0xFFFFE000  }
0xb5: {  	_ =	swait.ge [sflag:s5], $0x2000  }
0xb6: {  	[sflag:s5] =	ssyncset.done $0x0  }
0xb7: {  	[sflag:s5] =	ssyncadd.s32 $0xFFFFE000  }
0xb8: {  	_ =	swait.ge [sflag:s12], $0x2000  }
0xb9: {  	[sflag:s12] =	ssyncset.done $0x0  }
0xba: {  	[sflag:s12] =	ssyncadd.s32 $0xFFFFE000  }
0xbb: {  	[bflag:$0x0] =	sbarrier.arrive $0xFFFF  }
0xbc: {  	[tilespmem:s15], [sflag:$0xB] =	stream.linear.gather [spmem:s6], $0x2000, $0x38;
	v63 =	vld [tilespmem:$0x0]  }
0xbd: {  	_ =	swait.ge [sflag:s13], $0x2000  }
0xbe: {  	[sflag:s13] =	ssyncset.done $0x0  }
0xbf: {  	s22 =	rddreg [dreg:$0x6];
	[sflag:s13] =	ssyncadd.s32 $0xFFFFE000  }
0xc0: {  	[hbm4b:s22+s3] =	stream.linear.scatter [tilespmem:s15], [sflag:$0xB], $0x2000, $0x38;
	v63 =	vld [tilespmem:$0x0]  }
0xc1: {  	_ =	swait.ge [sflag:s13], $0x2000  }
0xc2: {  	[sflag:s13] =	ssyncset.done $0x0  }
0xc3: {  	[sflag:s13] =	ssyncadd.s32 $0xFFFFE000  }
0xc4: {  	[tilespmem:s15], [sflag:$0xB] =	stream.linear.gather [spmem:s7], $0x2000, $0x38;
	v63 =	vld [tilespmem:$0x0]  }
0xc5: {  	_ =	swait.ge [sflag:s13], $0x2000  }
0xc6: {  	[sflag:s13] =	ssyncset.done $0x0  }
0xc7: {  	s23 =	rddreg [dreg:$0x7];
	[sflag:s13] =	ssyncadd.s32 $0xFFFFE000  }
0xc8: {  	[hbm4b:s23+s3] =	stream.linear.scatter [tilespmem:s15], [sflag:$0xB], $0x2000, $0x38;
	v63 =	vld [tilespmem:$0x0]  }
0xc9: {  	_ =	swait.ge [sflag:s13], $0x2000  }
0xca: {  	[sflag:s13] =	ssyncset.done $0x0  }
0xcb: {  	[sflag:s13] =	ssyncadd.s32 $0xFFFFE000  }
0xcc: {  	[tilespmem:s15], [sflag:$0xB] =	stream.linear.gather [spmem:s8], $0x2000, $0x38;
	v63 =	vld [tilespmem:$0x0]  }
0xcd: {  	_ =	swait.ge [sflag:s13], $0x2000  }
0xce: {  	[sflag:s13] =	ssyncset.done $0x0  }
0xcf: {  	s24 =	rddreg [dreg:$0x8];
	[sflag:s13] =	ssyncadd.s32 $0xFFFFE000  }
0xd0: {  	[hbm4b:s24+s3] =	stream.linear.scatter [tilespmem:s15], [sflag:$0xB], $0x2000, $0x38;
	v63 =	vld [tilespmem:$0x0]  }
0xd1: {  	_ =	swait.ge [sflag:s13], $0x2000  }
0xd2: {  	[sflag:s13] =	ssyncset.done $0x0  }
0xd3: {  	[sflag:s13] =	ssyncadd.s32 $0xFFFFE000  }
0xd4: {  	[tilespmem:s15], [sflag:$0xB] =	stream.linear.gather [spmem:s9], $0x2000, $0x38;
	v63 =	vld [tilespmem:$0x0]  }
0xd5: {  	_ =	swait.ge [sflag:s13], $0x2000  }
0xd6: {  	[sflag:s13] =	ssyncset.done $0x0  }
0xd7: {  	s22 =	rddreg [dreg:$0x9];
	[sflag:s13] =	ssyncadd.s32 $0xFFFFE000  }
0xd8: {  	[hbm4b:s22+s3] =	stream.linear.scatter [tilespmem:s15], [sflag:$0xB], $0x2000, $0x38;
	v63 =	vld [tilespmem:$0x0]  }
0xd9: {  	_ =	swait.ge [sflag:s13], $0x2000  }
0xda: {  	[sflag:s13] =	ssyncset.done $0x0  }
0xdb: {  	[sflag:s13] =	ssyncadd.s32 $0xFFFFE000  }
0xdc: {  	[tilespmem:s15], [sflag:$0xB] =	stream.linear.gather [spmem:s10], $0x2000, $0x38;
	v63 =	vld [tilespmem:$0x0]  }
0xdd: {  	_ =	swait.ge [sflag:s13], $0x2000  }
0xde: {  	[sflag:s13] =	ssyncset.done $0x0  }
0xdf: {  	s23 =	rddreg [dreg:$0xa];
	[sflag:s13] =	ssyncadd.s32 $0xFFFFE000  }
0xe0: {  	[hbm4b:s23+s3] =	stream.linear.scatter [tilespmem:s15], [sflag:$0xB], $0x2000, $0x38;
	v63 =	vld [tilespmem:$0x0]  }
0xe1: {  	_ =	swait.ge [sflag:s13], $0x2000  }
0xe2: {  	s20 =	sadd.s32 $0x1, s20;
	s24 =	rddreg [dreg:$0x5]  }
0xe3: {  	p0 =	sne.s32 s20, s24  }
.Ltmp2:
0xe4: {  	_ = 	snop;
	(pc) =	sbr.rel @p0 .LBB2_1-.Ltmp2, $3  }
0xe5: {  	_ =	sdelay $0x1  }
0xe6: {  	[sflag:s13] =	ssyncset.done $0x0  }
0xe7: {  	[sflag:s13] =	ssyncadd.s32 $0xFFFFE000  }
0xe8: {  	_ =	sfence.sel $0x180000  }
0xe9: {  	[bflag:$0x0] =	sbarrier.arrive $0xFFFF  }
0xea: {  	_ =	strace $0x9000004D  }
0xeb: {  	s0 =	stileid.u32;
	[bflag:$0x2] =	sbarrier.arrive $0xFFFF  }
0xec: {  	p0 =	sne.s32 s0, $0x0;
	s0 =	rddreg [dreg:$0x2]  }
0xed: {  	s0 =	sadd.s32 @!p0 $0x100000, s0  }
0xee: {  	[sflag:s0] =	ssyncadd.tile.s32 @!p0 $0x1;
	_ =	shalt  }
.Lfunc_end2:
_tile_overlayer_lowered:
.L_overlay_start_2:
0xef: {  	(tag) =	ssettag $0x2  }
0xf0: {  	s0 =	rddreg [dreg:$0x0];
	s2 =	stileid.u32  }
0xf1: {  	s1 =	rddreg [dreg:$0x1];
	p0 =	sne.s32 s2, $0x0  }
0xf2: {  	s3 =	rddreg [dreg:$0x2];
	[bflag:$0x3] =	sbarrier.arrive $0xFFFF;
	s2 =	simm.s32 @!p0 $0x1C0B  }
0xf3: {  	[timem:s3], [sflag:s2] =	dma.local @!p0 [hbm:s0], s1  }
0xf4: {  	s0 =	simm.s32 @!p0 $0xB  }
0xf5: {  	_ =	swait.ge @!p0 [sflag:s0], s1  }
0xf6: {  	s1 =	ssub.s32 @!p0 $0x0, s1;
	[sflag:s0] =	ssyncset.done @!p0 $0x0  }
0xf7: {  	[sflag:s0] =	ssyncadd.s32 @!p0 s1  }
0xf8: {  	[bflag:$0x3] =	sbarrier.arrive $0xFFFF  }
0xf9: {  	_ =	shalt  }

// kernel: gather_offload_async_start
scs
__scs_entry_jumppad:
0x0: {  	(pc) =	sbr.rel $0x88, $3  }
0x1: {  	(tag) =	ssettag $0x0;
	lr =	simm.s32 $0x1  }
0x2: {  	[smem:$0x3F98] =	sst lr;
	_ =	strace $0xD0000000  }
0x3: {  	_ = 	snop  }
0x4: {  	_ = 	snop  }
0x5: {  	_ = 	snop  }
0x6: {  	_ = 	snop  }
0x7: {  	_ = 	snop  }
__scs_overlays_trampoline_lowered:
0x8: {  	[smem:$0x3FA7] =	sst s0  }
0x9: {  	[smem:$0x3FA8] =	sst s1  }
0xa: {  	[smem:$0x3FA9] =	sst s2  }
0xb: {  	[smem:$0x3FAA] =	sst s3  }
0xc: {  	[smem:$0x3FAB] =	sst s4  }
0xd: {  	[smem:$0x3FAC] =	sst s5  }
0xe: {  	[smem:$0x3FAD] =	sst s6  }
0xf: {  	[smem:$0x3FAE] =	sst s7  }
0x10: {  	[smem:$0x3FAF] =	sst s8  }
0x11: {  	[smem:$0x3FB0] =	sst s9;
	s0 =	simm.s32 @!p0 $0x0  }
0x12: {  	s1 =	sld [smem:$0x3F96];
	s0 =	simm.s32 @p0 $0x1  }
0x13: {  	[smem:$0x3FB1] =	sst s0;
	s0 =	simm.s32 @!p1 $0x0  }
0x14: {  	s2 =	sld [smem:$0x3F95];
	s0 =	simm.s32 @p1 $0x1  }
0x15: {  	[smem:$0x3FB2] =	sst s0;
	s0 =	simm.s32 @!p2 $0x0  }
0x16: {  	s3 =	sld [smem:$0x3FDB];
	s0 =	simm.s32 @p2 $0x1  }
0x17: {  	s4 =	simm.s32 $0x1BF5;
	[smem:$0x3FB4] =	sst s0  }
0x18: {  	s0 =	sld [smem:$0x3F97];
	_ =	swait.ge [sflag:s4], $0x0  }
0x19: {  	s7 =	sld [smem:$0x3F98]  }
0x1a: {  	s8 =	sadd.s32 $0xFFFFE003, lr  }
0x1b: {  	s9 =	sadd.s32 $0xFFFFFEF7, lr;
	s5 =	simm.s32 $0xFFFFFFFF;
	p2 =	slt.u32 s8, $0xFFFFF086  }
0x1c: {  	p1 =	slt.u32 s9, $0xF7A;
	s5 =	simm.s32 @!p2 $0x0  }
0x1d: {  	s5 =	simm.s32 @p1 $0x1;
	p0 =	seq.s32 s7, s2  }
0x1e: {  	s7 =	smul.u32 @!p0 $0xF7A, s2;
	p2 =	seq.s32 @!p0 s5, $0x0  }
0x1f: {  	s9 =	smul.u32 $0xF7A, s1;
	s8 =	simm.s32 @!p0 $0x1BF5;
	p2 =	por !p2, p0  }
0x20: {  	[sflag:s8] =	ssyncset.s32 @!p0 $0xFFFFF086;
	s6 =	sadd.s32 @!p0 s3, s7;
	s7 =	simm.s32 @!p0 $0x108  }
0x21: {  	s3 =	sadd.s32 s3, s9;
	s6 =	sadd.s32 @!p0 $0x88, s6;
	s7 =	simm.s32 @p2 $0x1082  }
0x22: {  	[simem:s7], [sflag:s8] =	dma.local @!p0 [hbm:s6], $0xF7A  }
0x23: {  	s9 =	sor.u32 $0xD0000000, s2;
	s6 =	simm.s32 $0x108;
	_ =	swait.ge @!p0 [sflag:s8], $0x0  }
0x24: {  	s3 =	sadd.s32 $0x88, s3;
	s6 =	simm.s32 @!p1 $0x1082;
	[sflag:s4] =	ssyncset.s32 $0xFFFFF086  }
0x25: {  	[simem:s6], [sflag:s4] =	dma.local [hbm:s3], $0xF7A  }
0x26: {  	[smem:$0x3F98] =	sst s1;
	(tag) =	ssettag s2;
	_ =	strace s9  }
0x27: {  	s1 =	sld [smem:$0x3FA8]  }
0x28: {  	s2 =	sld [smem:$0x3FA9]  }
0x29: {  	s4 =	sld [smem:$0x3FAB]  }
0x2a: {  	p0 =	seq.s32 s5, $0x0;
	s5 =	sld [smem:$0x3FAC]  }
0x2b: {  	s6 =	sld [smem:$0x3FAD]  }
0x2c: {  	s7 =	sld [smem:$0x3FAE]  }
0x2d: {  	s3 =	simm.s32 $0x108;
	s8 =	sld [smem:$0x3FAF]  }
0x2e: {  	s3 =	simm.s32 @!p0 $0x1082;
	s9 =	sld [smem:$0x3FB0]  }
0x2f: {  	lr =	sadd.s32 s0, s3;
	s0 =	sld [smem:$0x3FA7]  }
0x30: {  	s3 =	sld [smem:$0x3FAA]  }
0x31: {  	[smem:$0x3FB3] =	sst s10  }
0x32: {  	s10 =	sld [smem:$0x3FB1];
	_ =	sdelay $0x3  }
0x33: {  	p0 =	seq.s32 s10, $0x1;
	s10 =	sld [smem:$0x3FB3];
	_ =	sdelay $0x3  }
0x34: {  	[smem:$0x3FB3] =	sst s10  }
0x35: {  	s10 =	sld [smem:$0x3FB2];
	_ =	sdelay $0x3  }
0x36: {  	p1 =	seq.s32 s10, $0x1;
	s10 =	sld [smem:$0x3FB3];
	_ =	sdelay $0x3  }
0x37: {  	[smem:$0x3FB3] =	sst s10  }
0x38: {  	s10 =	sld [smem:$0x3FB4]  }
0x39: {  	_ = 	snop;
	(pc) =	sbr.ind lr, $3  }
0x3a: {  	_ = 	snop  }
0x3b: {  	_ = 	snop  }
0x3c: {  	p2 =	seq.s32 s10, $0x1;
	s10 =	sld [smem:$0x3FB3]  }
0x3d: {  	_ =	shalt  }
0x3e: {  	_ =	shalt  }
0x3f: {  	_ =	shalt  }
0x40: {  	_ =	shalt  }
0x41: {  	_ =	shalt  }
0x42: {  	_ =	shalt  }
0x43: {  	_ =	shalt  }
0x44: {  	_ =	shalt  }
0x45: {  	_ =	shalt  }
0x46: {  	_ =	shalt  }
0x47: {  	_ =	shalt  }
0x48: {  	_ =	shalt  }
0x49: {  	_ =	shalt  }
0x4a: {  	_ =	shalt  }
0x4b: {  	_ =	shalt  }
0x4c: {  	_ =	shalt  }
0x4d: {  	_ =	shalt  }
0x4e: {  	_ =	shalt  }
0x4f: {  	_ =	shalt  }
0x50: {  	_ =	shalt  }
0x51: {  	_ =	shalt  }
0x52: {  	_ =	shalt  }
0x53: {  	_ =	shalt  }
0x54: {  	_ =	shalt  }
0x55: {  	_ =	shalt  }
0x56: {  	_ =	shalt  }
0x57: {  	_ =	shalt  }
0x58: {  	_ =	shalt  }
0x59: {  	_ =	shalt  }
0x5a: {  	_ =	shalt  }
0x5b: {  	_ =	shalt  }
0x5c: {  	_ =	shalt  }
0x5d: {  	_ =	shalt  }
0x5e: {  	_ =	shalt  }
0x5f: {  	_ =	shalt  }
0x60: {  	_ =	shalt  }
0x61: {  	_ =	shalt  }
0x62: {  	_ =	shalt  }
0x63: {  	_ =	shalt  }
0x64: {  	_ =	shalt  }
0x65: {  	_ =	shalt  }
0x66: {  	_ =	shalt  }
0x67: {  	_ =	shalt  }
0x68: {  	_ =	shalt  }
0x69: {  	_ =	shalt  }
0x6a: {  	_ =	shalt  }
0x6b: {  	_ =	shalt  }
0x6c: {  	_ =	shalt  }
0x6d: {  	_ =	shalt  }
0x6e: {  	_ =	shalt  }
0x6f: {  	_ =	shalt  }
0x70: {  	_ =	shalt  }
0x71: {  	_ =	shalt  }
0x72: {  	_ =	shalt  }
0x73: {  	_ =	shalt  }
0x74: {  	_ =	shalt  }
0x75: {  	_ =	shalt  }
0x76: {  	_ =	shalt  }
0x77: {  	_ =	shalt  }
0x78: {  	_ =	shalt  }
0x79: {  	_ =	shalt  }
0x7a: {  	_ =	shalt  }
0x7b: {  	_ =	shalt  }
0x7c: {  	_ =	shalt  }
0x7d: {  	_ =	shalt  }
0x7e: {  	_ =	shalt  }
0x7f: {  	_ =	shalt  }
0x80: {  	_ =	shalt  }
0x81: {  	_ =	shalt  }
0x82: {  	_ =	shalt  }
0x83: {  	_ =	shalt  }
0x84: {  	_ =	shalt  }
0x85: {  	_ =	shalt  }
0x86: {  	_ =	shalt  }
0x87: {  	_ =	shalt  }
.Lfunc_end0:
.L_simem_size_0:
called_computation_lowered:
.L_overlay_start_0:
0x88: {  	s2 =	sld [smem:$0x3FD9]  }
0x89: {  	s3 =	sld [smem:$0x3FFE];
	_ =	sdelay $0x1  }
0x8a: {  	s1 =	srdreg.scid  }
0x8b: {  	s0 =	sand.u32 $0x1, s1  }
0x8c: {  	s17 =	sshll.u32 s0, $0xA;
	s2 =	sadd.s32 s3, s2  }
0x8d: {  	s2 =	sadd.s32 s2, s17  }
0x8e: {  	[smem:$0x3FBF] =	sst s2  }
0x8f: {  	_ = 	snop  }
0x90: {  	s2 =	sld [smem:$0x3FD0];
	(tm) =	ssettm $0x1  }
0x91: {  	s18 =	sld [smem:$0x3FFB];
	_ =	sdelay $0x3  }
0x92: {  	_ =	strace s18  }
0x93: {  	s3 =	sld [smem:$0x3FFC];
	_ =	sdelay $0x3  }
0x94: {  	_ =	strace s3  }
0x95: {  	s3 =	sld [smem:$0x3FFD];
	_ =	sdelay $0x3  }
0x96: {  	_ =	strace s3  }
0x97: {  	_ =	strace $0x8FFFFFFF  }
0x98: {  	s19 =	sld [smem:$0x3FDB];
	_ =	sdelay $0x1  }
0x99: {  	s4 =	simm.s32 $_scs_section_size  }
0x9a: {  	s5 =	simm.s32 $_size__tile_overlayer_lowered;
	s6 =	simm.s32 $_tile_overlayer_lowered  }
0x9b: {  	s22 =	simm.s32 $0x1BFF;
	s21 =	sshll.u32 s6, $0x1;
	s3 =	sadd.s32 s4, s19  }
0x9c: {  	s7 =	simm.s32 $0x0;
	s20 =	sshll.u32 s5, $0x1;
	s5 =	sadd.s32 s21, s3  }
0x9d: {  	[timem:s7], [sflag:s22] =	dma.local [hbm:s5], s20  }
0x9e: {  	_ =	swait.ge [sflag:s22], s20  }
0x9f: {  	s4 =	ssub.s32 $0x0, s20;
	[sflag:s22] =	ssyncset.done $0x0  }
0xa0: {  	[sflag:s22] =	ssyncadd.s32 s4;
	_ =	sdelay $0x1  }
0xa1: {  	s23 =	simm.s32 $0x1B8B  }
0xa2: {  	_ =	swait.ge [sflag:s23], $0x1  }
0xa3: {  	[sflag:s23] =	ssyncset.done $0x0  }
0xa4: {  	s25 =	simm.s32 $0x1B8E;
	s24 =	sld [smem:$0x3FFE];
	[sflag:s23] =	ssyncadd.s32 $0xFFFFFFFF  }
0xa5: {  	s26 =	simm.s32 $execute0_lowered;
	[smem:$0x3FD2] =	sst s25  }
0xa6: {  	s5 =	sshll.u32 s26, $0x1;
	_ =	strace $0x80000046;
	[dreg:$0x1] =	wrdreg $0xFFFFFFFF  }
0xa7: {  	s28 =	simm.s32 $_size_execute0_lowered;
	s3 =	sadd.s32 s3, s5;
	[dreg:$0x0] =	wrdreg $0x0  }
0xa8: {  	s5 =	sshll.u32 s28, $0x1;
	[dreg:$0x2] =	wrdreg s3  }
0xa9: {  	[dreg:$0x3] =	wrdreg s5  }
0xaa: {  	[dreg:$0x4] =	wrdreg $0xC0  }
0xab: {  	_ =	task [dreg:s7], $0x5FFFF  }
0xac: {  	[dreg:$0x1] =	wrdreg $0xFFFFFFFF  }
0xad: {  	[dreg:$0x0] =	wrdreg $0x60  }
0xae: {  	[dreg:$0x2] =	wrdreg s2  }
0xaf: {  	[dreg:$0x3] =	wrdreg s24  }
0xb0: {  	[dreg:$0x4] =	wrdreg $0x9  }
0xb1: {  	_ =	task.clear_ibuf [dreg:s7], $0x5FFFF;
	_ =	strace $0x90000046  }
0xb2: {  	s29 =	simm.s32 $0x9;
	_ =	strace $0x80000048  }
0xb3: {  	_ =	swait.ge [sflag:s29], $0x1  }
0xb4: {  	[sflag:s29] =	ssyncadd.s32 $0xFFFFFFFF  }
0xb5: {  	_ =	strace $0x90000048  }
0xb6: {  	_ =	sfence  }
0xb7: {  	s30 =	sld [smem:$0x0];
	_ =	sdelay $0x2  }
0xb8: {  	s31 =	sshll.u32 s1, $0xD;
	s1 =	sshrl.u32 s1, $0x2  }
0xb9: {  	s3 =	sand.u32 $0x4000, s31;
	s1 =	sadd.s32 s1, s30  }
0xba: {  	s0 =	sor.u32 s3, s0;
	s1 =	sshll.u32 s1, $0x11  }
0xbb: {  	s0 =	sor.u32 s1, s0  }
0xbc: {  	s0 =	sadd.s32 $0x8F2B, s0  }
0xbd: {  	[sflag:s0] =	ssyncadd.remote.s32 $0x1  }
0xbe: {  	_ =	sfence.sel $0xFFFF  }
0xbf: {  	[dreg:$0x0] =	wrdreg $0xFFFFFFFF;
	(pc) =	sbr.abs _section_cstart, $3  }
0xc0: {  	[dreg:$0x1] =	wrdreg $0xFFFFFFFF  }
0xc1: {  	_ =	task.clear_ibuf [dreg:s7], $0x2FFFF;
	_ =	strace $0x9FFFFFFF  }
0xc2: {  	(tm) =	ssettm $0x7FFFFFFF  }
0xc3: {  	_ =	shalt  }
tec
execute0_lowered:
.L_overlay_start_1:
0x0: {  	(tag) =	ssettag $0x1  }
0x1: {  	s1 =	srdreg.scid;
	s2 =	rddreg [dreg:$0x0]  }
0x2: {  	s0 =	stileid.u32;
	s5 =	rddreg [dreg:$0x1];
	s6 =	simm.s32 $0x1  }
0x3: {  	s9 =	simm.s32 $0x1;
	s10 =	simm.s32 $0x3;
	s1 =	sshll.u32 s1, $0x8  }
0x4: {  	s13 =	simm.s32 $0x0;
	s3 =	sshll.u32 s0, $0x9;
	s4 =	sand.u32 $0x100, s1  }
0x5: {  	s12 =	simm.s32 $0x0;
	s1 =	rddreg [dreg:$0x2];
	s3 =	sor.u32 s3, s4  }
0x6: {  	_ =	strace $0x80000047;
	s4 =	sadd.s32 $0x2E00, s5;
	s8 =	ssub.s32 $0x2800, s3  }
.Ltmp0:
0x7: {  	s5 =	sadd.s32 $0x3400, s5;
	s7 =	sand.u32 $0x1F00, s8;
	(pc) =	sbr.rel .LBB2_1-.Ltmp0, $4  }
0x8: {  	[sflag:s6] =	ssyncpa.u1 $0x0;
	s11 =	smov.u32 s3;
	p0 =	sne.s32 s7, $0x0  }
0x9: {  	s8 =	sshrl.u32 s8, $0xD;
	s7 =	simm.s32 $0x2;
	s9 =	simm.s32 @!p0 $0x0  }
0xa: {  	[sflag:s7] =	ssyncpa.u1 $0x0;
	p0 =	por $0x0, $0x0;
	s8 =	sadd.s32 s9, s8  }
0xb: {  	vm0 =	vmmov $0xffff;
	[sflag:s10] =	ssyncpa.u1 $0x0;
	s10 =	simm.s32 $0x0;
	s9 =	sadd.s32 $0x1, s8  }
.LBB2_4:
0xc: {  	v2 =	vnsel vm1, $0x0, v2  }
0xd: {  	vm1 =	vgt.s32 v0, $0x0;
	v2 =	vmin.u32 v2, $0x27FF  }
0xe: {  	v0 =	vnsel vm1, $0x0, v0  }
0xf: {  	v0 =	vmin.u32 v0, $0x27FF  }
0x10: {  	[tilespmem:s15], [sflag:$0x1] =	stream.indirect_vreg.gather [hbm4b:s2+s10], $0x1, v1, vm0, $0x4038;
	[tilespmem:$0x400] =	vst v63  }
0x11: {  	(ifvalue) =	ssetifvalue $0x7FFFFFFF  }
0x12: {  	[tilespmem:s16], [sflag:$0x1] =	stream.indirect_vreg.gather [hbm4b:s2+s10], $0x1, v2, vm0, $0x4038;
	[tilespmem:$0x400] =	vst v63  }
0x13: {  	s29 =	sadd.s32 $0x10, s16;
	(ifvalue) =	ssetifvalue $0x7FFFFFFF  }
0x14: {  	[tilespmem:s29], [sflag:$0x1] =	stream.indirect_vreg.gather [hbm4b:s2+s10], $0x1, v0, vm0, $0x4038;
	[tilespmem:$0x400] =	vst v63  }
0x15: {  	_ =	swait.ge [sflag:s6], $0x100  }
0x16: {  	s30 =	sshrl.u32 s13, $0x3;
	[sflag:s6] =	ssyncset.done $0x0  }
0x17: {  	s31 =	sand.u32 $0x7, s13;
	s15 =	sadd.s32 s5, s30;
	[sflag:s6] =	ssyncadd.s32 $0xFFFFFF00  }
0x18: {  	[hbm4b:s15+s31] =	stream.linear.scatter [tilespmem:s14], [sflag:$0x3], $0x100, $0x38;
	[tilespmem:$0x400] =	vst v63  }
.LBB2_5:
0x19: {  	s15 =	sadd.s32 $0x2000, s11  }
0x1a: {  	p2 =	sgt.s32 s15, $0x27FF  }
0x1b: {  	s15 =	smov.u32 @p2 s3;
	p2 =	sne.s32 s12, s9  }
.Ltmp1:
0x1c: {  	p1 =	slt.u32 s12, $0x2;
	(pc) =	sbr.rel @!p2 .LBB2_6-.Ltmp1, $4  }
0x1d: {  	s14 =	simm.s32 @!p1 $0x3  }
0x1e: {  	s16 =	sadd.s32 $0x1, s12;
	_ =	swait.ge @!p1 [sflag:s14], $0x100  }
0x1f: {  	s13 =	smov.u32 s11;
	p0 =	por !p0, !p0;
	[sflag:s14] =	ssyncset.done @!p1 $0x0  }
0x20: {  	s12 =	smov.u32 s16;
	s11 =	smov.u32 s15;
	[sflag:s14] =	ssyncadd.s32 @!p1 $0xFFFFFF00  }
.LBB2_1:
0x21: {  	p1 =	sge.u32 s12, s8  }
0x22: {  	s14 =	sxor.u32 @!p1 $0xFFFFFFFF, s12  }
0x23: {  	s31 =	sadd.s32 $0xFFFFFFFF, s12;
	s15 =	sshrl.u32 @!p1 s11, $0x3;
	s14 =	sshll.u32 @!p1 s14, $0x8  }
0x24: {  	s16 =	sand.u32 @!p1 $0x7, s11;
	s15 =	sadd.s32 @!p1 s4, s15;
	s14 =	sand.u32 @!p1 $0x100, s14  }
0x25: {  	[tilespmem:s14], [sflag:$0x2] =	stream.linear.gather @!p1 [hbm4b:s15+s16], $0x100, $0x38;
	[tilespmem:$0x400] =	vst v63  }
0x26: {  	p1 =	sge.u32 s31, s8  }
.Ltmp2:
0x27: {  	_ = 	snop;
	(pc) =	sbr.rel @p1 .LBB2_5-.Ltmp2, $1  }
0x28: {  	_ =	sdelay $0x3  }
0x29: {  	s14 =	simm.s32 $0x1  }
0x2a: {  	_ =	swait.ge [sflag:s7], $0x100;
	s14 =	simm.s32 @!p0 $0x0  }
0x2b: {  	[sflag:s7] =	ssyncset.done $0x0;
	s14 =	sshll.u32 s14, $0x8  }
0x2c: {  	[sflag:s7] =	ssyncadd.s32 $0xFFFFFF00;
	(ifvalue) =	ssetifvalue $0x7FFFFFFF;
	v0 =	vld.msk [tilespmem:s14+$0x0 ss:$0x1], $0xffff;
	_ =	sdelay $0x4  }
0x2d: {  	s15 =	sadd.s32 $0x10, s14;
	vm1 =	vgt.s32 v0, $0x0  }
0x2e: {  	v2 =	vld.msk [tilespmem:s15+$0x0 ss:$0x1], $0xffff;
	v1 =	vnsel vm1, $0x0, v0  }
0x2f: {  	v1 =	vmin.u32 v1, $0x27FF;
	_ =	sdelay $0x1  }
0x30: {  	s16 =	sshll.u32 s12, $0x8;
	s18 =	simm.s32 $0x20  }
0x31: {  	s16 =	sand.u32 $0x100, s16;
	s17 =	sadd.s32 $0x10, s15;
	s15 =	sor.u32 $0x200, s14  }
0x32: {  	s14 =	sor.u32 $0x200, s16;
	s16 =	sadd.s32 $0x10, s15;
	v0 =	vld.msk [tilespmem:s17+$0x0 ss:$0x1], $0xffff;
	vm1 =	vgt.s32 v2, $0x0;
	(ifvalue) =	ssetifvalue $0x7FFFFFFF  }
.LBB2_3:
0x33: {  	[tilespmem:s15], [sflag:$0x1] =	stream.indirect_vreg.gather [hbm4b:s2+s10], $0x1, v1, vm0, $0x4038;
	[tilespmem:$0x400] =	vst v63  }
0x34: {  	s18 =	sadd.s32 $0x10, s18  }
0x35: {  	v2 =	vnsel vm1, $0x0, v2;
	p1 =	slt.u32 s18, $0xF0  }
.Ltmp3:
0x36: {  	s15 =	smov.u32 s16;
	v1 =	vmin.u32 v2, $0x27FF;
	(pc) =	sbr.rel @p1 .LBB2_3-.Ltmp3, $3  }
0x37: {  	_ =	sdelay $0x1  }
0x38: {  	s17 =	sadd.s32 $0x10, s17  }
0x39: {  	vm1 =	vgt.s32 v0, $0x0;
	s16 =	sadd.s32 $0x10, s16;
	v2 =	vmov v0;
	(ifvalue) =	ssetifvalue $0x7FFFFFFF;
	v0 =	vld.msk [tilespmem:s17+$0x0 ss:$0x1], $0xffff  }
.Ltmp4:
0x3a: {  	_ = 	snop;
	(pc) =	sbr.rel .LBB2_4-.Ltmp4, $1  }
0x3b: {  	_ =	sdelay $0x3  }
.LBB2_6:
0x3c: {  	_ =	sfence.sel $0x180000  }
0x3d: {  	s2 =	simm.s32 $0x2;
	[bflag:$0x0] =	sbarrier.arrive $0xFFFF  }
0x3e: {  	s30 =	simm.s32 $0x3;
	[sflag:s2] =	ssyncpa.u1 $0x1  }
0x3f: {  	s31 =	simm.s32 $0x1;
	[sflag:s30] =	ssyncpa.u1 $0x1  }
0x40: {  	[sflag:s31] =	ssyncpa.u1 $0x1  }
0x41: {  	p0 =	sne.s32 s0, $0x0;
	_ =	strace $0x90000047  }
0x42: {  	s0 =	sadd.s32 @!p0 $0x100000, s1;
	[bflag:$0x2] =	sbarrier.arrive $0xFFFF  }
0x43: {  	[sflag:s0] =	ssyncadd.tile.s32 @!p0 $0x1;
	_ =	shalt  }
.Lfunc_end2:
_tile_overlayer_lowered:
.L_overlay_start_2:
0x44: {  	(tag) =	ssettag $0x2  }
0x45: {  	s0 =	rddreg [dreg:$0x0];
	s2 =	stileid.u32  }
0x46: {  	s1 =	rddreg [dreg:$0x1];
	p0 =	sne.s32 s2, $0x0  }
0x47: {  	s3 =	rddreg [dreg:$0x2];
	[bflag:$0x3] =	sbarrier.arrive $0xFFFF;
	s2 =	simm.s32 @!p0 $0x1C01  }
0x48: {  	[timem:s3], [sflag:s2] =	dma.local @!p0 [hbm:s0], s1  }
0x49: {  	s0 =	simm.s32 @!p0 $0x1  }
0x4a: {  	_ =	swait.ge @!p0 [sflag:s0], s1  }
0x4b: {  	s1 =	ssub.s32 @!p0 $0x0, s1;
	[sflag:s0] =	ssyncset.done @!p0 $0x0  }
0x4c: {  	[sflag:s0] =	ssyncadd.s32 @!p0 s1  }
0x4d: {  	[bflag:$0x3] =	sbarrier.arrive $0xFFFF  }
0x4e: {  	_ =	shalt  }

// kernel: kernel.4.cloned.1.call-start
scs
__scs_entry_jumppad:
0x0: {  	(pc) =	sbr.rel $0x88, $3  }
0x1: {  	(tag) =	ssettag $0x0;
	lr =	simm.s32 $0x1  }
0x2: {  	[smem:$0x3F98] =	sst lr;
	_ =	strace $0xD0000000  }
0x3: {  	_ = 	snop  }
0x4: {  	_ = 	snop  }
0x5: {  	_ = 	snop  }
0x6: {  	_ = 	snop  }
0x7: {  	_ = 	snop  }
__scs_overlays_trampoline_lowered:
0x8: {  	[smem:$0x3FA7] =	sst s0  }
0x9: {  	[smem:$0x3FA8] =	sst s1  }
0xa: {  	[smem:$0x3FA9] =	sst s2  }
0xb: {  	[smem:$0x3FAA] =	sst s3  }
0xc: {  	[smem:$0x3FAB] =	sst s4  }
0xd: {  	[smem:$0x3FAC] =	sst s5  }
0xe: {  	[smem:$0x3FAD] =	sst s6  }
0xf: {  	[smem:$0x3FAE] =	sst s7  }
0x10: {  	[smem:$0x3FAF] =	sst s8  }
0x11: {  	[smem:$0x3FB0] =	sst s9;
	s0 =	simm.s32 @!p0 $0x0  }
0x12: {  	s1 =	sld [smem:$0x3F96];
	s0 =	simm.s32 @p0 $0x1  }
0x13: {  	[smem:$0x3FB1] =	sst s0;
	s0 =	simm.s32 @!p1 $0x0  }
0x14: {  	s2 =	sld [smem:$0x3F95];
	s0 =	simm.s32 @p1 $0x1  }
0x15: {  	[smem:$0x3FB2] =	sst s0;
	s0 =	simm.s32 @!p2 $0x0  }
0x16: {  	s3 =	sld [smem:$0x3FDB];
	s0 =	simm.s32 @p2 $0x1  }
0x17: {  	s4 =	simm.s32 $0x1BF5;
	[smem:$0x3FB4] =	sst s0  }
0x18: {  	s0 =	sld [smem:$0x3F97];
	_ =	swait.ge [sflag:s4], $0x0  }
0x19: {  	s7 =	sld [smem:$0x3F98]  }
0x1a: {  	s8 =	sadd.s32 $0xFFFFE003, lr  }
0x1b: {  	s9 =	sadd.s32 $0xFFFFFEF7, lr;
	s5 =	simm.s32 $0xFFFFFFFF;
	p2 =	slt.u32 s8, $0xFFFFF086  }
0x1c: {  	p1 =	slt.u32 s9, $0xF7A;
	s5 =	simm.s32 @!p2 $0x0  }
0x1d: {  	s5 =	simm.s32 @p1 $0x1;
	p0 =	seq.s32 s7, s2  }
0x1e: {  	s7 =	smul.u32 @!p0 $0xF7A, s2;
	p2 =	seq.s32 @!p0 s5, $0x0  }
0x1f: {  	s9 =	smul.u32 $0xF7A, s1;
	s8 =	simm.s32 @!p0 $0x1BF5;
	p2 =	por !p2, p0  }
0x20: {  	[sflag:s8] =	ssyncset.s32 @!p0 $0xFFFFF086;
	s6 =	sadd.s32 @!p0 s3, s7;
	s7 =	simm.s32 @!p0 $0x108  }
0x21: {  	s3 =	sadd.s32 s3, s9;
	s6 =	sadd.s32 @!p0 $0x88, s6;
	s7 =	simm.s32 @p2 $0x1082  }
0x22: {  	[simem:s7], [sflag:s8] =	dma.local @!p0 [hbm:s6], $0xF7A  }
0x23: {  	s9 =	sor.u32 $0xD0000000, s2;
	s6 =	simm.s32 $0x108;
	_ =	swait.ge @!p0 [sflag:s8], $0x0  }
0x24: {  	s3 =	sadd.s32 $0x88, s3;
	s6 =	simm.s32 @!p1 $0x1082;
	[sflag:s4] =	ssyncset.s32 $0xFFFFF086  }
0x25: {  	[simem:s6], [sflag:s4] =	dma.local [hbm:s3], $0xF7A  }
0x26: {  	[smem:$0x3F98] =	sst s1;
	(tag) =	ssettag s2;
	_ =	strace s9  }
0x27: {  	s1 =	sld [smem:$0x3FA8]  }
0x28: {  	s2 =	sld [smem:$0x3FA9]  }
0x29: {  	s4 =	sld [smem:$0x3FAB]  }
0x2a: {  	p0 =	seq.s32 s5, $0x0;
	s5 =	sld [smem:$0x3FAC]  }
0x2b: {  	s6 =	sld [smem:$0x3FAD]  }
0x2c: {  	s7 =	sld [smem:$0x3FAE]  }
0x2d: {  	s3 =	simm.s32 $0x108;
	s8 =	sld [smem:$0x3FAF]  }
0x2e: {  	s3 =	simm.s32 @!p0 $0x1082;
	s9 =	sld [smem:$0x3FB0]  }
0x2f: {  	lr =	sadd.s32 s0, s3;
	s0 =	sld [smem:$0x3FA7]  }
0x30: {  	s3 =	sld [smem:$0x3FAA]  }
0x31: {  	[smem:$0x3FB3] =	sst s10  }
0x32: {  	s10 =	sld [smem:$0x3FB1];
	_ =	sdelay $0x3  }
0x33: {  	p0 =	seq.s32 s10, $0x1;
	s10 =	sld [smem:$0x3FB3];
	_ =	sdelay $0x3  }
0x34: {  	[smem:$0x3FB3] =	sst s10  }
0x35: {  	s10 =	sld [smem:$0x3FB2];
	_ =	sdelay $0x3  }
0x36: {  	p1 =	seq.s32 s10, $0x1;
	s10 =	sld [smem:$0x3FB3];
	_ =	sdelay $0x3  }
0x37: {  	[smem:$0x3FB3] =	sst s10  }
0x38: {  	s10 =	sld [smem:$0x3FB4]  }
0x39: {  	_ = 	snop;
	(pc) =	sbr.ind lr, $3  }
0x3a: {  	_ = 	snop  }
0x3b: {  	_ = 	snop  }
0x3c: {  	p2 =	seq.s32 s10, $0x1;
	s10 =	sld [smem:$0x3FB3]  }
0x3d: {  	_ =	shalt  }
0x3e: {  	_ =	shalt  }
0x3f: {  	_ =	shalt  }
0x40: {  	_ =	shalt  }
0x41: {  	_ =	shalt  }
0x42: {  	_ =	shalt  }
0x43: {  	_ =	shalt  }
0x44: {  	_ =	shalt  }
0x45: {  	_ =	shalt  }
0x46: {  	_ =	shalt  }
0x47: {  	_ =	shalt  }
0x48: {  	_ =	shalt  }
0x49: {  	_ =	shalt  }
0x4a: {  	_ =	shalt  }
0x4b: {  	_ =	shalt  }
0x4c: {  	_ =	shalt  }
0x4d: {  	_ =	shalt  }
0x4e: {  	_ =	shalt  }
0x4f: {  	_ =	shalt  }
0x50: {  	_ =	shalt  }
0x51: {  	_ =	shalt  }
0x52: {  	_ =	shalt  }
0x53: {  	_ =	shalt  }
0x54: {  	_ =	shalt  }
0x55: {  	_ =	shalt  }
0x56: {  	_ =	shalt  }
0x57: {  	_ =	shalt  }
0x58: {  	_ =	shalt  }
0x59: {  	_ =	shalt  }
0x5a: {  	_ =	shalt  }
0x5b: {  	_ =	shalt  }
0x5c: {  	_ =	shalt  }
0x5d: {  	_ =	shalt  }
0x5e: {  	_ =	shalt  }
0x5f: {  	_ =	shalt  }
0x60: {  	_ =	shalt  }
0x61: {  	_ =	shalt  }
0x62: {  	_ =	shalt  }
0x63: {  	_ =	shalt  }
0x64: {  	_ =	shalt  }
0x65: {  	_ =	shalt  }
0x66: {  	_ =	shalt  }
0x67: {  	_ =	shalt  }
0x68: {  	_ =	shalt  }
0x69: {  	_ =	shalt  }
0x6a: {  	_ =	shalt  }
0x6b: {  	_ =	shalt  }
0x6c: {  	_ =	shalt  }
0x6d: {  	_ =	shalt  }
0x6e: {  	_ =	shalt  }
0x6f: {  	_ =	shalt  }
0x70: {  	_ =	shalt  }
0x71: {  	_ =	shalt  }
0x72: {  	_ =	shalt  }
0x73: {  	_ =	shalt  }
0x74: {  	_ =	shalt  }
0x75: {  	_ =	shalt  }
0x76: {  	_ =	shalt  }
0x77: {  	_ =	shalt  }
0x78: {  	_ =	shalt  }
0x79: {  	_ =	shalt  }
0x7a: {  	_ =	shalt  }
0x7b: {  	_ =	shalt  }
0x7c: {  	_ =	shalt  }
0x7d: {  	_ =	shalt  }
0x7e: {  	_ =	shalt  }
0x7f: {  	_ =	shalt  }
0x80: {  	_ =	shalt  }
0x81: {  	_ =	shalt  }
0x82: {  	_ =	shalt  }
0x83: {  	_ =	shalt  }
0x84: {  	_ =	shalt  }
0x85: {  	_ =	shalt  }
0x86: {  	_ =	shalt  }
0x87: {  	_ =	shalt  }
.Lfunc_end0:
.L_simem_size_0:
called_computation.2_lowered:
.L_overlay_start_0:
0x88: {  	s2 =	sld [smem:$0x3FD9]  }
0x89: {  	s3 =	sld [smem:$0x3FFE];
	_ =	sdelay $0x1  }
0x8a: {  	s1 =	srdreg.scid  }
0x8b: {  	s0 =	sand.u32 $0x1, s1  }
0x8c: {  	s16 =	sshll.u32 s0, $0xA;
	s2 =	sadd.s32 s3, s2  }
0x8d: {  	s2 =	sadd.s32 s2, s16  }
0x8e: {  	[smem:$0x3FBF] =	sst s2  }
0x8f: {  	_ = 	snop  }
0x90: {  	(tm) =	ssettm $0x1  }
0x91: {  	s17 =	sld [smem:$0x3FFB];
	_ =	sdelay $0x3  }
0x92: {  	_ =	strace s17  }
0x93: {  	s2 =	sld [smem:$0x3FFC];
	_ =	sdelay $0x3  }
0x94: {  	_ =	strace s2  }
0x95: {  	s2 =	sld [smem:$0x3FFD];
	_ =	sdelay $0x3  }
0x96: {  	_ =	strace s2  }
0x97: {  	_ =	strace $0x8FFFFFFF  }
0x98: {  	s18 =	sld [smem:$0x3FDB];
	_ =	sdelay $0x1  }
0x99: {  	s19 =	simm.s32 $_scs_section_size  }
0x9a: {  	s4 =	simm.s32 $_size__tile_overlayer_lowered;
	s5 =	simm.s32 $_tile_overlayer_lowered  }
0x9b: {  	s22 =	simm.s32 $0x1BFF;
	s21 =	sshll.u32 s5, $0x1;
	s2 =	sadd.s32 s19, s18  }
0x9c: {  	s6 =	simm.s32 $0x0;
	s20 =	sshll.u32 s4, $0x1;
	s4 =	sadd.s32 s21, s2  }
0x9d: {  	[timem:s6], [sflag:s22] =	dma.local [hbm:s4], s20  }
0x9e: {  	_ =	swait.ge [sflag:s22], s20  }
0x9f: {  	s3 =	ssub.s32 $0x0, s20;
	[sflag:s22] =	ssyncset.done $0x0  }
0xa0: {  	[sflag:s22] =	ssyncadd.s32 s3;
	_ =	sdelay $0x1  }
0xa1: {  	s23 =	simm.s32 $0x1B8B  }
0xa2: {  	_ =	swait.ge [sflag:s23], $0x1  }
0xa3: {  	[sflag:s23] =	ssyncset.done $0x0  }
0xa4: {  	s25 =	simm.s32 $0x1B8E;
	s24 =	sld [smem:$0x3FFE];
	[sflag:s23] =	ssyncadd.s32 $0xFFFFFFFF  }
0xa5: {  	s26 =	simm.s32 $execute0_lowered;
	[smem:$0x3FD2] =	sst s25  }
0xa6: {  	s4 =	sshll.u32 s26, $0x1;
	_ =	strace $0x80000049;
	[dreg:$0x1] =	wrdreg $0xFFFFFFFF  }
0xa7: {  	s28 =	simm.s32 $_size_execute0_lowered;
	s2 =	sadd.s32 s2, s4;
	[dreg:$0x0] =	wrdreg $0x0  }
0xa8: {  	s4 =	sshll.u32 s28, $0x1;
	[dreg:$0x2] =	wrdreg s2  }
0xa9: {  	[dreg:$0x3] =	wrdreg s4  }
0xaa: {  	[dreg:$0x4] =	wrdreg $0xC0  }
0xab: {  	_ =	task [dreg:s6], $0x5FFFF  }
0xac: {  	[dreg:$0x1] =	wrdreg $0xFFFFFFFF  }
0xad: {  	[dreg:$0x0] =	wrdreg $0x60  }
0xae: {  	[dreg:$0x2] =	wrdreg s24  }
0xaf: {  	[dreg:$0x3] =	wrdreg $0x132800  }
0xb0: {  	[dreg:$0x4] =	wrdreg $0x133800  }
0xb1: {  	[dreg:$0x5] =	wrdreg $0x9  }
0xb2: {  	_ =	task.clear_ibuf [dreg:s6], $0x6FFFF;
	_ =	strace $0x90000049  }
0xb3: {  	s29 =	simm.s32 $0x9;
	_ =	strace $0x8000004B  }
0xb4: {  	_ =	swait.ge [sflag:s29], $0x1  }
0xb5: {  	[sflag:s29] =	ssyncadd.s32 $0xFFFFFFFF  }
0xb6: {  	_ =	strace $0x9000004B  }
0xb7: {  	_ =	sfence  }
0xb8: {  	s30 =	sld [smem:$0x0];
	_ =	sdelay $0x2  }
0xb9: {  	s31 =	sshll.u32 s1, $0xD;
	s1 =	sshrl.u32 s1, $0x2  }
0xba: {  	s3 =	sand.u32 $0x4000, s31;
	s1 =	sadd.s32 s1, s30  }
0xbb: {  	s0 =	sor.u32 s3, s0;
	s1 =	sshll.u32 s1, $0x11  }
0xbc: {  	s0 =	sor.u32 s1, s0  }
0xbd: {  	s0 =	sadd.s32 $0x8F2B, s0  }
0xbe: {  	[sflag:s0] =	ssyncadd.remote.s32 $0x1  }
0xbf: {  	_ =	sfence.sel $0xFFFF  }
0xc0: {  	[dreg:$0x0] =	wrdreg $0xFFFFFFFF;
	(pc) =	sbr.abs _section_cstart, $3  }
0xc1: {  	[dreg:$0x1] =	wrdreg $0xFFFFFFFF  }
0xc2: {  	_ =	task.clear_ibuf [dreg:s6], $0x2FFFF;
	_ =	strace $0x9FFFFFFF  }
0xc3: {  	(tm) =	ssettm $0x7FFFFFFF  }
tec
execute0_lowered:
.L_overlay_start_1:
0x0: {  	(tag) =	ssettag $0x1  }
0x1: {  	s4 =	rddreg [dreg:$0x0]  }
0x2: {  	s0 =	rddreg [dreg:$0x1]  }
0x3: {  	s11 =	stileid.u32;
	s1 =	srdreg.scid  }
0x4: {  	s2 =	rddreg [dreg:$0x2];
	s3 =	simm.s32 $0x0;
	s15 =	simm.s32 $0x2280  }
0x5: {  	s16 =	simm.s32 $0x100;
	s17 =	simm.s32 $0x4280;
	s18 =	simm.s32 $0x180  }
0x6: {  	s19 =	simm.s32 $0x6280;
	s20 =	simm.s32 $0x200;
	s5 =	smul.u32 $0x50, s11  }
0x7: {  	s21 =	simm.s32 $0x8280;
	s22 =	simm.s32 $0xFA80;
	s8 =	smul.u32 $0xA000, s11  }
0x8: {  	s28 =	simm.s32 $0x0;
	s6 =	sand.u32 $0x1, s1;
	s10 =	smul.u32 $0xA00, s11  }
0x9: {  	[smem:$0x7FF] =	sst s3;
	s30 =	smul.u32 $0x2800, s11;
	p0 =	sne.s32 s11, $0x0  }
0xa: {  	s11 =	simm.s32 $0xA280;
	s7 =	smul.u32 $0xA0000, s6;
	_ =	strace $0x8000004A  }
0xb: {  	s23 =	sshll.u32 s6, $0x9;
	s24 =	smul.u32 $0x5000, s6;
	s25 =	ssub.s32 $0x2, s6  }
0xc: {  	s29 =	smul.u32 $0xA000, s6;
	s9 =	sadd.s32 s5, s4;
	s5 =	sadd.s32 s23, s4  }
0xd: {  	s10 =	sadd.s32 s10, s4;
	s26 =	sshrl.u32 s25, $0x1;
	s23 =	simm.s32 $0x1  }
0xe: {  	s7 =	sadd.s32 s8, s7;
	s13 =	sadd.s32 s24, s4;
	s14 =	ssub.s32 s25, s26  }
0xf: {  	s5 =	sadd.s32 $0x2800, s5;
	s6 =	sadd.s32 $0x3400, s9;
	s31 =	sshrl.u32 s29, $0x2  }
0x10: {  	s25 =	sshrl.u32 s30, $0x3;
	s26 =	simm.s32 $0x2;
	s7 =	sshrl.u32 s7, $0x3  }
0x11: {  	s9 =	sadd.s32 $0xA280, s31;
	s24 =	sadd.s32 $0xDA00, s13;
	s13 =	simm.s32 $0x80  }
0x12: {  	s12 =	sadd.s32 s7, s4;
	s4 =	sadd.s32 $0x3A00, s10;
	s7 =	sadd.s32 s30, s2  }
0x13: {  	s10 =	smax.u32 s14, $0x1;
	s14 =	simm.s32 $0x280;
	s24 =	sadd.s32 s25, s24  }
0x14: {  	v0 =	vimm.f32 $1.000000000e+00;
	v1 =	vimm.f32 $0.0e+00;
	s25 =	simm.s32 $0xF280;
	s8 =	sadd.s32 $0x17A00, s12;
	s12 =	simm.s32 $0x3  }
.LBB2_1:
0x15: {  	[tilespmem:s11], [sflag:$0x3] =	stream.linear.gather [hbm4b:s4+s3], $0x5000, $0x38;
	[tilespmem:$0x15B80] =	vst v63  }
0x16: {  	_ =	swait.ge [sflag:s12], $0x5000  }
0x17: {  	[sflag:s12] =	ssyncset.done $0x0  }
0x18: {  	s29 =	simm.s32 @!p0 $0x0;
	s30 =	simm.s32 @!p0 $0x12280;
	[sflag:s12] =	ssyncadd.s32 $0xFFFFB000  }
0x19: {  	[tilespmem:s30], [sflag:$0x3] =	stream.linear.gather @!p0 [hbm4b:s5+s29], $0x1000, $0x38;
	[tilespmem:$0x15B80] =	vst v63  }
0x1a: {  	s29 =	simm.s32 @!p0 $0x3  }
0x1b: {  	_ =	swait.ge @!p0 [sflag:s29], $0x1000  }
0x1c: {  	[sflag:s29] =	ssyncset.done @!p0 $0x0  }
0x1d: {  	[sflag:s29] =	ssyncadd.s32 @!p0 $0xFFFFF000  }
0x1e: {  	[spmem:s0] =	stream.linear.scatter @!p0 [tilespmem:s30], [sflag:$0x3], $0x1000, $0x38;
	[tilespmem:$0x15B80] =	vst v63  }
0x1f: {  	_ =	swait.ge @!p0 [sflag:s29], $0x1000  }
0x20: {  	[sflag:s29] =	ssyncset.done @!p0 $0x0  }
0x21: {  	[sflag:s29] =	ssyncadd.s32 @!p0 $0xFFFFF000  }
0x22: {  	[tilespmem:s3], [sflag:$0x3] =	stream.linear.gather [hbm4b:s6+s3], $0x280, $0x38;
	[tilespmem:$0x15B80] =	vst v63  }
0x23: {  	_ =	swait.ge [sflag:s12], $0x280  }
0x24: {  	[sflag:s12] =	ssyncset.done $0x0  }
0x25: {  	[sflag:s12] =	ssyncadd.s32 $0xFFFFFD80  }
0x26: {  	[bflag:$0x0] =	sbarrier.arrive $0xFFFF  }
0x27: {  	[tilespmem:s14], [sflag:$0x1] =	stream.indirect.gather [spmem:s0], $0x40, s3, s13, $0xb8;
	[tilespmem:$0x15B80] =	vst v63  }
0x28: {  	_ = 	snop  }
0x29: {  	[tilespmem:s15], [sflag:$0x1] =	stream.indirect.gather [spmem:s0], $0x40, s13, s13, $0xb8;
	[tilespmem:$0x15B80] =	vst v63  }
0x2a: {  	_ = 	snop  }
0x2b: {  	[tilespmem:s17], [sflag:$0x1] =	stream.indirect.gather [spmem:s0], $0x40, s16, s13, $0xb8;
	[tilespmem:$0x15B80] =	vst v63  }
0x2c: {  	_ = 	snop  }
0x2d: {  	[tilespmem:s19], [sflag:$0x1] =	stream.indirect.gather [spmem:s0], $0x40, s18, s13, $0xb8;
	[tilespmem:$0x15B80] =	vst v63  }
0x2e: {  	s29 =	simm.s32 $0x0  }
0x2f: {  	[tilespmem:s21], [sflag:$0x1] =	stream.indirect.gather [spmem:s0], $0x40, s20, s13, $0xb8;
	[tilespmem:$0x15B80] =	vst v63  }
.LBB2_2:
0x30: {  	p1 =	sne.s32 s29, $0x1FC0  }
.Ltmp0:
0x31: {  	_ = 	snop;
	(pc) =	sbr.rel @p1 .LBB2_2-.Ltmp0, $3  }
0x32: {  	_ =	sdelay $0x1  }
0x33: {  	s30 =	sshra.s32 s29, $0x2  }
0x34: {  	s29 =	sadd.s32 $0x40, s29;
	[tilespmem:s30+$0xF280] =	vst v0  }
0x35: {  	s29 =	simm.s32 $0x40;
	s30 =	simm.s32 $0x0  }
.LBB2_4:
0x36: {  	p1 =	sne.s32 s29, $0x9FC0;
	[tilespmem:s30+$0xFA80] =	vst v1;
	s30 =	smov.u32 s29;
	s29 =	sadd.s32 $0x40, s29  }
.Ltmp1:
0x37: {  	(pc) =	sbr.rel @p1 .LBB2_4-.Ltmp1, $2  }
0x38: {  	_ =	sdelay $0x2  }
0x39: {  	s30 =	sshra.s32 s30, $0x2  }
0x3a: {  	[tilespmem:s30+$0xFA80] =	vst v1  }
0x3b: {  	[spmem:s7] =	stream.linear.scatter [tilespmem:s22], [sflag:$0x3], $0x2800, $0x38;
	[tilespmem:$0x15B80] =	vst v63  }
0x3c: {  	_ =	swait.ge [sflag:s12], $0x2800  }
0x3d: {  	[sflag:s12] =	ssyncset.done $0x0  }
0x3e: {  	[sflag:s12] =	ssyncadd.s32 $0xFFFFD800  }
0x3f: {  	[bflag:$0x0] =	sbarrier.arrive $0xFFFF  }
0x40: {  	_ =	swait.ge [sflag:s23], $0x2000  }
0x41: {  	[sflag:s23] =	ssyncset.done $0x0  }
0x42: {  	[sflag:s23] =	ssyncadd.s32 $0xFFFFE000  }
0x43: {  	_ =	swait.ge [sflag:s23], $0x2000  }
0x44: {  	[sflag:s23] =	ssyncset.done $0x0  }
0x45: {  	[sflag:s23] =	ssyncadd.s32 $0xFFFFE000  }
0x46: {  	_ =	swait.ge [sflag:s23], $0x2000  }
0x47: {  	[sflag:s23] =	ssyncset.done $0x0  }
0x48: {  	[sflag:s23] =	ssyncadd.s32 $0xFFFFE000  }
0x49: {  	_ =	swait.ge [sflag:s23], $0x2000  }
0x4a: {  	[sflag:s23] =	ssyncset.done $0x0  }
0x4b: {  	[sflag:s23] =	ssyncadd.s32 $0xFFFFE000  }
0x4c: {  	_ =	swait.ge [sflag:s23], $0x2000  }
0x4d: {  	[sflag:s23] =	ssyncset.done $0x0  }
0x4e: {  	s29 =	simm.s32 $0x0;
	[sflag:s23] =	ssyncadd.s32 $0xFFFFE000  }
0x4f: {  	[hbm4b:s8+s29] =	stream.linear.scatter [tilespmem:s14], [sflag:$0x3], $0xA000, $0x38;
	[tilespmem:$0x15B80] =	vst v63  }
0x50: {  	_ =	swait.ge [sflag:s12], $0xA000  }
0x51: {  	[sflag:s12] =	ssyncset.done $0x0  }
0x52: {  	s1 =	sadd.s32 $0x0, s9;
	[sflag:s12] =	ssyncadd.s32 $0xFFFF6000  }
0x53: {  	[spmem:s2] =	stream.indirect.scatter.add.f32 [tilespmem:s25], [sflag:$0x2], $0x10, s1, s13, $0xb8;
	[tilespmem:$0x15B80] =	vst v63  }
0x54: {  	s30 =	sadd.s32 $0x80, s1  }
0x55: {  	[spmem:s2] =	stream.indirect.scatter.add.f32 [tilespmem:s25], [sflag:$0x2], $0x10, s30, s13, $0xb8;
	[tilespmem:$0x15B80] =	vst v63  }
0x56: {  	s30 =	sadd.s32 $0x100, s1  }
0x57: {  	[spmem:s2] =	stream.indirect.scatter.add.f32 [tilespmem:s25], [sflag:$0x2], $0x10, s30, s13, $0xb8;
	[tilespmem:$0x15B80] =	vst v63  }
0x58: {  	s30 =	sadd.s32 $0x180, s1  }
0x59: {  	[spmem:s2] =	stream.indirect.scatter.add.f32 [tilespmem:s25], [sflag:$0x2], $0x10, s30, s13, $0xb8;
	[tilespmem:$0x15B80] =	vst v63  }
0x5a: {  	s30 =	sadd.s32 $0x200, s1  }
0x5b: {  	[spmem:s2] =	stream.indirect.scatter.add.f32 [tilespmem:s25], [sflag:$0x2], $0x10, s30, s13, $0xb8;
	[tilespmem:$0x15B80] =	vst v63  }
0x5c: {  	s30 =	sadd.s32 $0x280, s1  }
0x5d: {  	[spmem:s2] =	stream.indirect.scatter.add.f32 [tilespmem:s25], [sflag:$0x2], $0x10, s30, s13, $0xb8;
	[tilespmem:$0x15B80] =	vst v63  }
0x5e: {  	s30 =	sadd.s32 $0x300, s1  }
0x5f: {  	[spmem:s2] =	stream.indirect.scatter.add.f32 [tilespmem:s25], [sflag:$0x2], $0x10, s30, s13, $0xb8;
	[tilespmem:$0x15B80] =	vst v63  }
0x60: {  	s29 =	sadd.s32 $0x380, s1  }
0x61: {  	[spmem:s2] =	stream.indirect.scatter.add.f32 [tilespmem:s25], [sflag:$0x2], $0x10, s29, s13, $0xb8;
	[tilespmem:$0x15B80] =	vst v63  }
0x62: {  	_ =	swait.ge [sflag:s26], $0x800  }
0x63: {  	[sflag:s26] =	ssyncset.done $0x0  }
0x64: {  	[sflag:s26] =	ssyncadd.s32 $0xFFFFF800  }
0x65: {  	_ =	swait.ge [sflag:s26], $0x800  }
0x66: {  	[sflag:s26] =	ssyncset.done $0x0  }
0x67: {  	[sflag:s26] =	ssyncadd.s32 $0xFFFFF800  }
0x68: {  	_ =	swait.ge [sflag:s26], $0x800  }
0x69: {  	[sflag:s26] =	ssyncset.done $0x0  }
0x6a: {  	[sflag:s26] =	ssyncadd.s32 $0xFFFFF800  }
0x6b: {  	_ =	swait.ge [sflag:s26], $0x800  }
0x6c: {  	[sflag:s26] =	ssyncset.done $0x0  }
0x6d: {  	[sflag:s26] =	ssyncadd.s32 $0xFFFFF800  }
0x6e: {  	_ =	swait.ge [sflag:s26], $0x800  }
0x6f: {  	[sflag:s26] =	ssyncset.done $0x0  }
0x70: {  	[sflag:s26] =	ssyncadd.s32 $0xFFFFF800  }
0x71: {  	_ =	swait.ge [sflag:s26], $0x800  }
0x72: {  	[sflag:s26] =	ssyncset.done $0x0  }
0x73: {  	[sflag:s26] =	ssyncadd.s32 $0xFFFFF800  }
0x74: {  	_ =	swait.ge [sflag:s26], $0x800  }
0x75: {  	[sflag:s26] =	ssyncset.done $0x0  }
0x76: {  	[sflag:s26] =	ssyncadd.s32 $0xFFFFF800  }
0x77: {  	_ =	swait.ge [sflag:s26], $0x800  }
0x78: {  	s31 =	simm.s32 $0x2000;
	s30 =	simm.s32 $0x400;
	[sflag:s26] =	ssyncset.done $0x0  }
.LBB2_6:
0x79: {  	s1 =	sadd.s32 s30, s9  }
0x7a: {  	[sflag:s26] =	ssyncadd.s32 $0xFFFFF800;
	s30 =	smov.u32 s31;
	s29 =	sadd.s32 $0x1000, s31  }
0x7b: {  	[spmem:s2] =	stream.indirect.scatter.add.f32 [tilespmem:s25], [sflag:$0x2], $0x10, s1, s13, $0xb8;
	[tilespmem:$0x15B80] =	vst v63  }
0x7c: {  	p1 =	sne.s32 s31, $0x9000;
	s31 =	sadd.s32 $0x80, s1  }
0x7d: {  	[spmem:s2] =	stream.indirect.scatter.add.f32 [tilespmem:s25], [sflag:$0x2], $0x10, s31, s13, $0xb8;
	[tilespmem:$0x15B80] =	vst v63  }
0x7e: {  	s31 =	sadd.s32 $0x100, s1  }
0x7f: {  	[spmem:s2] =	stream.indirect.scatter.add.f32 [tilespmem:s25], [sflag:$0x2], $0x10, s31, s13, $0xb8;
	[tilespmem:$0x15B80] =	vst v63  }
0x80: {  	s31 =	sadd.s32 $0x180, s1  }
0x81: {  	[spmem:s2] =	stream.indirect.scatter.add.f32 [tilespmem:s25], [sflag:$0x2], $0x10, s31, s13, $0xb8;
	[tilespmem:$0x15B80] =	vst v63  }
0x82: {  	s31 =	sadd.s32 $0x200, s1  }
0x83: {  	[spmem:s2] =	stream.indirect.scatter.add.f32 [tilespmem:s25], [sflag:$0x2], $0x10, s31, s13, $0xb8;
	[tilespmem:$0x15B80] =	vst v63  }
0x84: {  	s31 =	sadd.s32 $0x280, s1  }
0x85: {  	[spmem:s2] =	stream.indirect.scatter.add.f32 [tilespmem:s25], [sflag:$0x2], $0x10, s31, s13, $0xb8;
	[tilespmem:$0x15B80] =	vst v63  }
0x86: {  	s31 =	sadd.s32 $0x300, s1  }
0x87: {  	[spmem:s2] =	stream.indirect.scatter.add.f32 [tilespmem:s25], [sflag:$0x2], $0x10, s31, s13, $0xb8;
	[tilespmem:$0x15B80] =	vst v63  }
0x88: {  	s1 =	sadd.s32 $0x380, s1  }
0x89: {  	[spmem:s2] =	stream.indirect.scatter.add.f32 [tilespmem:s25], [sflag:$0x2], $0x10, s1, s13, $0xb8;
	[tilespmem:$0x15B80] =	vst v63  }
0x8a: {  	_ =	swait.ge [sflag:s26], $0x800  }
0x8b: {  	[sflag:s26] =	ssyncset.done $0x0  }
0x8c: {  	[sflag:s26] =	ssyncadd.s32 $0xFFFFF800  }
0x8d: {  	_ =	swait.ge [sflag:s26], $0x800  }
0x8e: {  	[sflag:s26] =	ssyncset.done $0x0  }
0x8f: {  	[sflag:s26] =	ssyncadd.s32 $0xFFFFF800  }
0x90: {  	_ =	swait.ge [sflag:s26], $0x800  }
0x91: {  	[sflag:s26] =	ssyncset.done $0x0  }
0x92: {  	[sflag:s26] =	ssyncadd.s32 $0xFFFFF800  }
0x93: {  	_ =	swait.ge [sflag:s26], $0x800  }
0x94: {  	[sflag:s26] =	ssyncset.done $0x0  }
0x95: {  	[sflag:s26] =	ssyncadd.s32 $0xFFFFF800  }
0x96: {  	_ =	swait.ge [sflag:s26], $0x800  }
0x97: {  	[sflag:s26] =	ssyncset.done $0x0  }
0x98: {  	[sflag:s26] =	ssyncadd.s32 $0xFFFFF800  }
0x99: {  	_ =	swait.ge [sflag:s26], $0x800  }
0x9a: {  	[sflag:s26] =	ssyncset.done $0x0  }
0x9b: {  	[sflag:s26] =	ssyncadd.s32 $0xFFFFF800  }
.Ltmp2:
0x9c: {  	_ =	swait.ge [sflag:s26], $0x800;
	(pc) =	sbr.rel @p1 .LBB2_6-.Ltmp2, $4  }
0x9d: {  	[sflag:s26] =	ssyncset.done $0x0  }
0x9e: {  	[sflag:s26] =	ssyncadd.s32 $0xFFFFF800  }
0x9f: {  	_ =	swait.ge [sflag:s26], $0x800  }
0xa0: {  	s30 =	sshra.s32 s30, $0x2;
	s31 =	smov.u32 s29;
	[sflag:s26] =	ssyncset.done $0x0  }
0xa1: {  	s1 =	sadd.s32 s30, s9;
	[sflag:s26] =	ssyncadd.s32 $0xFFFFF800  }
0xa2: {  	[spmem:s2] =	stream.indirect.scatter.add.f32 [tilespmem:s25], [sflag:$0x2], $0x10, s1, s13, $0xb8;
	[tilespmem:$0x15B80] =	vst v63  }
0xa3: {  	s29 =	sadd.s32 $0x80, s1  }
0xa4: {  	[spmem:s2] =	stream.indirect.scatter.add.f32 [tilespmem:s25], [sflag:$0x2], $0x10, s29, s13, $0xb8;
	[tilespmem:$0x15B80] =	vst v63  }
0xa5: {  	s31 =	sadd.s32 $0x100, s1  }
0xa6: {  	[spmem:s2] =	stream.indirect.scatter.add.f32 [tilespmem:s25], [sflag:$0x2], $0x10, s31, s13, $0xb8;
	[tilespmem:$0x15B80] =	vst v63  }
0xa7: {  	s30 =	sadd.s32 $0x180, s1  }
0xa8: {  	[spmem:s2] =	stream.indirect.scatter.add.f32 [tilespmem:s25], [sflag:$0x2], $0x10, s30, s13, $0xb8;
	[tilespmem:$0x15B80] =	vst v63  }
0xa9: {  	s31 =	sadd.s32 $0x200, s1  }
0xaa: {  	[spmem:s2] =	stream.indirect.scatter.add.f32 [tilespmem:s25], [sflag:$0x2], $0x10, s31, s13, $0xb8;
	[tilespmem:$0x15B80] =	vst v63  }
0xab: {  	s30 =	sadd.s32 $0x280, s1  }
0xac: {  	[spmem:s2] =	stream.indirect.scatter.add.f32 [tilespmem:s25], [sflag:$0x2], $0x10, s30, s13, $0xb8;
	[tilespmem:$0x15B80] =	vst v63  }
0xad: {  	s31 =	sadd.s32 $0x300, s1  }
0xae: {  	[spmem:s2] =	stream.indirect.scatter.add.f32 [tilespmem:s25], [sflag:$0x2], $0x10, s31, s13, $0xb8;
	[tilespmem:$0x15B80] =	vst v63  }
0xaf: {  	s1 =	sadd.s32 $0x380, s1  }
0xb0: {  	[spmem:s2] =	stream.indirect.scatter.add.f32 [tilespmem:s25], [sflag:$0x2], $0x10, s1, s13, $0xb8;
	[tilespmem:$0x15B80] =	vst v63  }
0xb1: {  	_ =	swait.ge [sflag:s26], $0x800  }
0xb2: {  	[sflag:s26] =	ssyncset.done $0x0  }
0xb3: {  	[sflag:s26] =	ssyncadd.s32 $0xFFFFF800  }
0xb4: {  	_ =	swait.ge [sflag:s26], $0x800  }
0xb5: {  	[sflag:s26] =	ssyncset.done $0x0  }
0xb6: {  	[sflag:s26] =	ssyncadd.s32 $0xFFFFF800  }
0xb7: {  	_ =	swait.ge [sflag:s26], $0x800  }
0xb8: {  	[sflag:s26] =	ssyncset.done $0x0  }
0xb9: {  	[sflag:s26] =	ssyncadd.s32 $0xFFFFF800  }
0xba: {  	_ =	swait.ge [sflag:s26], $0x800  }
0xbb: {  	[sflag:s26] =	ssyncset.done $0x0  }
0xbc: {  	[sflag:s26] =	ssyncadd.s32 $0xFFFFF800  }
0xbd: {  	_ =	swait.ge [sflag:s26], $0x800  }
0xbe: {  	[sflag:s26] =	ssyncset.done $0x0  }
0xbf: {  	[sflag:s26] =	ssyncadd.s32 $0xFFFFF800  }
0xc0: {  	_ =	swait.ge [sflag:s26], $0x800  }
0xc1: {  	[sflag:s26] =	ssyncset.done $0x0  }
0xc2: {  	[sflag:s26] =	ssyncadd.s32 $0xFFFFF800  }
0xc3: {  	_ =	swait.ge [sflag:s26], $0x800  }
0xc4: {  	[sflag:s26] =	ssyncset.done $0x0  }
0xc5: {  	[sflag:s26] =	ssyncadd.s32 $0xFFFFF800  }
0xc6: {  	_ =	swait.ge [sflag:s26], $0x800  }
0xc7: {  	[sflag:s26] =	ssyncset.done $0x0  }
0xc8: {  	[sflag:s26] =	ssyncadd.s32 $0xFFFFF800  }
0xc9: {  	[bflag:$0x0] =	sbarrier.arrive $0xFFFF  }
0xca: {  	[tilespmem:s22], [sflag:$0x3] =	stream.linear.gather [spmem:s7], $0x2800, $0x38;
	[tilespmem:$0x15B80] =	vst v63  }
0xcb: {  	s28 =	sadd.s32 $0x1, s28;
	_ =	swait.ge [sflag:s12], $0x2800  }
0xcc: {  	p1 =	sne.s32 s28, s10;
	[sflag:s12] =	ssyncset.done $0x0  }
.Ltmp3:
0xcd: {  	[sflag:s12] =	ssyncadd.s32 $0xFFFFD800;
	(pc) =	sbr.rel @p1 .LBB2_1-.Ltmp3, $4  }
0xce: {  	[hbm4b:s24+s3] =	stream.linear.scatter [tilespmem:s22], [sflag:$0x3], $0x2800, $0x38;
	[tilespmem:$0x15B80] =	vst v63  }
0xcf: {  	_ =	swait.ge [sflag:s12], $0x2800  }
0xd0: {  	[sflag:s12] =	ssyncset.done $0x0  }
0xd1: {  	[sflag:s12] =	ssyncadd.s32 $0xFFFFD800  }
0xd2: {  	_ =	sfence.sel $0x180000  }
0xd3: {  	[bflag:$0x0] =	sbarrier.arrive $0xFFFF  }
0xd4: {  	_ =	strace $0x9000004A  }
0xd5: {  	[bflag:$0x2] =	sbarrier.arrive $0xFFFF  }
0xd6: {  	s0 =	rddreg [dreg:$0x3]  }
0xd7: {  	s0 =	sadd.s32 @!p0 $0x100000, s0  }
0xd8: {  	[sflag:s0] =	ssyncadd.tile.s32 @!p0 $0x1;
	_ =	shalt  }
.Lfunc_end2:
_tile_overlayer_lowered:
.L_overlay_start_2:
0xd9: {  	(tag) =	ssettag $0x2  }
0xda: {  	s0 =	rddreg [dreg:$0x0];
	s2 =	stileid.u32  }
0xdb: {  	s1 =	rddreg [dreg:$0x1];
	p0 =	sne.s32 s2, $0x0  }
0xdc: {  	s3 =	rddreg [dreg:$0x2];
	[bflag:$0x3] =	sbarrier.arrive $0xFFFF;
	s2 =	simm.s32 @!p0 $0x1C03  }
0xdd: {  	[timem:s3], [sflag:s2] =	dma.local @!p0 [hbm:s0], s1  }
0xde: {  	s0 =	simm.s32 @!p0 $0x3  }
0xdf: {  	_ =	swait.ge @!p0 [sflag:s0], s1  }
0xe0: {  	s1 =	ssub.s32 @!p0 $0x0, s1;
	[sflag:s0] =	ssyncset.done @!p0 $0x0  }
0xe1: {  	[sflag:s0] =	ssyncadd.s32 @!p0 s1  }
0xe2: {  	[bflag:$0x3] =	sbarrier.arrive $0xFFFF  }
0xe3: {  	_ =	shalt  }

</sc_bundles>
